<compile_context>
chip_gen: v7x
topology: tpu7x:2x2x1
jax: 0.10.2.dev20260603
libtpu: 0.0.44.dev20260713+nightly
codegen_flags: <defaults>
</compile_context>

<pallas_src>
import functools
import math

import jax
import jax.numpy as jnp
import numpy as np
from jax import lax
from jax.experimental import pallas as pl
from jax.experimental.pallas import tpu as pltpu
from jax.experimental.pallas import tpu_sc as plsc

N = 10000
E = 160000
IN_DIM = 128
H = 64
D_SCALES = 2

NC = 2
NS = 16
NW = NC * NS

NPAD = 10240
STRIPE = NPAD // NS
CHUNK = 128
NCHUNK = E // CHUNK
KCH = NCHUNK // NW
NBUF = 3


def _beta_wavelet_thetas(d):
    thetas = []
    eval_max = 2.0
    for i in range(d):
        p = np.array([1.0])
        for _ in range(i):
            p = np.polymul(p, np.array([0.5, 0.0]))
        for _ in range(d - i):
            p = np.polymul(p, np.array([-0.5, 1.0]))
        beta = math.gamma(i + 1) * math.gamma(d + 1 - i) / math.gamma(d + 2)
        p = p / (eval_max * beta)
        asc = p[::-1]
        thetas.append([float(asc[j]) for j in range(d)])
    return thetas


_TH = _beta_wavelet_thetas(D_SCALES)
A_U, B_U = _TH[0][0] + _TH[0][1], -_TH[0][1]
A_V, B_V = _TH[1][0] + _TH[1][1], -_TH[1][1]

_SC_MESH = plsc.VectorSubcoreMesh(
    core_axis_name="c", subcore_axis_name="s", num_cores=NC, num_subcores=NS
)
_SC_PARAMS = pltpu.CompilerParams(use_tc_tiling_on_sc=False)
_SC_PARAMS_NL = pltpu.CompilerParams(use_tc_tiling_on_sc=False,
                                     needs_layout_passes=False)


@functools.partial(
    pl.kernel,
    out_type=jax.ShapeDtypeStruct((NC, NPAD, 16), jnp.float32),
    mesh=_SC_MESH,
    scratch_types=[
        pltpu.VMEM((KCH + 1, CHUNK), jnp.int32),
        pltpu.VMEM((CHUNK, 16), jnp.float32),
        pltpu.VMEM_SHARED((NPAD, 16), jnp.float32),
        pltpu.SemaphoreType.DMA,
    ],
    compiler_params=_SC_PARAMS,
)
def _deg_kernel(src_hbm, ones_hbm, zeros_hbm, out_hbm, idx_v, ones_v, deg_sh, sem):
    cid = lax.axis_index("c")
    sid = lax.axis_index("s")
    wid = cid * NS + sid
    start = KCH * wid + jnp.where(wid >= 1, 1, 0) + jnp.where(wid >= NS + 1, 1, 0)
    trips = KCH + jnp.where((wid == 0) | (wid == NS), 1, 0)
    pltpu.sync_copy(zeros_hbm, deg_sh.at[pl.ds(sid * STRIPE, STRIPE)])
    pltpu.sync_copy(src_hbm.at[pl.ds(start, KCH)], idx_v.at[pl.ds(0, KCH)])

    @pl.when((wid == 0) | (wid == NS))
    def _extra():
        pltpu.sync_copy(src_hbm.at[pl.ds(start + KCH, 1)],
                        idx_v.at[pl.ds(KCH, 1)])

    pltpu.sync_copy(ones_hbm, ones_v)
    plsc.subcore_barrier()

    def fire(j, _):
        pltpu.async_copy(ones_v, deg_sh.at[idx_v.at[j]], sem, add=True)
        return 0

    lax.fori_loop(0, trips, fire, 0)

    def drain(j, _):
        pltpu.make_async_copy(ones_v, deg_sh.at[idx_v.at[j]], sem).wait()
        return 0

    lax.fori_loop(0, trips, drain, 0)
    plsc.subcore_barrier()
    pltpu.sync_copy(
        deg_sh.at[pl.ds(sid * STRIPE, STRIPE)],
        out_hbm.at[cid, pl.ds(sid * STRIPE, STRIPE)],
    )


@functools.partial(
    pl.kernel,
    out_type=jax.ShapeDtypeStruct((NC, NPAD, H), jnp.float32),
    mesh=_SC_MESH,
    scratch_types=[
        pltpu.VMEM((KCH + 1, CHUNK), jnp.int32),
        pltpu.VMEM((KCH + 1, CHUNK), jnp.int32),
        [pltpu.VMEM((CHUNK, H), jnp.float32)] * NBUF,
        [pltpu.VMEM((CHUNK, 16), jnp.float32)] * 4,
        pltpu.VMEM_SHARED((NPAD, H), jnp.float32),
        pltpu.VMEM_SHARED((N, H), jnp.float32),
        [pltpu.SemaphoreType.DMA] * NBUF,
        [pltpu.SemaphoreType.DMA] * NBUF,
    ],
    compiler_params=_SC_PARAMS_NL,
)
def _agg_kernel(h_hbm, dp_hbm, src_hbm, dst_hbm, zeros_hbm, out_hbm,
                src_v, dst_v, rows, dbuf, agg_sh, hs_sh,
                semg, sems):
    cid = lax.axis_index("c")
    sid = lax.axis_index("s")
    wid = cid * NS + sid
    srows = N // NS
    start = KCH * wid + jnp.where(wid >= 1, 1, 0) + jnp.where(wid >= NS + 1, 1, 0)
    extra = (wid == 0) | (wid == NS)
    pltpu.sync_copy(zeros_hbm, agg_sh.at[pl.ds(sid * STRIPE, STRIPE)])
    hrows = srows // 5

    def _fire_stage(c, p):
        base = sid * srows + c * hrows
        pltpu.async_copy(h_hbm.at[pl.ds(base, hrows)],
                         rows[p].at[pl.ds(0, hrows)], semg[p])
        pltpu.async_copy(dp_hbm.at[0, pl.ds(base, hrows)],
                         dbuf[2 * p].at[pl.ds(0, hrows)], sems[p])
        pltpu.async_copy(dp_hbm.at[1, pl.ds(base, hrows)],
                         dbuf[2 * p + 1].at[pl.ds(0, hrows)], sems[p])

    _fire_stage(0, 0)
    for c in range(5):
        p = c % 2
        if c < 4:
            _fire_stage(c + 1, 1 - p)
        base = sid * srows + c * hrows
        pltpu.make_async_copy(h_hbm.at[pl.ds(base, hrows)],
                              rows[p].at[pl.ds(0, hrows)], semg[p]).wait()
        pltpu.make_async_copy(dp_hbm.at[0, pl.ds(base, hrows)],
                              dbuf[2 * p].at[pl.ds(0, hrows)], sems[p]).wait()
        pltpu.make_async_copy(dp_hbm.at[1, pl.ds(base, hrows)],
                              dbuf[2 * p + 1].at[pl.ds(0, hrows)], sems[p]).wait()

        def scale(r, _):
            x = 1.0 + dbuf[2 * p][r] + dbuf[2 * p + 1][r]
            i = plsc.bitcast(x, jnp.int32)
            y = plsc.bitcast(0x5F3759DF - lax.shift_right_logical(i, 1),
                             jnp.float32)
            y = y * (1.5 - 0.5 * x * y * y)
            y = y * (1.5 - 0.5 * x * y * y)
            for k in range(H // 16):
                rows[p][r, pl.ds(k * 16, 16)] = rows[p][r, pl.ds(k * 16, 16)] * y
            return 0

        lax.fori_loop(0, hrows, scale, 0)
        pltpu.sync_copy(rows[p].at[pl.ds(0, hrows)],
                        hs_sh.at[pl.ds(base, hrows)])
    pltpu.sync_copy(src_hbm.at[pl.ds(start, KCH)], src_v.at[pl.ds(0, KCH)])
    pltpu.sync_copy(dst_hbm.at[pl.ds(start, KCH)], dst_v.at[pl.ds(0, KCH)])

    @pl.when(extra)
    def _extra_load():
        pltpu.sync_copy(src_hbm.at[pl.ds(start + KCH, 1)],
                        src_v.at[pl.ds(KCH, 1)])
        pltpu.sync_copy(dst_hbm.at[pl.ds(start + KCH, 1)],
                        dst_v.at[pl.ds(KCH, 1)])

    plsc.subcore_barrier()

    def body(g, _):
        for b in range(NBUF):
            j = g * NBUF + b

            @pl.when(g > 0)
            def _drain():
                pltpu.make_async_copy(
                    rows[b], agg_sh.at[dst_v.at[j]], sems[b]).wait()

            pltpu.async_copy(hs_sh.at[src_v.at[j]], rows[b], semg[b])
        for b in range(NBUF):
            j = g * NBUF + b
            pltpu.make_async_copy(hs_sh.at[src_v.at[j]], rows[b], semg[b]).wait()
            pltpu.async_copy(rows[b], agg_sh.at[dst_v.at[j]], sems[b], add=True)
        return 0

    lax.fori_loop(0, KCH // NBUF, body, 0)
    for b in range(NBUF):
        pltpu.make_async_copy(rows[b], agg_sh.at[dst_v.at[b]], sems[b]).wait()

    trips = KCH + jnp.where(extra, 1, 0)

    def tail(j, _):
        pltpu.async_copy(hs_sh.at[src_v.at[j]], rows[0], semg[0])
        pltpu.make_async_copy(hs_sh.at[src_v.at[j]], rows[0], semg[0]).wait()
        pltpu.async_copy(rows[0], agg_sh.at[dst_v.at[j]], sems[0], add=True)
        pltpu.make_async_copy(rows[0], agg_sh.at[dst_v.at[j]], sems[0]).wait()
        return 0

    lax.fori_loop((KCH // NBUF) * NBUF, trips, tail, 0)

    plsc.subcore_barrier()
    pltpu.sync_copy(
        agg_sh.at[pl.ds(sid * STRIPE, STRIPE)],
        out_hbm.at[cid, pl.ds(sid * STRIPE, STRIPE)],
    )


def _h_body(x_ref, w_ref, b_ref, h_ref):
    h = jnp.dot(x_ref[...], w_ref[...], preferred_element_type=jnp.float32)
    h = h + b_ref[...]
    h_ref[...] = jnp.where(h >= 0, h, 0.01 * h)


def _dinv(dp_ref):
    deg = 1.0 + dp_ref[0, :, 0:1] + dp_ref[1, :, 0:1]
    return lax.rsqrt(jnp.maximum(deg, 1.0))


def _combine_body(h_ref, agg_ref, dp_ref, u_ref, v_ref):
    dinv = _dinv(dp_ref)
    h = h_ref[...]
    g = dinv * (agg_ref[0] + agg_ref[1] + h * dinv)
    u_ref[...] = A_U * h + B_U * g
    v_ref[...] = A_V * h + B_V * g


def _recon_body(ui_ref, uj_ref, vi_ref, vj_ref, o0_ref, o1_ref):
    dn = (((1,), (1,)), ((), ()))
    o0_ref[...] = lax.dot_general(ui_ref[...], uj_ref[...], dn,
                                  preferred_element_type=jnp.float32)
    o1_ref[...] = lax.dot_general(vi_ref[...], vj_ref[...], dn,
                                  preferred_element_type=jnp.float32)


_ONES16 = np.ones((CHUNK, 16), np.float32)
_ZEROS16 = np.zeros((STRIPE, 16), np.float32)
_ZEROS64 = np.zeros((STRIPE, H), np.float32)


def kernel(in_feat, W, b, edge_index):
    src_c = edge_index[0].reshape(NCHUNK, CHUNK)
    dst_c = lax.optimization_barrier(edge_index[1].reshape(NCHUNK, CHUNK))

    deg_parts = _deg_kernel(src_c, _ONES16, _ZEROS16)
    dps = deg_parts[:, :, 0:1]

    h = pl.pallas_call(
        _h_body,
        out_shape=jax.ShapeDtypeStruct((N, H), jnp.float32),
    )(in_feat, W, b.reshape(1, H))

    agg_parts = _agg_kernel(h, deg_parts, src_c, dst_c, _ZEROS64)

    bm = 2048
    u, v = pl.pallas_call(
        _combine_body,
        grid=(NPAD // bm,),
        in_specs=[
            pl.BlockSpec((bm, H), lambda i: (i, 0)),
            pl.BlockSpec((NC, bm, H), lambda i: (0, i, 0)),
            pl.BlockSpec((NC, bm, 1), lambda i: (0, i, 0)),
        ],
        out_specs=[
            pl.BlockSpec((bm, H), lambda i: (i, 0)),
            pl.BlockSpec((bm, H), lambda i: (i, 0)),
        ],
        out_shape=[
            jax.ShapeDtypeStruct((N, H), jnp.float32),
            jax.ShapeDtypeStruct((N, H), jnp.float32),
        ],
    )(h, agg_parts, dps)

    bi, bj = 2560, 1280
    o0, o1 = pl.pallas_call(
        _recon_body,
        compiler_params=pltpu.CompilerParams(vmem_limit_bytes=100 * 1024 * 1024),
        grid=(pl.cdiv(N, bi), pl.cdiv(N, bj)),
        in_specs=[
            pl.BlockSpec((bi, H), lambda i, j: (i, 0)),
            pl.BlockSpec((bj, H), lambda i, j: (j, 0)),
            pl.BlockSpec((bi, H), lambda i, j: (i, 0)),
            pl.BlockSpec((bj, H), lambda i, j: (j, 0)),
        ],
        out_specs=[
            pl.BlockSpec((bi, bj), lambda i, j: (i, j)),
            pl.BlockSpec((bi, bj), lambda i, j: (i, j)),
        ],
        out_shape=[
            jax.ShapeDtypeStruct((N, N), jnp.float32),
            jax.ShapeDtypeStruct((N, N), jnp.float32),
        ],
    )(u, u, v, v)
    return (o0, o1)

# --- scband reference (transcript-rebuilt; emitter-appended) ---
"""Pipeline reference for scband-msgad-34282428956756 (READ-ONLY COPY).

The authoritative reference and input builder live on the scoring server;
editing this copy changes nothing except your own understanding.
"""

import jax
import jax.numpy as jnp
import numpy as np
import math

N_NODES = 10000
N_EDGES = 160000
IN_DIM = 128
H_DIM = 64
D_SCALES = 2


def calculate_theta2(d):
    # numpy reimplementation of the sympy/scipy beta-wavelet coefficients
    thetas = []
    eval_max = 2.0
    for i in range(d):
        p = np.array([1.0])
        for _ in range(i):
            p = np.polymul(p, np.array([0.5, 0.0]))      # (x/2)
        for _ in range(d - i):
            p = np.polymul(p, np.array([-0.5, 1.0]))     # (1 - x/2)
        beta = math.gamma(i + 1) * math.gamma(d + 1 - i) / math.gamma(d + 2)
        p = p / (eval_max * beta)
        asc = p[::-1]  # ascending-order coefficients c0..cd
        # original code keeps only coefficients of x^0..x^{d-1}
        thetas.append([float(asc[j]) for j in range(d)])
    return thetas

THETAS = calculate_theta2(D_SCALES)


def setup_inputs(seed: int = 0) -> dict:
    key = jax.random.key(seed)
    k1, k2, k3 = jax.random.split(key, 3)
    in_feat = jax.random.normal(k1, (N_NODES, IN_DIM), dtype=jnp.float32)
    edge_index = jax.random.randint(k2, (2, N_EDGES), 0, N_NODES, dtype=jnp.int32)
    W = jax.random.normal(k3, (IN_DIM, H_DIM), dtype=jnp.float32) * (1.0 / math.sqrt(IN_DIM))
    b = jnp.zeros((H_DIM,), dtype=jnp.float32)
    return {"in_feat": in_feat, "W": W, "b": b, "edge_index": edge_index}


def reference(in_feat, W, b, edge_index):
    N = in_feat.shape[0]
    # linear + LeakyReLU
    h = in_feat @ W + b
    h = jnp.where(h >= 0, h, 0.01 * h)
    # add self loops (dgl.add_self_loop)
    loop = jnp.arange(N, dtype=edge_index.dtype)
    src = jnp.concatenate([edge_index[0], loop])
    dst = jnp.concatenate([edge_index[1], loop])
    # out-degrees on the self-looped graph
    deg = jnp.zeros((N,), dtype=jnp.float32).at[src].add(1.0)
    D_invsqrt = jnp.power(jnp.clip(deg, 1.0, None), -0.5)[:, None]
    recons = []
    for theta in THETAS:
        feat = h
        acc = theta[0] * feat
        for k in range(1, len(theta)):
            # unnormalized Laplacian step: feat - D^{-1/2} A (D^{-1/2} feat)
            m = (feat * D_invsqrt)[src]
            agg = jnp.zeros_like(feat).at[dst].add(m)
            feat = feat - agg * D_invsqrt
            acc = acc + theta[k] * feat
        recons.append(acc @ acc.T)
    return tuple(recons)

if __name__ == "__main__":
    import jax
    _d = setup_inputs()
    print(jax.jit(kernel)(*tuple(_d.values())))

</pallas_src>

<mosaic_0001>
#map = affine_map<(d0, d1) -> (0, 0)>
#map1 = affine_map<(d0, d1) -> (0, 0, 0)>
module attributes {stable_mosaic.version = 14 : i64} {
  func.func @_deg_kernel(%arg0: i32, %arg1: i32, %arg2: memref<1250x128xi32, #tpu.memory_space<hbm>>, %arg3: memref<128x16xf32, #tpu.memory_space<hbm>>, %arg4: memref<640x16xf32, #tpu.memory_space<hbm>>, %arg5: memref<2x10240x16xf32, #tpu.memory_space<hbm>>, %arg6: memref<40x128xi32, #tpu.memory_space<vmem>>, %arg7: memref<128x16xf32, #tpu.memory_space<vmem>>, %arg8: memref<10240x16xf32, #tpu.memory_space<vmem_shared>>, %arg9: memref<!tpu.dma_semaphore, #tpu.memory_space<semaphore_mem>>) attributes {dimension_semantics = [#tpu.dimension_semantics<core_parallel>, #tpu.dimension_semantics<subcore_parallel>], iteration_bounds = array<i64: 2, 16>, scalar_prefetch = 0 : i64, scratch_operands = 4 : i64, tpu.core_type = #tpu.core_type<sc_vector_subcore>, window_params = [{transform_indices = #map}, {transform_indices = #map}, {transform_indices = #map}, {transform_indices = #map1}]} {
    %mul3A = arith.constant 16 : i32
    %mul3A_0 = arith.muli %arg0, %mul3A : i32
    %add3A = arith.addi %mul3A_0, %arg1 : i32
    %mul3A_1 = arith.constant 39 : i32
    %mul3A_2 = arith.muli %mul3A_1, %add3A : i32
    %ge3A = arith.constant 1 : i32
    %ge3A_3 = arith.cmpi sge, %add3A, %ge3A : i32
    %jit3A = arith.constant 1 : i32
    %jit3A_4 = arith.constant 0 : i32
    %select_n3A = arith.select %ge3A_3, %jit3A, %jit3A_4 : i32
    %add3A_5 = arith.addi %mul3A_2, %select_n3A : i32
    %ge3A_6 = arith.constant 17 : i32
    %ge3A_7 = arith.cmpi sge, %add3A, %ge3A_6 : i32
    %jit3A_8 = arith.constant 1 : i32
    %jit3A_9 = arith.constant 0 : i32
    %select_n3A_10 = arith.select %ge3A_7, %jit3A_8, %jit3A_9 : i32
    %add3A_11 = arith.addi %add3A_5, %select_n3A_10 : i32
    %eq3A = arith.constant 0 : i32
    %eq3A_12 = arith.cmpi eq, %add3A, %eq3A : i32
    %eq3A_13 = arith.constant 16 : i32
    %eq3A_14 = arith.cmpi eq, %add3A, %eq3A_13 : i32
    %or3A = arith.ori %eq3A_12, %eq3A_14 : i1
    %jit3A_15 = arith.constant 1 : i32
    %jit3A_16 = arith.constant 0 : i32
    %select_n3A_17 = arith.select %or3A, %jit3A_15, %jit3A_16 : i32
    %add3A_18 = arith.constant 39 : i32
    %add3A_19 = arith.addi %add3A_18, %select_n3A_17 : i32
    %mul3A_20 = arith.constant 640 : i32
    %mul3A_21 = arith.muli %arg1, %mul3A_20 : i32
    "tpu.region"() ({
      %run_scoped3A = tpu.sem_alloc : memref<!tpu.dma_semaphore, #tpu.memory_space<semaphore_mem>>
      %dma_start3A = arith.constant 0 : i32
      %dma_start3A_56 = tpu.memref_slice %arg8[%mul3A_21, %dma_start3A] : memref<10240x16xf32, #tpu.memory_space<vmem_shared>> -> memref<640x16xf32, #tpu.memory_space<vmem_shared>>
      tpu.enqueue_dma source(%arg4 : memref<640x16xf32, #tpu.memory_space<hbm>>) target(%dma_start3A_56 : memref<640x16xf32, #tpu.memory_space<vmem_shared>>) target_semaphore(%run_scoped3A : memref<!tpu.dma_semaphore, #tpu.memory_space<semaphore_mem>>)
      %dma_wait3A = arith.constant 0 : i32
      %dma_wait3A_57 = tpu.memref_slice %arg8[%mul3A_21, %dma_wait3A] : memref<10240x16xf32, #tpu.memory_space<vmem_shared>> -> memref<640x16xf32, #tpu.memory_space<vmem_shared>>
      tpu.wait_dma2 semaphore(%run_scoped3A : memref<!tpu.dma_semaphore, #tpu.memory_space<semaphore_mem>>) src(%arg4 : memref<640x16xf32, #tpu.memory_space<hbm>>) dst(%dma_wait3A_57 : memref<640x16xf32, #tpu.memory_space<vmem_shared>>)
      tpu.yield
    }) : () -> ()
    "tpu.region"() ({
      %run_scoped3A = tpu.sem_alloc : memref<!tpu.dma_semaphore, #tpu.memory_space<semaphore_mem>>
      %dma_start3A = arith.constant 0 : i32
      %dma_start3A_56 = arith.constant 0 : i32
      %dma_start3A_57 = tpu.memref_slice %arg6[%dma_start3A, %dma_start3A_56] : memref<40x128xi32, #tpu.memory_space<vmem>> -> memref<39x128xi32, #tpu.memory_space<vmem>>
      %dma_start3A_58 = arith.constant 0 : i32
      %dma_start3A_59 = tpu.memref_slice %arg2[%add3A_11, %dma_start3A_58] : memref<1250x128xi32, #tpu.memory_space<hbm>> -> memref<39x128xi32, #tpu.memory_space<hbm>>
      %dma_start3A_60 = arith.constant 0 : i32
      %dma_start3A_61 = arith.constant 0 : i32
      %dma_start3A_62 = tpu.memref_slice %arg6[%dma_start3A_60, %dma_start3A_61] : memref<40x128xi32, #tpu.memory_space<vmem>> -> memref<39x128xi32, #tpu.memory_space<vmem>>
      %dma_start3A_63 = arith.constant 0 : i32
      %dma_start3A_64 = tpu.memref_slice %arg2[%add3A_11, %dma_start3A_63] : memref<1250x128xi32, #tpu.memory_space<hbm>> -> memref<39x128xi32, #tpu.memory_space<hbm>>
      tpu.enqueue_dma source(%dma_start3A_64 : memref<39x128xi32, #tpu.memory_space<hbm>>) target(%dma_start3A_62 : memref<39x128xi32, #tpu.memory_space<vmem>>) target_semaphore(%run_scoped3A : memref<!tpu.dma_semaphore, #tpu.memory_space<semaphore_mem>>)
      %dma_wait3A = arith.constant 0 : i32
      %dma_wait3A_65 = arith.constant 0 : i32
      %dma_wait3A_66 = tpu.memref_slice %arg6[%dma_wait3A, %dma_wait3A_65] : memref<40x128xi32, #tpu.memory_space<vmem>> -> memref<39x128xi32, #tpu.memory_space<vmem>>
      %dma_wait3A_67 = arith.constant 0 : i32
      %dma_wait3A_68 = tpu.memref_slice %arg2[%add3A_11, %dma_wait3A_67] : memref<1250x128xi32, #tpu.memory_space<hbm>> -> memref<39x128xi32, #tpu.memory_space<hbm>>
      %dma_wait3A_69 = arith.constant 0 : i32
      %dma_wait3A_70 = arith.constant 0 : i32
      %dma_wait3A_71 = tpu.memref_slice %arg6[%dma_wait3A_69, %dma_wait3A_70] : memref<40x128xi32, #tpu.memory_space<vmem>> -> memref<39x128xi32, #tpu.memory_space<vmem>>
      %dma_wait3A_72 = arith.constant 0 : i32
      %dma_wait3A_73 = tpu.memref_slice %arg2[%add3A_11, %dma_wait3A_72] : memref<1250x128xi32, #tpu.memory_space<hbm>> -> memref<39x128xi32, #tpu.memory_space<hbm>>
      tpu.wait_dma2 semaphore(%run_scoped3A : memref<!tpu.dma_semaphore, #tpu.memory_space<semaphore_mem>>) src(%dma_wait3A_73 : memref<39x128xi32, #tpu.memory_space<hbm>>) dst(%dma_wait3A_71 : memref<39x128xi32, #tpu.memory_space<vmem>>)
      tpu.yield
    }) : () -> ()
    %eq3A_22 = arith.constant 0 : i32
    %eq3A_23 = arith.cmpi eq, %add3A, %eq3A_22 : i32
    %eq3A_24 = arith.constant 16 : i32
    %eq3A_25 = arith.cmpi eq, %add3A, %eq3A_24 : i32
    %or3A_26 = arith.ori %eq3A_23, %eq3A_25 : i1
    %convert_element_type3A = arith.extui %or3A_26 : i1 to i32
    %cond3A = arith.constant 0 : i32
    %cond3A_27 = arith.cmpi ne, %convert_element_type3A, %cond3A : i32
    scf.if %cond3A_27 {
      %add3A_56 = arith.constant 39 : i32
      %add3A_57 = arith.addi %add3A_11, %add3A_56 : i32
      "tpu.region"() ({
        %run_scoped3A = tpu.sem_alloc : memref<!tpu.dma_semaphore, #tpu.memory_space<semaphore_mem>>
        %dma_start3A = arith.constant 39 : i32
        %dma_start3A_58 = arith.constant 0 : i32
        %dma_start3A_59 = tpu.memref_slice %arg6[%dma_start3A, %dma_start3A_58] : memref<40x128xi32, #tpu.memory_space<vmem>> -> memref<1x128xi32, #tpu.memory_space<vmem>>
        %dma_start3A_60 = arith.constant 0 : i32
        %dma_start3A_61 = tpu.memref_slice %arg2[%add3A_57, %dma_start3A_60] : memref<1250x128xi32, #tpu.memory_space<hbm>> -> memref<1x128xi32, #tpu.memory_space<hbm>>
        %dma_start3A_62 = arith.constant 39 : i32
        %dma_start3A_63 = arith.constant 0 : i32
        %dma_start3A_64 = tpu.memref_slice %arg6[%dma_start3A_62, %dma_start3A_63] : memref<40x128xi32, #tpu.memory_space<vmem>> -> memref<1x128xi32, #tpu.memory_space<vmem>>
        %dma_start3A_65 = arith.constant 0 : i32
        %dma_start3A_66 = tpu.memref_slice %arg2[%add3A_57, %dma_start3A_65] : memref<1250x128xi32, #tpu.memory_space<hbm>> -> memref<1x128xi32, #tpu.memory_space<hbm>>
        tpu.enqueue_dma source(%dma_start3A_66 : memref<1x128xi32, #tpu.memory_space<hbm>>) target(%dma_start3A_64 : memref<1x128xi32, #tpu.memory_space<vmem>>) target_semaphore(%run_scoped3A : memref<!tpu.dma_semaphore, #tpu.memory_space<semaphore_mem>>)
        %dma_wait3A = arith.constant 39 : i32
        %dma_wait3A_67 = arith.constant 0 : i32
        %dma_wait3A_68 = tpu.memref_slice %arg6[%dma_wait3A, %dma_wait3A_67] : memref<40x128xi32, #tpu.memory_space<vmem>> -> memref<1x128xi32, #tpu.memory_space<vmem>>
        %dma_wait3A_69 = arith.constant 0 : i32
        %dma_wait3A_70 = tpu.memref_slice %arg2[%add3A_57, %dma_wait3A_69] : memref<1250x128xi32, #tpu.memory_space<hbm>> -> memref<1x128xi32, #tpu.memory_space<hbm>>
        %dma_wait3A_71 = arith.constant 39 : i32
        %dma_wait3A_72 = arith.constant 0 : i32
        %dma_wait3A_73 = tpu.memref_slice %arg6[%dma_wait3A_71, %dma_wait3A_72] : memref<40x128xi32, #tpu.memory_space<vmem>> -> memref<1x128xi32, #tpu.memory_space<vmem>>
        %dma_wait3A_74 = arith.constant 0 : i32
        %dma_wait3A_75 = tpu.memref_slice %arg2[%add3A_57, %dma_wait3A_74] : memref<1250x128xi32, #tpu.memory_space<hbm>> -> memref<1x128xi32, #tpu.memory_space<hbm>>
        tpu.wait_dma2 semaphore(%run_scoped3A : memref<!tpu.dma_semaphore, #tpu.memory_space<semaphore_mem>>) src(%dma_wait3A_75 : memref<1x128xi32, #tpu.memory_space<hbm>>) dst(%dma_wait3A_73 : memref<1x128xi32, #tpu.memory_space<vmem>>)
        tpu.yield
      }) : () -> ()
    } else {
    }
    "tpu.region"() ({
      %run_scoped3A = tpu.sem_alloc : memref<!tpu.dma_semaphore, #tpu.memory_space<semaphore_mem>>
      tpu.enqueue_dma source(%arg3 : memref<128x16xf32, #tpu.memory_space<hbm>>) target(%arg7 : memref<128x16xf32, #tpu.memory_space<vmem>>) target_semaphore(%run_scoped3A : memref<!tpu.dma_semaphore, #tpu.memory_space<semaphore_mem>>)
      tpu.wait_dma2 semaphore(%run_scoped3A : memref<!tpu.dma_semaphore, #tpu.memory_space<semaphore_mem>>) src(%arg3 : memref<128x16xf32, #tpu.memory_space<hbm>>) dst(%arg7 : memref<128x16xf32, #tpu.memory_space<vmem>>)
      tpu.yield
    }) : () -> ()
    %barrier3A = arith.constant 0 : index
    tpu.barrier barrier_id(%barrier3A)
    %while3A = arith.constant 0 : i32
    %while3A_28 = arith.constant 0 : i32
    %while3A_29 = arith.subi %add3A_19, %while3A : i32
    %while3A_30 = arith.addi %while3A, %while3A_29 : i32
    %while3A_31 = arith.constant 1 : i32
    %while3A_32 = arith.divsi %while3A_29, %while3A_31 : i32
    %while3A_33 = arith.muli %while3A_32, %while3A_31 : i32
    %while3A_34 = arith.addi %while3A, %while3A_33 : i32
    %while3A_35 = arith.constant 1 : i32
    %while3A_36 = scf.for %while3A_56 = %while3A to %while3A_34 step %while3A_35 iter_args(%while3A_57 = %while3A_28) -> (i32)  : i32 {
      %dma_start3A = arith.constant 0 : i32
      %dma_start3A_58 = tpu.memref_slice %arg6[%while3A_56, %dma_start3A] : memref<40x128xi32, #tpu.memory_space<vmem>> -> memref<1x128xi32, #tpu.memory_space<vmem>>
      %dma_start3A_59 = tpu.memref_squeeze %dma_start3A_58 : memref<1x128xi32, #tpu.memory_space<vmem>> -> memref<128xi32, #tpu.memory_space<vmem>>
      %dma_start3A_60 = arith.constant 0 : i32
      %dma_start3A_61 = arith.constant 0 : i32
      %dma_start3A_62 = tpu.memref_slice %arg8[%dma_start3A_60, %dma_start3A_61] : memref<10240x16xf32, #tpu.memory_space<vmem_shared>> -> memref<10240x16xf32, #tpu.memory_space<vmem_shared>>
      tpu.enqueue_indirect_dma source(%arg7 : memref<128x16xf32, #tpu.memory_space<vmem>>) target(%dma_start3A_62 : memref<10240x16xf32, #tpu.memory_space<vmem_shared>>) offsets(%dma_start3A_59 : memref<128xi32, #tpu.memory_space<vmem>>) semaphore(%arg9 : memref<!tpu.dma_semaphore, #tpu.memory_space<semaphore_mem>>) {add = true}
      %while3A_63 = arith.constant 0 : i32
      scf.yield %while3A_63 : i32
    }
    %while3A_37 = arith.constant 1 : i32
    %while3A_38 = scf.for %while3A_56 = %while3A_34 to %while3A_30 step %while3A_37 iter_args(%while3A_57 = %while3A_36) -> (i32)  : i32 {
      %dma_start3A = arith.constant 0 : i32
      %dma_start3A_58 = tpu.memref_slice %arg6[%while3A_56, %dma_start3A] : memref<40x128xi32, #tpu.memory_space<vmem>> -> memref<1x128xi32, #tpu.memory_space<vmem>>
      %dma_start3A_59 = tpu.memref_squeeze %dma_start3A_58 : memref<1x128xi32, #tpu.memory_space<vmem>> -> memref<128xi32, #tpu.memory_space<vmem>>
      %dma_start3A_60 = arith.constant 0 : i32
      %dma_start3A_61 = arith.constant 0 : i32
      %dma_start3A_62 = tpu.memref_slice %arg8[%dma_start3A_60, %dma_start3A_61] : memref<10240x16xf32, #tpu.memory_space<vmem_shared>> -> memref<10240x16xf32, #tpu.memory_space<vmem_shared>>
      tpu.enqueue_indirect_dma source(%arg7 : memref<128x16xf32, #tpu.memory_space<vmem>>) target(%dma_start3A_62 : memref<10240x16xf32, #tpu.memory_space<vmem_shared>>) offsets(%dma_start3A_59 : memref<128xi32, #tpu.memory_space<vmem>>) semaphore(%arg9 : memref<!tpu.dma_semaphore, #tpu.memory_space<semaphore_mem>>) {add = true}
      %while3A_63 = arith.constant 0 : i32
      scf.yield %while3A_63 : i32
    }
    %while3A_39 = arith.constant 0 : i32
    %while3A_40 = arith.constant 0 : i32
    %while3A_41 = arith.subi %add3A_19, %while3A_39 : i32
    %while3A_42 = arith.addi %while3A_39, %while3A_41 : i32
    %while3A_43 = arith.constant 1 : i32
    %while3A_44 = arith.divsi %while3A_41, %while3A_43 : i32
    %while3A_45 = arith.muli %while3A_44, %while3A_43 : i32
    %while3A_46 = arith.addi %while3A_39, %while3A_45 : i32
    %while3A_47 = arith.constant 1 : i32
    %while3A_48 = scf.for %while3A_56 = %while3A_39 to %while3A_46 step %while3A_47 iter_args(%while3A_57 = %while3A_40) -> (i32)  : i32 {
      %dma_wait3A = arith.constant 0 : i32
      %dma_wait3A_58 = tpu.memref_slice %arg6[%while3A_56, %dma_wait3A] : memref<40x128xi32, #tpu.memory_space<vmem>> -> memref<1x128xi32, #tpu.memory_space<vmem>>
      %dma_wait3A_59 = tpu.memref_squeeze %dma_wait3A_58 : memref<1x128xi32, #tpu.memory_space<vmem>> -> memref<128xi32, #tpu.memory_space<vmem>>
      %dma_wait3A_60 = arith.constant 0 : i32
      %dma_wait3A_61 = arith.constant 0 : i32
      %dma_wait3A_62 = tpu.memref_slice %arg8[%dma_wait3A_60, %dma_wait3A_61] : memref<10240x16xf32, #tpu.memory_space<vmem_shared>> -> memref<10240x16xf32, #tpu.memory_space<vmem_shared>>
      tpu.wait_indirect_dma semaphore(%arg9 : memref<!tpu.dma_semaphore, #tpu.memory_space<semaphore_mem>>) src(%arg7 : memref<128x16xf32, #tpu.memory_space<vmem>>) dst(%dma_wait3A_62 : memref<10240x16xf32, #tpu.memory_space<vmem_shared>>)
      %while3A_63 = arith.constant 0 : i32
      scf.yield %while3A_63 : i32
    }
    %while3A_49 = arith.constant 1 : i32
    %while3A_50 = scf.for %while3A_56 = %while3A_46 to %while3A_42 step %while3A_49 iter_args(%while3A_57 = %while3A_48) -> (i32)  : i32 {
      %dma_wait3A = arith.constant 0 : i32
      %dma_wait3A_58 = tpu.memref_slice %arg6[%while3A_56, %dma_wait3A] : memref<40x128xi32, #tpu.memory_space<vmem>> -> memref<1x128xi32, #tpu.memory_space<vmem>>
      %dma_wait3A_59 = tpu.memref_squeeze %dma_wait3A_58 : memref<1x128xi32, #tpu.memory_space<vmem>> -> memref<128xi32, #tpu.memory_space<vmem>>
      %dma_wait3A_60 = arith.constant 0 : i32
      %dma_wait3A_61 = arith.constant 0 : i32
      %dma_wait3A_62 = tpu.memref_slice %arg8[%dma_wait3A_60, %dma_wait3A_61] : memref<10240x16xf32, #tpu.memory_space<vmem_shared>> -> memref<10240x16xf32, #tpu.memory_space<vmem_shared>>
      tpu.wait_indirect_dma semaphore(%arg9 : memref<!tpu.dma_semaphore, #tpu.memory_space<semaphore_mem>>) src(%arg7 : memref<128x16xf32, #tpu.memory_space<vmem>>) dst(%dma_wait3A_62 : memref<10240x16xf32, #tpu.memory_space<vmem_shared>>)
      %while3A_63 = arith.constant 0 : i32
      scf.yield %while3A_63 : i32
    }
    %barrier3A_51 = arith.constant 0 : index
    tpu.barrier barrier_id(%barrier3A_51)
    %mul3A_52 = arith.constant 640 : i32
    %mul3A_53 = arith.muli %arg1, %mul3A_52 : i32
    %mul3A_54 = arith.constant 640 : i32
    %mul3A_55 = arith.muli %arg1, %mul3A_54 : i32
    "tpu.region"() ({
      %run_scoped3A = tpu.sem_alloc : memref<!tpu.dma_semaphore, #tpu.memory_space<semaphore_mem>>
      %dma_start3A = arith.constant 0 : i32
      %dma_start3A_56 = tpu.memref_slice %arg5[%arg0, %mul3A_55, %dma_start3A] : memref<2x10240x16xf32, #tpu.memory_space<hbm>> -> memref<1x640x16xf32, #tpu.memory_space<hbm>>
      %dma_start3A_57 = tpu.memref_squeeze %dma_start3A_56 : memref<1x640x16xf32, #tpu.memory_space<hbm>> -> memref<640x16xf32, #tpu.memory_space<hbm>>
      %dma_start3A_58 = arith.constant 0 : i32
      %dma_start3A_59 = tpu.memref_slice %arg8[%mul3A_53, %dma_start3A_58] : memref<10240x16xf32, #tpu.memory_space<vmem_shared>> -> memref<640x16xf32, #tpu.memory_space<vmem_shared>>
      tpu.enqueue_dma source(%dma_start3A_59 : memref<640x16xf32, #tpu.memory_space<vmem_shared>>) target(%dma_start3A_57 : memref<640x16xf32, #tpu.memory_space<hbm>>) target_semaphore(%run_scoped3A : memref<!tpu.dma_semaphore, #tpu.memory_space<semaphore_mem>>)
      %dma_wait3A = arith.constant 0 : i32
      %dma_wait3A_60 = tpu.memref_slice %arg5[%arg0, %mul3A_55, %dma_wait3A] : memref<2x10240x16xf32, #tpu.memory_space<hbm>> -> memref<1x640x16xf32, #tpu.memory_space<hbm>>
      %dma_wait3A_61 = tpu.memref_squeeze %dma_wait3A_60 : memref<1x640x16xf32, #tpu.memory_space<hbm>> -> memref<640x16xf32, #tpu.memory_space<hbm>>
      %dma_wait3A_62 = arith.constant 0 : i32
      %dma_wait3A_63 = tpu.memref_slice %arg8[%mul3A_53, %dma_wait3A_62] : memref<10240x16xf32, #tpu.memory_space<vmem_shared>> -> memref<640x16xf32, #tpu.memory_space<vmem_shared>>
      tpu.wait_dma2 semaphore(%run_scoped3A : memref<!tpu.dma_semaphore, #tpu.memory_space<semaphore_mem>>) src(%dma_wait3A_63 : memref<640x16xf32, #tpu.memory_space<vmem_shared>>) dst(%dma_wait3A_61 : memref<640x16xf32, #tpu.memory_space<hbm>>)
      tpu.yield
    }) : () -> ()
    return
  }
}

#map = affine_map<(d0, d1) -> (0, 0)>
#map1 = affine_map<(d0, d1) -> (0, 0, 0)>
module attributes {stable_mosaic.version = 14 : i64} {
  func.func @_agg_kernel(%arg0: i32, %arg1: i32, %arg2: memref<10000x64xf32, #tpu.memory_space<hbm>>, %arg3: memref<2x10240x16xf32, #tpu.memory_space<hbm>>, %arg4: memref<1250x128xi32, #tpu.memory_space<hbm>>, %arg5: memref<1250x128xi32, #tpu.memory_space<hbm>>, %arg6: memref<640x64xf32, #tpu.memory_space<hbm>>, %arg7: memref<2x10240x64xf32, #tpu.memory_space<hbm>>, %arg8: memref<40x128xi32, #tpu.memory_space<vmem>>, %arg9: memref<40x128xi32, #tpu.memory_space<vmem>>, %arg10: memref<128x64xf32, #tpu.memory_space<vmem>>, %arg11: memref<128x64xf32, #tpu.memory_space<vmem>>, %arg12: memref<128x64xf32, #tpu.memory_space<vmem>>, %arg13: memref<128x16xf32, #tpu.memory_space<vmem>>, %arg14: memref<128x16xf32, #tpu.memory_space<vmem>>, %arg15: memref<128x16xf32, #tpu.memory_space<vmem>>, %arg16: memref<128x16xf32, #tpu.memory_space<vmem>>, %arg17: memref<10240x64xf32, #tpu.memory_space<vmem_shared>>, %arg18: memref<10000x64xf32, #tpu.memory_space<vmem_shared>>, %arg19: memref<!tpu.dma_semaphore, #tpu.memory_space<semaphore_mem>>, %arg20: memref<!tpu.dma_semaphore, #tpu.memory_space<semaphore_mem>>, %arg21: memref<!tpu.dma_semaphore, #tpu.memory_space<semaphore_mem>>, %arg22: memref<!tpu.dma_semaphore, #tpu.memory_space<semaphore_mem>>, %arg23: memref<!tpu.dma_semaphore, #tpu.memory_space<semaphore_mem>>, %arg24: memref<!tpu.dma_semaphore, #tpu.memory_space<semaphore_mem>>) attributes {dimension_semantics = [#tpu.dimension_semantics<core_parallel>, #tpu.dimension_semantics<subcore_parallel>], iteration_bounds = array<i64: 2, 16>, scalar_prefetch = 0 : i64, scratch_operands = 17 : i64, tpu.core_type = #tpu.core_type<sc_vector_subcore>, window_params = [{transform_indices = #map}, {transform_indices = #map1}, {transform_indices = #map}, {transform_indices = #map}, {transform_indices = #map}, {transform_indices = #map1}]} {
    %mul3A = arith.constant 16 : i32
    %mul3A_0 = arith.muli %arg0, %mul3A : i32
    %add3A = arith.addi %mul3A_0, %arg1 : i32
    %mul3A_1 = arith.constant 39 : i32
    %mul3A_2 = arith.muli %mul3A_1, %add3A : i32
    %ge3A = arith.constant 1 : i32
    %ge3A_3 = arith.cmpi sge, %add3A, %ge3A : i32
    %jit3A = arith.constant 1 : i32
    %jit3A_4 = arith.constant 0 : i32
    %select_n3A = arith.select %ge3A_3, %jit3A, %jit3A_4 : i32
    %add3A_5 = arith.addi %mul3A_2, %select_n3A : i32
    %ge3A_6 = arith.constant 17 : i32
    %ge3A_7 = arith.cmpi sge, %add3A, %ge3A_6 : i32
    %jit3A_8 = arith.constant 1 : i32
    %jit3A_9 = arith.constant 0 : i32
    %select_n3A_10 = arith.select %ge3A_7, %jit3A_8, %jit3A_9 : i32
    %add3A_11 = arith.addi %add3A_5, %select_n3A_10 : i32
    %eq3A = arith.constant 0 : i32
    %eq3A_12 = arith.cmpi eq, %add3A, %eq3A : i32
    %eq3A_13 = arith.constant 16 : i32
    %eq3A_14 = arith.cmpi eq, %add3A, %eq3A_13 : i32
    %or3A = arith.ori %eq3A_12, %eq3A_14 : i1
    %mul3A_15 = arith.constant 640 : i32
    %mul3A_16 = arith.muli %arg1, %mul3A_15 : i32
    "tpu.region"() ({
      %run_scoped3A = tpu.sem_alloc : memref<!tpu.dma_semaphore, #tpu.memory_space<semaphore_mem>>
      %dma_start3A_499 = arith.constant 0 : i32
      %dma_start3A_500 = tpu.memref_slice %arg17[%mul3A_16, %dma_start3A_499] : memref<10240x64xf32, #tpu.memory_space<vmem_shared>> -> memref<640x64xf32, #tpu.memory_space<vmem_shared>>
      tpu.enqueue_dma source(%arg6 : memref<640x64xf32, #tpu.memory_space<hbm>>) target(%dma_start3A_500 : memref<640x64xf32, #tpu.memory_space<vmem_shared>>) target_semaphore(%run_scoped3A : memref<!tpu.dma_semaphore, #tpu.memory_space<semaphore_mem>>)
      %dma_wait3A_501 = arith.constant 0 : i32
      %dma_wait3A_502 = tpu.memref_slice %arg17[%mul3A_16, %dma_wait3A_501] : memref<10240x64xf32, #tpu.memory_space<vmem_shared>> -> memref<640x64xf32, #tpu.memory_space<vmem_shared>>
      tpu.wait_dma2 semaphore(%run_scoped3A : memref<!tpu.dma_semaphore, #tpu.memory_space<semaphore_mem>>) src(%arg6 : memref<640x64xf32, #tpu.memory_space<hbm>>) dst(%dma_wait3A_502 : memref<640x64xf32, #tpu.memory_space<vmem_shared>>)
      tpu.yield
    }) : () -> ()
    %mul3A_17 = arith.constant 625 : i32
    %mul3A_18 = arith.muli %arg1, %mul3A_17 : i32
    %add3A_19 = arith.constant 0 : i32
    %add3A_20 = arith.addi %mul3A_18, %add3A_19 : i32
    %dma_start3A = arith.constant 0 : i32
    %dma_start3A_21 = arith.constant 0 : i32
    %dma_start3A_22 = tpu.memref_slice %arg10[%dma_start3A, %dma_start3A_21] : memref<128x64xf32, #tpu.memory_space<vmem>> -> memref<125x64xf32, #tpu.memory_space<vmem>>
    %dma_start3A_23 = arith.constant 0 : i32
    %dma_start3A_24 = tpu.memref_slice %arg2[%add3A_20, %dma_start3A_23] : memref<10000x64xf32, #tpu.memory_space<hbm>> -> memref<125x64xf32, #tpu.memory_space<hbm>>
    %dma_start3A_25 = arith.constant 0 : i32
    %dma_start3A_26 = arith.constant 0 : i32
    %dma_start3A_27 = tpu.memref_slice %arg10[%dma_start3A_25, %dma_start3A_26] : memref<128x64xf32, #tpu.memory_space<vmem>> -> memref<125x64xf32, #tpu.memory_space<vmem>>
    %dma_start3A_28 = arith.constant 0 : i32
    %dma_start3A_29 = tpu.memref_slice %arg2[%add3A_20, %dma_start3A_28] : memref<10000x64xf32, #tpu.memory_space<hbm>> -> memref<125x64xf32, #tpu.memory_space<hbm>>
    tpu.enqueue_dma source(%dma_start3A_29 : memref<125x64xf32, #tpu.memory_space<hbm>>) target(%dma_start3A_27 : memref<125x64xf32, #tpu.memory_space<vmem>>) target_semaphore(%arg19 : memref<!tpu.dma_semaphore, #tpu.memory_space<semaphore_mem>>)
    %dma_start3A_30 = arith.constant 0 : i32
    %dma_start3A_31 = arith.constant 0 : i32
    %dma_start3A_32 = arith.constant 0 : i32
    %dma_start3A_33 = tpu.memref_slice %arg13[%dma_start3A_31, %dma_start3A_32] : memref<128x16xf32, #tpu.memory_space<vmem>> -> memref<125x16xf32, #tpu.memory_space<vmem>>
    %dma_start3A_34 = arith.constant 0 : i32
    %dma_start3A_35 = tpu.memref_slice %arg3[%dma_start3A_30, %add3A_20, %dma_start3A_34] : memref<2x10240x16xf32, #tpu.memory_space<hbm>> -> memref<1x125x16xf32, #tpu.memory_space<hbm>>
    %dma_start3A_36 = tpu.memref_squeeze %dma_start3A_35 : memref<1x125x16xf32, #tpu.memory_space<hbm>> -> memref<125x16xf32, #tpu.memory_space<hbm>>
    %dma_start3A_37 = arith.constant 0 : i32
    %dma_start3A_38 = arith.constant 0 : i32
    %dma_start3A_39 = tpu.memref_slice %arg13[%dma_start3A_37, %dma_start3A_38] : memref<128x16xf32, #tpu.memory_space<vmem>> -> memref<125x16xf32, #tpu.memory_space<vmem>>
    %dma_start3A_40 = arith.constant 0 : i32
    %dma_start3A_41 = tpu.memref_slice %arg3[%dma_start3A_30, %add3A_20, %dma_start3A_40] : memref<2x10240x16xf32, #tpu.memory_space<hbm>> -> memref<1x125x16xf32, #tpu.memory_space<hbm>>
    %dma_start3A_42 = tpu.memref_squeeze %dma_start3A_41 : memref<1x125x16xf32, #tpu.memory_space<hbm>> -> memref<125x16xf32, #tpu.memory_space<hbm>>
    tpu.enqueue_dma source(%dma_start3A_42 : memref<125x16xf32, #tpu.memory_space<hbm>>) target(%dma_start3A_39 : memref<125x16xf32, #tpu.memory_space<vmem>>) target_semaphore(%arg22 : memref<!tpu.dma_semaphore, #tpu.memory_space<semaphore_mem>>)
    %dma_start3A_43 = arith.constant 1 : i32
    %dma_start3A_44 = arith.constant 0 : i32
    %dma_start3A_45 = arith.constant 0 : i32
    %dma_start3A_46 = tpu.memref_slice %arg14[%dma_start3A_44, %dma_start3A_45] : memref<128x16xf32, #tpu.memory_space<vmem>> -> memref<125x16xf32, #tpu.memory_space<vmem>>
    %dma_start3A_47 = arith.constant 0 : i32
    %dma_start3A_48 = tpu.memref_slice %arg3[%dma_start3A_43, %add3A_20, %dma_start3A_47] : memref<2x10240x16xf32, #tpu.memory_space<hbm>> -> memref<1x125x16xf32, #tpu.memory_space<hbm>>
    %dma_start3A_49 = tpu.memref_squeeze %dma_start3A_48 : memref<1x125x16xf32, #tpu.memory_space<hbm>> -> memref<125x16xf32, #tpu.memory_space<hbm>>
    %dma_start3A_50 = arith.constant 0 : i32
    %dma_start3A_51 = arith.constant 0 : i32
    %dma_start3A_52 = tpu.memref_slice %arg14[%dma_start3A_50, %dma_start3A_51] : memref<128x16xf32, #tpu.memory_space<vmem>> -> memref<125x16xf32, #tpu.memory_space<vmem>>
    %dma_start3A_53 = arith.constant 0 : i32
    %dma_start3A_54 = tpu.memref_slice %arg3[%dma_start3A_43, %add3A_20, %dma_start3A_53] : memref<2x10240x16xf32, #tpu.memory_space<hbm>> -> memref<1x125x16xf32, #tpu.memory_space<hbm>>
    %dma_start3A_55 = tpu.memref_squeeze %dma_start3A_54 : memref<1x125x16xf32, #tpu.memory_space<hbm>> -> memref<125x16xf32, #tpu.memory_space<hbm>>
    tpu.enqueue_dma source(%dma_start3A_55 : memref<125x16xf32, #tpu.memory_space<hbm>>) target(%dma_start3A_52 : memref<125x16xf32, #tpu.memory_space<vmem>>) target_semaphore(%arg22 : memref<!tpu.dma_semaphore, #tpu.memory_space<semaphore_mem>>)
    %mul3A_56 = arith.constant 625 : i32
    %mul3A_57 = arith.muli %arg1, %mul3A_56 : i32
    %add3A_58 = arith.constant 125 : i32
    %add3A_59 = arith.addi %mul3A_57, %add3A_58 : i32
    %dma_start3A_60 = arith.constant 0 : i32
    %dma_start3A_61 = arith.constant 0 : i32
    %dma_start3A_62 = tpu.memref_slice %arg11[%dma_start3A_60, %dma_start3A_61] : memref<128x64xf32, #tpu.memory_space<vmem>> -> memref<125x64xf32, #tpu.memory_space<vmem>>
    %dma_start3A_63 = arith.constant 0 : i32
    %dma_start3A_64 = tpu.memref_slice %arg2[%add3A_59, %dma_start3A_63] : memref<10000x64xf32, #tpu.memory_space<hbm>> -> memref<125x64xf32, #tpu.memory_space<hbm>>
    %dma_start3A_65 = arith.constant 0 : i32
    %dma_start3A_66 = arith.constant 0 : i32
    %dma_start3A_67 = tpu.memref_slice %arg11[%dma_start3A_65, %dma_start3A_66] : memref<128x64xf32, #tpu.memory_space<vmem>> -> memref<125x64xf32, #tpu.memory_space<vmem>>
    %dma_start3A_68 = arith.constant 0 : i32
    %dma_start3A_69 = tpu.memref_slice %arg2[%add3A_59, %dma_start3A_68] : memref<10000x64xf32, #tpu.memory_space<hbm>> -> memref<125x64xf32, #tpu.memory_space<hbm>>
    tpu.enqueue_dma source(%dma_start3A_69 : memref<125x64xf32, #tpu.memory_space<hbm>>) target(%dma_start3A_67 : memref<125x64xf32, #tpu.memory_space<vmem>>) target_semaphore(%arg20 : memref<!tpu.dma_semaphore, #tpu.memory_space<semaphore_mem>>)
    %dma_start3A_70 = arith.constant 0 : i32
    %dma_start3A_71 = arith.constant 0 : i32
    %dma_start3A_72 = arith.constant 0 : i32
    %dma_start3A_73 = tpu.memref_slice %arg15[%dma_start3A_71, %dma_start3A_72] : memref<128x16xf32, #tpu.memory_space<vmem>> -> memref<125x16xf32, #tpu.memory_space<vmem>>
    %dma_start3A_74 = arith.constant 0 : i32
    %dma_start3A_75 = tpu.memref_slice %arg3[%dma_start3A_70, %add3A_59, %dma_start3A_74] : memref<2x10240x16xf32, #tpu.memory_space<hbm>> -> memref<1x125x16xf32, #tpu.memory_space<hbm>>
    %dma_start3A_76 = tpu.memref_squeeze %dma_start3A_75 : memref<1x125x16xf32, #tpu.memory_space<hbm>> -> memref<125x16xf32, #tpu.memory_space<hbm>>
    %dma_start3A_77 = arith.constant 0 : i32
    %dma_start3A_78 = arith.constant 0 : i32
    %dma_start3A_79 = tpu.memref_slice %arg15[%dma_start3A_77, %dma_start3A_78] : memref<128x16xf32, #tpu.memory_space<vmem>> -> memref<125x16xf32, #tpu.memory_space<vmem>>
    %dma_start3A_80 = arith.constant 0 : i32
    %dma_start3A_81 = tpu.memref_slice %arg3[%dma_start3A_70, %add3A_59, %dma_start3A_80] : memref<2x10240x16xf32, #tpu.memory_space<hbm>> -> memref<1x125x16xf32, #tpu.memory_space<hbm>>
    %dma_start3A_82 = tpu.memref_squeeze %dma_start3A_81 : memref<1x125x16xf32, #tpu.memory_space<hbm>> -> memref<125x16xf32, #tpu.memory_space<hbm>>
    tpu.enqueue_dma source(%dma_start3A_82 : memref<125x16xf32, #tpu.memory_space<hbm>>) target(%dma_start3A_79 : memref<125x16xf32, #tpu.memory_space<vmem>>) target_semaphore(%arg23 : memref<!tpu.dma_semaphore, #tpu.memory_space<semaphore_mem>>)
    %dma_start3A_83 = arith.constant 1 : i32
    %dma_start3A_84 = arith.constant 0 : i32
    %dma_start3A_85 = arith.constant 0 : i32
    %dma_start3A_86 = tpu.memref_slice %arg16[%dma_start3A_84, %dma_start3A_85] : memref<128x16xf32, #tpu.memory_space<vmem>> -> memref<125x16xf32, #tpu.memory_space<vmem>>
    %dma_start3A_87 = arith.constant 0 : i32
    %dma_start3A_88 = tpu.memref_slice %arg3[%dma_start3A_83, %add3A_59, %dma_start3A_87] : memref<2x10240x16xf32, #tpu.memory_space<hbm>> -> memref<1x125x16xf32, #tpu.memory_space<hbm>>
    %dma_start3A_89 = tpu.memref_squeeze %dma_start3A_88 : memref<1x125x16xf32, #tpu.memory_space<hbm>> -> memref<125x16xf32, #tpu.memory_space<hbm>>
    %dma_start3A_90 = arith.constant 0 : i32
    %dma_start3A_91 = arith.constant 0 : i32
    %dma_start3A_92 = tpu.memref_slice %arg16[%dma_start3A_90, %dma_start3A_91] : memref<128x16xf32, #tpu.memory_space<vmem>> -> memref<125x16xf32, #tpu.memory_space<vmem>>
    %dma_start3A_93 = arith.constant 0 : i32
    %dma_start3A_94 = tpu.memref_slice %arg3[%dma_start3A_83, %add3A_59, %dma_start3A_93] : memref<2x10240x16xf32, #tpu.memory_space<hbm>> -> memref<1x125x16xf32, #tpu.memory_space<hbm>>
    %dma_start3A_95 = tpu.memref_squeeze %dma_start3A_94 : memref<1x125x16xf32, #tpu.memory_space<hbm>> -> memref<125x16xf32, #tpu.memory_space<hbm>>
    tpu.enqueue_dma source(%dma_start3A_95 : memref<125x16xf32, #tpu.memory_space<hbm>>) target(%dma_start3A_92 : memref<125x16xf32, #tpu.memory_space<vmem>>) target_semaphore(%arg23 : memref<!tpu.dma_semaphore, #tpu.memory_space<semaphore_mem>>)
    %mul3A_96 = arith.constant 625 : i32
    %mul3A_97 = arith.muli %arg1, %mul3A_96 : i32
    %add3A_98 = arith.constant 0 : i32
    %add3A_99 = arith.addi %mul3A_97, %add3A_98 : i32
    %dma_wait3A = arith.constant 0 : i32
    %dma_wait3A_100 = arith.constant 0 : i32
    %dma_wait3A_101 = tpu.memref_slice %arg10[%dma_wait3A, %dma_wait3A_100] : memref<128x64xf32, #tpu.memory_space<vmem>> -> memref<125x64xf32, #tpu.memory_space<vmem>>
    %dma_wait3A_102 = arith.constant 0 : i32
    %dma_wait3A_103 = tpu.memref_slice %arg2[%add3A_99, %dma_wait3A_102] : memref<10000x64xf32, #tpu.memory_space<hbm>> -> memref<125x64xf32, #tpu.memory_space<hbm>>
    %dma_wait3A_104 = arith.constant 0 : i32
    %dma_wait3A_105 = arith.constant 0 : i32
    %dma_wait3A_106 = tpu.memref_slice %arg10[%dma_wait3A_104, %dma_wait3A_105] : memref<128x64xf32, #tpu.memory_space<vmem>> -> memref<125x64xf32, #tpu.memory_space<vmem>>
    %dma_wait3A_107 = arith.constant 0 : i32
    %dma_wait3A_108 = tpu.memref_slice %arg2[%add3A_99, %dma_wait3A_107] : memref<10000x64xf32, #tpu.memory_space<hbm>> -> memref<125x64xf32, #tpu.memory_space<hbm>>
    tpu.wait_dma2 semaphore(%arg19 : memref<!tpu.dma_semaphore, #tpu.memory_space<semaphore_mem>>) src(%dma_wait3A_108 : memref<125x64xf32, #tpu.memory_space<hbm>>) dst(%dma_wait3A_106 : memref<125x64xf32, #tpu.memory_space<vmem>>)
    %dma_wait3A_109 = arith.constant 0 : i32
    %dma_wait3A_110 = arith.constant 0 : i32
    %dma_wait3A_111 = arith.constant 0 : i32
    %dma_wait3A_112 = tpu.memref_slice %arg13[%dma_wait3A_110, %dma_wait3A_111] : memref<128x16xf32, #tpu.memory_space<vmem>> -> memref<125x16xf32, #tpu.memory_space<vmem>>
    %dma_wait3A_113 = arith.constant 0 : i32
    %dma_wait3A_114 = tpu.memref_slice %arg3[%dma_wait3A_109, %add3A_99, %dma_wait3A_113] : memref<2x10240x16xf32, #tpu.memory_space<hbm>> -> memref<1x125x16xf32, #tpu.memory_space<hbm>>
    %dma_wait3A_115 = tpu.memref_squeeze %dma_wait3A_114 : memref<1x125x16xf32, #tpu.memory_space<hbm>> -> memref<125x16xf32, #tpu.memory_space<hbm>>
    %dma_wait3A_116 = arith.constant 0 : i32
    %dma_wait3A_117 = arith.constant 0 : i32
    %dma_wait3A_118 = tpu.memref_slice %arg13[%dma_wait3A_116, %dma_wait3A_117] : memref<128x16xf32, #tpu.memory_space<vmem>> -> memref<125x16xf32, #tpu.memory_space<vmem>>
    %dma_wait3A_119 = arith.constant 0 : i32
    %dma_wait3A_120 = tpu.memref_slice %arg3[%dma_wait3A_109, %add3A_99, %dma_wait3A_119] : memref<2x10240x16xf32, #tpu.memory_space<hbm>> -> memref<1x125x16xf32, #tpu.memory_space<hbm>>
    %dma_wait3A_121 = tpu.memref_squeeze %dma_wait3A_120 : memref<1x125x16xf32, #tpu.memory_space<hbm>> -> memref<125x16xf32, #tpu.memory_space<hbm>>
    tpu.wait_dma2 semaphore(%arg22 : memref<!tpu.dma_semaphore, #tpu.memory_space<semaphore_mem>>) src(%dma_wait3A_121 : memref<125x16xf32, #tpu.memory_space<hbm>>) dst(%dma_wait3A_118 : memref<125x16xf32, #tpu.memory_space<vmem>>)
    %dma_wait3A_122 = arith.constant 1 : i32
    %dma_wait3A_123 = arith.constant 0 : i32
    %dma_wait3A_124 = arith.constant 0 : i32
    %dma_wait3A_125 = tpu.memref_slice %arg14[%dma_wait3A_123, %dma_wait3A_124] : memref<128x16xf32, #tpu.memory_space<vmem>> -> memref<125x16xf32, #tpu.memory_space<vmem>>
    %dma_wait3A_126 = arith.constant 0 : i32
    %dma_wait3A_127 = tpu.memref_slice %arg3[%dma_wait3A_122, %add3A_99, %dma_wait3A_126] : memref<2x10240x16xf32, #tpu.memory_space<hbm>> -> memref<1x125x16xf32, #tpu.memory_space<hbm>>
    %dma_wait3A_128 = tpu.memref_squeeze %dma_wait3A_127 : memref<1x125x16xf32, #tpu.memory_space<hbm>> -> memref<125x16xf32, #tpu.memory_space<hbm>>
    %dma_wait3A_129 = arith.constant 0 : i32
    %dma_wait3A_130 = arith.constant 0 : i32
    %dma_wait3A_131 = tpu.memref_slice %arg14[%dma_wait3A_129, %dma_wait3A_130] : memref<128x16xf32, #tpu.memory_space<vmem>> -> memref<125x16xf32, #tpu.memory_space<vmem>>
    %dma_wait3A_132 = arith.constant 0 : i32
    %dma_wait3A_133 = tpu.memref_slice %arg3[%dma_wait3A_122, %add3A_99, %dma_wait3A_132] : memref<2x10240x16xf32, #tpu.memory_space<hbm>> -> memref<1x125x16xf32, #tpu.memory_space<hbm>>
    %dma_wait3A_134 = tpu.memref_squeeze %dma_wait3A_133 : memref<1x125x16xf32, #tpu.memory_space<hbm>> -> memref<125x16xf32, #tpu.memory_space<hbm>>
    tpu.wait_dma2 semaphore(%arg22 : memref<!tpu.dma_semaphore, #tpu.memory_space<semaphore_mem>>) src(%dma_wait3A_134 : memref<125x16xf32, #tpu.memory_space<hbm>>) dst(%dma_wait3A_131 : memref<125x16xf32, #tpu.memory_space<vmem>>)
    %scan3A = arith.constant 0 : i32
    %scan3A_135 = arith.constant 0 : i32
    %scan3A_136 = arith.constant 125 : i32
    %scan3A_137 = arith.addi %scan3A_135, %scan3A_136 : i32
    %scan3A_138 = arith.constant 1 : i32
    %scan3A_139 = scf.for %scan3A_499 = %scan3A_135 to %scan3A_137 step %scan3A_138 iter_args(%scan3A_500 = %scan3A) -> (i32)  : i32 {
      %get3A = arith.index_cast %scan3A_499 : i32 to index
      %get3A_501 = arith.constant 0 : index
      %get3A_502 = tpu.vector_load %arg13[%get3A, %get3A_501] {strides = array<i32>} : memref<128x16xf32, #tpu.memory_space<vmem>>, vector<16xf32>,
      %add3A_503 = arith.constant 1.000000e+00 : f32
      %add3A_504 = vector.broadcast %add3A_503 : f32 to vector<16xf32>
      %add3A_505 = arith.addf %add3A_504, %get3A_502 : vector<16xf32>
      %get3A_506 = arith.index_cast %scan3A_499 : i32 to index
      %get3A_507 = arith.constant 0 : index
      %get3A_508 = tpu.vector_load %arg14[%get3A_506, %get3A_507] {strides = array<i32>} : memref<128x16xf32, #tpu.memory_space<vmem>>, vector<16xf32>,
      %add3A_509 = arith.addf %add3A_505, %get3A_508 : vector<16xf32>
      %bitcast3A = vector.bitcast %add3A_509 : vector<16xf32> to vector<16xi32>
      %shift_right_logical3A = arith.constant 1 : i32
      %shift_right_logical3A_510 = vector.broadcast %shift_right_logical3A : i32 to vector<16xi32>
      %shift_right_logical3A_511 = arith.shrui %bitcast3A, %shift_right_logical3A_510 : vector<16xi32>
      %sub3A = arith.constant 1597463007 : i32
      %sub3A_512 = vector.broadcast %sub3A : i32 to vector<16xi32>
      %sub3A_513 = arith.subi %sub3A_512, %shift_right_logical3A_511 : vector<16xi32>
      %bitcast3A_514 = vector.bitcast %sub3A_513 : vector<16xi32> to vector<16xf32>
      %mul3A_515 = arith.constant 5.000000e-01 : f32
      %mul3A_516 = vector.broadcast %mul3A_515 : f32 to vector<16xf32>
      %mul3A_517 = arith.mulf %mul3A_516, %add3A_509 : vector<16xf32>
      %mul3A_518 = arith.mulf %mul3A_517, %bitcast3A_514 : vector<16xf32>
      %mul3A_519 = arith.mulf %mul3A_518, %bitcast3A_514 : vector<16xf32>
      %sub3A_520 = arith.constant 1.500000e+00 : f32
      %sub3A_521 = vector.broadcast %sub3A_520 : f32 to vector<16xf32>
      %sub3A_522 = arith.subf %sub3A_521, %mul3A_519 : vector<16xf32>
      %mul3A_523 = arith.mulf %bitcast3A_514, %sub3A_522 : vector<16xf32>
      %mul3A_524 = arith.constant 5.000000e-01 : f32
      %mul3A_525 = vector.broadcast %mul3A_524 : f32 to vector<16xf32>
      %mul3A_526 = arith.mulf %mul3A_525, %add3A_509 : vector<16xf32>
      %mul3A_527 = arith.mulf %mul3A_526, %mul3A_523 : vector<16xf32>
      %mul3A_528 = arith.mulf %mul3A_527, %mul3A_523 : vector<16xf32>
      %sub3A_529 = arith.constant 1.500000e+00 : f32
      %sub3A_530 = vector.broadcast %sub3A_529 : f32 to vector<16xf32>
      %sub3A_531 = arith.subf %sub3A_530, %mul3A_528 : vector<16xf32>
      %mul3A_532 = arith.mulf %mul3A_523, %sub3A_531 : vector<16xf32>
      %get3A_533 = arith.index_cast %scan3A_499 : i32 to index
      %get3A_534 = arith.constant 0 : index
      %get3A_535 = tpu.vector_load %arg10[%get3A_533, %get3A_534] {strides = array<i32>} : memref<128x64xf32, #tpu.memory_space<vmem>>, vector<16xf32>,
      %mul3A_536 = arith.mulf %get3A_535, %mul3A_532 : vector<16xf32>
      %swap3A = arith.index_cast %scan3A_499 : i32 to index
      %swap3A_537 = arith.constant 0 : index
      %swap3A_538 = tpu.vector_load %arg10[%swap3A, %swap3A_537] {strides = array<i32>} : memref<128x64xf32, #tpu.memory_space<vmem>>, vector<16xf32>,
      tpu.vector_store %arg10[%swap3A, %swap3A_537], %mul3A_536 {strides = array<i32>} : memref<128x64xf32, #tpu.memory_space<vmem>>, vector<16xf32>,
      %get3A_539 = arith.index_cast %scan3A_499 : i32 to index
      %get3A_540 = arith.constant 16 : index
      %get3A_541 = tpu.vector_load %arg10[%get3A_539, %get3A_540] {strides = array<i32>} : memref<128x64xf32, #tpu.memory_space<vmem>>, vector<16xf32>,
      %mul3A_542 = arith.mulf %get3A_541, %mul3A_532 : vector<16xf32>
      %swap3A_543 = arith.index_cast %scan3A_499 : i32 to index
      %swap3A_544 = arith.constant 16 : index
      %swap3A_545 = tpu.vector_load %arg10[%swap3A_543, %swap3A_544] {strides = array<i32>} : memref<128x64xf32, #tpu.memory_space<vmem>>, vector<16xf32>,
      tpu.vector_store %arg10[%swap3A_543, %swap3A_544], %mul3A_542 {strides = array<i32>} : memref<128x64xf32, #tpu.memory_space<vmem>>, vector<16xf32>,
      %get3A_546 = arith.index_cast %scan3A_499 : i32 to index
      %get3A_547 = arith.constant 32 : index
      %get3A_548 = tpu.vector_load %arg10[%get3A_546, %get3A_547] {strides = array<i32>} : memref<128x64xf32, #tpu.memory_space<vmem>>, vector<16xf32>,
      %mul3A_549 = arith.mulf %get3A_548, %mul3A_532 : vector<16xf32>
      %swap3A_550 = arith.index_cast %scan3A_499 : i32 to index
      %swap3A_551 = arith.constant 32 : index
      %swap3A_552 = tpu.vector_load %arg10[%swap3A_550, %swap3A_551] {strides = array<i32>} : memref<128x64xf32, #tpu.memory_space<vmem>>, vector<16xf32>,
      tpu.vector_store %arg10[%swap3A_550, %swap3A_551], %mul3A_549 {strides = array<i32>} : memref<128x64xf32, #tpu.memory_space<vmem>>, vector<16xf32>,
      %get3A_553 = arith.index_cast %scan3A_499 : i32 to index
      %get3A_554 = arith.constant 48 : index
      %get3A_555 = tpu.vector_load %arg10[%get3A_553, %get3A_554] {strides = array<i32>} : memref<128x64xf32, #tpu.memory_space<vmem>>, vector<16xf32>,
      %mul3A_556 = arith.mulf %get3A_555, %mul3A_532 : vector<16xf32>
      %swap3A_557 = arith.index_cast %scan3A_499 : i32 to index
      %swap3A_558 = arith.constant 48 : index
      %swap3A_559 = tpu.vector_load %arg10[%swap3A_557, %swap3A_558] {strides = array<i32>} : memref<128x64xf32, #tpu.memory_space<vmem>>, vector<16xf32>,
      tpu.vector_store %arg10[%swap3A_557, %swap3A_558], %mul3A_556 {strides = array<i32>} : memref<128x64xf32, #tpu.memory_space<vmem>>, vector<16xf32>,
      %scan3A_560 = arith.constant 0 : i32
      scf.yield %scan3A_560 : i32
    }
    %scan3A_140 = arith.constant 125 : i32
    "tpu.region"() ({
      %run_scoped3A = tpu.sem_alloc : memref<!tpu.dma_semaphore, #tpu.memory_space<semaphore_mem>>
      %dma_start3A_499 = arith.constant 0 : i32
      %dma_start3A_500 = arith.constant 0 : i32
      %dma_start3A_501 = tpu.memref_slice %arg10[%dma_start3A_499, %dma_start3A_500] : memref<128x64xf32, #tpu.memory_space<vmem>> -> memref<125x64xf32, #tpu.memory_space<vmem>>
      %dma_start3A_502 = arith.constant 0 : i32
      %dma_start3A_503 = tpu.memref_slice %arg18[%add3A_99, %dma_start3A_502] : memref<10000x64xf32, #tpu.memory_space<vmem_shared>> -> memref<125x64xf32, #tpu.memory_space<vmem_shared>>
      %dma_start3A_504 = arith.constant 0 : i32
      %dma_start3A_505 = tpu.memref_slice %arg18[%add3A_99, %dma_start3A_504] : memref<10000x64xf32, #tpu.memory_space<vmem_shared>> -> memref<125x64xf32, #tpu.memory_space<vmem_shared>>
      %dma_start3A_506 = arith.constant 0 : i32
      %dma_start3A_507 = arith.constant 0 : i32
      %dma_start3A_508 = tpu.memref_slice %arg10[%dma_start3A_506, %dma_start3A_507] : memref<128x64xf32, #tpu.memory_space<vmem>> -> memref<125x64xf32, #tpu.memory_space<vmem>>
      tpu.enqueue_dma source(%dma_start3A_508 : memref<125x64xf32, #tpu.memory_space<vmem>>) target(%dma_start3A_505 : memref<125x64xf32, #tpu.memory_space<vmem_shared>>) target_semaphore(%run_scoped3A : memref<!tpu.dma_semaphore, #tpu.memory_space<semaphore_mem>>)
      %dma_wait3A_509 = arith.constant 0 : i32
      %dma_wait3A_510 = arith.constant 0 : i32
      %dma_wait3A_511 = tpu.memref_slice %arg10[%dma_wait3A_509, %dma_wait3A_510] : memref<128x64xf32, #tpu.memory_space<vmem>> -> memref<125x64xf32, #tpu.memory_space<vmem>>
      %dma_wait3A_512 = arith.constant 0 : i32
      %dma_wait3A_513 = tpu.memref_slice %arg18[%add3A_99, %dma_wait3A_512] : memref<10000x64xf32, #tpu.memory_space<vmem_shared>> -> memref<125x64xf32, #tpu.memory_space<vmem_shared>>
      %dma_wait3A_514 = arith.constant 0 : i32
      %dma_wait3A_515 = tpu.memref_slice %arg18[%add3A_99, %dma_wait3A_514] : memref<10000x64xf32, #tpu.memory_space<vmem_shared>> -> memref<125x64xf32, #tpu.memory_space<vmem_shared>>
      %dma_wait3A_516 = arith.constant 0 : i32
      %dma_wait3A_517 = arith.constant 0 : i32
      %dma_wait3A_518 = tpu.memref_slice %arg10[%dma_wait3A_516, %dma_wait3A_517] : memref<128x64xf32, #tpu.memory_space<vmem>> -> memref<125x64xf32, #tpu.memory_space<vmem>>
      tpu.wait_dma2 semaphore(%run_scoped3A : memref<!tpu.dma_semaphore, #tpu.memory_space<semaphore_mem>>) src(%dma_wait3A_518 : memref<125x64xf32, #tpu.memory_space<vmem>>) dst(%dma_wait3A_515 : memref<125x64xf32, #tpu.memory_space<vmem_shared>>)
      tpu.yield
    }) : () -> ()
    %mul3A_141 = arith.constant 625 : i32
    %mul3A_142 = arith.muli %arg1, %mul3A_141 : i32
    %add3A_143 = arith.constant 250 : i32
    %add3A_144 = arith.addi %mul3A_142, %add3A_143 : i32
    %dma_start3A_145 = arith.constant 0 : i32
    %dma_start3A_146 = arith.constant 0 : i32
    %dma_start3A_147 = tpu.memref_slice %arg10[%dma_start3A_145, %dma_start3A_146] : memref<128x64xf32, #tpu.memory_space<vmem>> -> memref<125x64xf32, #tpu.memory_space<vmem>>
    %dma_start3A_148 = arith.constant 0 : i32
    %dma_start3A_149 = tpu.memref_slice %arg2[%add3A_144, %dma_start3A_148] : memref<10000x64xf32, #tpu.memory_space<hbm>> -> memref<125x64xf32, #tpu.memory_space<hbm>>
    %dma_start3A_150 = arith.constant 0 : i32
    %dma_start3A_151 = arith.constant 0 : i32
    %dma_start3A_152 = tpu.memref_slice %arg10[%dma_start3A_150, %dma_start3A_151] : memref<128x64xf32, #tpu.memory_space<vmem>> -> memref<125x64xf32, #tpu.memory_space<vmem>>
    %dma_start3A_153 = arith.constant 0 : i32
    %dma_start3A_154 = tpu.memref_slice %arg2[%add3A_144, %dma_start3A_153] : memref<10000x64xf32, #tpu.memory_space<hbm>> -> memref<125x64xf32, #tpu.memory_space<hbm>>
    tpu.enqueue_dma source(%dma_start3A_154 : memref<125x64xf32, #tpu.memory_space<hbm>>) target(%dma_start3A_152 : memref<125x64xf32, #tpu.memory_space<vmem>>) target_semaphore(%arg19 : memref<!tpu.dma_semaphore, #tpu.memory_space<semaphore_mem>>)
    %dma_start3A_155 = arith.constant 0 : i32
    %dma_start3A_156 = arith.constant 0 : i32
    %dma_start3A_157 = arith.constant 0 : i32
    %dma_start3A_158 = tpu.memref_slice %arg13[%dma_start3A_156, %dma_start3A_157] : memref<128x16xf32, #tpu.memory_space<vmem>> -> memref<125x16xf32, #tpu.memory_space<vmem>>
    %dma_start3A_159 = arith.constant 0 : i32
    %dma_start3A_160 = tpu.memref_slice %arg3[%dma_start3A_155, %add3A_144, %dma_start3A_159] : memref<2x10240x16xf32, #tpu.memory_space<hbm>> -> memref<1x125x16xf32, #tpu.memory_space<hbm>>
    %dma_start3A_161 = tpu.memref_squeeze %dma_start3A_160 : memref<1x125x16xf32, #tpu.memory_space<hbm>> -> memref<125x16xf32, #tpu.memory_space<hbm>>
    %dma_start3A_162 = arith.constant 0 : i32
    %dma_start3A_163 = arith.constant 0 : i32
    %dma_start3A_164 = tpu.memref_slice %arg13[%dma_start3A_162, %dma_start3A_163] : memref<128x16xf32, #tpu.memory_space<vmem>> -> memref<125x16xf32, #tpu.memory_space<vmem>>
    %dma_start3A_165 = arith.constant 0 : i32
    %dma_start3A_166 = tpu.memref_slice %arg3[%dma_start3A_155, %add3A_144, %dma_start3A_165] : memref<2x10240x16xf32, #tpu.memory_space<hbm>> -> memref<1x125x16xf32, #tpu.memory_space<hbm>>
    %dma_start3A_167 = tpu.memref_squeeze %dma_start3A_166 : memref<1x125x16xf32, #tpu.memory_space<hbm>> -> memref<125x16xf32, #tpu.memory_space<hbm>>
    tpu.enqueue_dma source(%dma_start3A_167 : memref<125x16xf32, #tpu.memory_space<hbm>>) target(%dma_start3A_164 : memref<125x16xf32, #tpu.memory_space<vmem>>) target_semaphore(%arg22 : memref<!tpu.dma_semaphore, #tpu.memory_space<semaphore_mem>>)
    %dma_start3A_168 = arith.constant 1 : i32
    %dma_start3A_169 = arith.constant 0 : i32
    %dma_start3A_170 = arith.constant 0 : i32
    %dma_start3A_171 = tpu.memref_slice %arg14[%dma_start3A_169, %dma_start3A_170] : memref<128x16xf32, #tpu.memory_space<vmem>> -> memref<125x16xf32, #tpu.memory_space<vmem>>
    %dma_start3A_172 = arith.constant 0 : i32
    %dma_start3A_173 = tpu.memref_slice %arg3[%dma_start3A_168, %add3A_144, %dma_start3A_172] : memref<2x10240x16xf32, #tpu.memory_space<hbm>> -> memref<1x125x16xf32, #tpu.memory_space<hbm>>
    %dma_start3A_174 = tpu.memref_squeeze %dma_start3A_173 : memref<1x125x16xf32, #tpu.memory_space<hbm>> -> memref<125x16xf32, #tpu.memory_space<hbm>>
    %dma_start3A_175 = arith.constant 0 : i32
    %dma_start3A_176 = arith.constant 0 : i32
    %dma_start3A_177 = tpu.memref_slice %arg14[%dma_start3A_175, %dma_start3A_176] : memref<128x16xf32, #tpu.memory_space<vmem>> -> memref<125x16xf32, #tpu.memory_space<vmem>>
    %dma_start3A_178 = arith.constant 0 : i32
    %dma_start3A_179 = tpu.memref_slice %arg3[%dma_start3A_168, %add3A_144, %dma_start3A_178] : memref<2x10240x16xf32, #tpu.memory_space<hbm>> -> memref<1x125x16xf32, #tpu.memory_space<hbm>>
    %dma_start3A_180 = tpu.memref_squeeze %dma_start3A_179 : memref<1x125x16xf32, #tpu.memory_space<hbm>> -> memref<125x16xf32, #tpu.memory_space<hbm>>
    tpu.enqueue_dma source(%dma_start3A_180 : memref<125x16xf32, #tpu.memory_space<hbm>>) target(%dma_start3A_177 : memref<125x16xf32, #tpu.memory_space<vmem>>) target_semaphore(%arg22 : memref<!tpu.dma_semaphore, #tpu.memory_space<semaphore_mem>>)
    %mul3A_181 = arith.constant 625 : i32
    %mul3A_182 = arith.muli %arg1, %mul3A_181 : i32
    %add3A_183 = arith.constant 125 : i32
    %add3A_184 = arith.addi %mul3A_182, %add3A_183 : i32
    %dma_wait3A_185 = arith.constant 0 : i32
    %dma_wait3A_186 = arith.constant 0 : i32
    %dma_wait3A_187 = tpu.memref_slice %arg11[%dma_wait3A_185, %dma_wait3A_186] : memref<128x64xf32, #tpu.memory_space<vmem>> -> memref<125x64xf32, #tpu.memory_space<vmem>>
    %dma_wait3A_188 = arith.constant 0 : i32
    %dma_wait3A_189 = tpu.memref_slice %arg2[%add3A_184, %dma_wait3A_188] : memref<10000x64xf32, #tpu.memory_space<hbm>> -> memref<125x64xf32, #tpu.memory_space<hbm>>
    %dma_wait3A_190 = arith.constant 0 : i32
    %dma_wait3A_191 = arith.constant 0 : i32
    %dma_wait3A_192 = tpu.memref_slice %arg11[%dma_wait3A_190, %dma_wait3A_191] : memref<128x64xf32, #tpu.memory_space<vmem>> -> memref<125x64xf32, #tpu.memory_space<vmem>>
    %dma_wait3A_193 = arith.constant 0 : i32
    %dma_wait3A_194 = tpu.memref_slice %arg2[%add3A_184, %dma_wait3A_193] : memref<10000x64xf32, #tpu.memory_space<hbm>> -> memref<125x64xf32, #tpu.memory_space<hbm>>
    tpu.wait_dma2 semaphore(%arg20 : memref<!tpu.dma_semaphore, #tpu.memory_space<semaphore_mem>>) src(%dma_wait3A_194 : memref<125x64xf32, #tpu.memory_space<hbm>>) dst(%dma_wait3A_192 : memref<125x64xf32, #tpu.memory_space<vmem>>)
    %dma_wait3A_195 = arith.constant 0 : i32
    %dma_wait3A_196 = arith.constant 0 : i32
    %dma_wait3A_197 = arith.constant 0 : i32
    %dma_wait3A_198 = tpu.memref_slice %arg15[%dma_wait3A_196, %dma_wait3A_197] : memref<128x16xf32, #tpu.memory_space<vmem>> -> memref<125x16xf32, #tpu.memory_space<vmem>>
    %dma_wait3A_199 = arith.constant 0 : i32
    %dma_wait3A_200 = tpu.memref_slice %arg3[%dma_wait3A_195, %add3A_184, %dma_wait3A_199] : memref<2x10240x16xf32, #tpu.memory_space<hbm>> -> memref<1x125x16xf32, #tpu.memory_space<hbm>>
    %dma_wait3A_201 = tpu.memref_squeeze %dma_wait3A_200 : memref<1x125x16xf32, #tpu.memory_space<hbm>> -> memref<125x16xf32, #tpu.memory_space<hbm>>
    %dma_wait3A_202 = arith.constant 0 : i32
    %dma_wait3A_203 = arith.constant 0 : i32
    %dma_wait3A_204 = tpu.memref_slice %arg15[%dma_wait3A_202, %dma_wait3A_203] : memref<128x16xf32, #tpu.memory_space<vmem>> -> memref<125x16xf32, #tpu.memory_space<vmem>>
    %dma_wait3A_205 = arith.constant 0 : i32
    %dma_wait3A_206 = tpu.memref_slice %arg3[%dma_wait3A_195, %add3A_184, %dma_wait3A_205] : memref<2x10240x16xf32, #tpu.memory_space<hbm>> -> memref<1x125x16xf32, #tpu.memory_space<hbm>>
    %dma_wait3A_207 = tpu.memref_squeeze %dma_wait3A_206 : memref<1x125x16xf32, #tpu.memory_space<hbm>> -> memref<125x16xf32, #tpu.memory_space<hbm>>
    tpu.wait_dma2 semaphore(%arg23 : memref<!tpu.dma_semaphore, #tpu.memory_space<semaphore_mem>>) src(%dma_wait3A_207 : memref<125x16xf32, #tpu.memory_space<hbm>>) dst(%dma_wait3A_204 : memref<125x16xf32, #tpu.memory_space<vmem>>)
    %dma_wait3A_208 = arith.constant 1 : i32
    %dma_wait3A_209 = arith.constant 0 : i32
    %dma_wait3A_210 = arith.constant 0 : i32
    %dma_wait3A_211 = tpu.memref_slice %arg16[%dma_wait3A_209, %dma_wait3A_210] : memref<128x16xf32, #tpu.memory_space<vmem>> -> memref<125x16xf32, #tpu.memory_space<vmem>>
    %dma_wait3A_212 = arith.constant 0 : i32
    %dma_wait3A_213 = tpu.memref_slice %arg3[%dma_wait3A_208, %add3A_184, %dma_wait3A_212] : memref<2x10240x16xf32, #tpu.memory_space<hbm>> -> memref<1x125x16xf32, #tpu.memory_space<hbm>>
    %dma_wait3A_214 = tpu.memref_squeeze %dma_wait3A_213 : memref<1x125x16xf32, #tpu.memory_space<hbm>> -> memref<125x16xf32, #tpu.memory_space<hbm>>
    %dma_wait3A_215 = arith.constant 0 : i32
    %dma_wait3A_216 = arith.constant 0 : i32
    %dma_wait3A_217 = tpu.memref_slice %arg16[%dma_wait3A_215, %dma_wait3A_216] : memref<128x16xf32, #tpu.memory_space<vmem>> -> memref<125x16xf32, #tpu.memory_space<vmem>>
    %dma_wait3A_218 = arith.constant 0 : i32
    %dma_wait3A_219 = tpu.memref_slice %arg3[%dma_wait3A_208, %add3A_184, %dma_wait3A_218] : memref<2x10240x16xf32, #tpu.memory_space<hbm>> -> memref<1x125x16xf32, #tpu.memory_space<hbm>>
    %dma_wait3A_220 = tpu.memref_squeeze %dma_wait3A_219 : memref<1x125x16xf32, #tpu.memory_space<hbm>> -> memref<125x16xf32, #tpu.memory_space<hbm>>
    tpu.wait_dma2 semaphore(%arg23 : memref<!tpu.dma_semaphore, #tpu.memory_space<semaphore_mem>>) src(%dma_wait3A_220 : memref<125x16xf32, #tpu.memory_space<hbm>>) dst(%dma_wait3A_217 : memref<125x16xf32, #tpu.memory_space<vmem>>)
    %scan3A_221 = arith.constant 0 : i32
    %scan3A_222 = arith.constant 0 : i32
    %scan3A_223 = arith.constant 125 : i32
    %scan3A_224 = arith.addi %scan3A_222, %scan3A_223 : i32
    %scan3A_225 = arith.constant 1 : i32
    %scan3A_226 = scf.for %scan3A_499 = %scan3A_222 to %scan3A_224 step %scan3A_225 iter_args(%scan3A_500 = %scan3A_221) -> (i32)  : i32 {
      %get3A = arith.index_cast %scan3A_499 : i32 to index
      %get3A_501 = arith.constant 0 : index
      %get3A_502 = tpu.vector_load %arg15[%get3A, %get3A_501] {strides = array<i32>} : memref<128x16xf32, #tpu.memory_space<vmem>>, vector<16xf32>,
      %add3A_503 = arith.constant 1.000000e+00 : f32
      %add3A_504 = vector.broadcast %add3A_503 : f32 to vector<16xf32>
      %add3A_505 = arith.addf %add3A_504, %get3A_502 : vector<16xf32>
      %get3A_506 = arith.index_cast %scan3A_499 : i32 to index
      %get3A_507 = arith.constant 0 : index
      %get3A_508 = tpu.vector_load %arg16[%get3A_506, %get3A_507] {strides = array<i32>} : memref<128x16xf32, #tpu.memory_space<vmem>>, vector<16xf32>,
      %add3A_509 = arith.addf %add3A_505, %get3A_508 : vector<16xf32>
      %bitcast3A = vector.bitcast %add3A_509 : vector<16xf32> to vector<16xi32>
      %shift_right_logical3A = arith.constant 1 : i32
      %shift_right_logical3A_510 = vector.broadcast %shift_right_logical3A : i32 to vector<16xi32>
      %shift_right_logical3A_511 = arith.shrui %bitcast3A, %shift_right_logical3A_510 : vector<16xi32>
      %sub3A = arith.constant 1597463007 : i32
      %sub3A_512 = vector.broadcast %sub3A : i32 to vector<16xi32>
      %sub3A_513 = arith.subi %sub3A_512, %shift_right_logical3A_511 : vector<16xi32>
      %bitcast3A_514 = vector.bitcast %sub3A_513 : vector<16xi32> to vector<16xf32>
      %mul3A_515 = arith.constant 5.000000e-01 : f32
      %mul3A_516 = vector.broadcast %mul3A_515 : f32 to vector<16xf32>
      %mul3A_517 = arith.mulf %mul3A_516, %add3A_509 : vector<16xf32>
      %mul3A_518 = arith.mulf %mul3A_517, %bitcast3A_514 : vector<16xf32>
      %mul3A_519 = arith.mulf %mul3A_518, %bitcast3A_514 : vector<16xf32>
      %sub3A_520 = arith.constant 1.500000e+00 : f32
      %sub3A_521 = vector.broadcast %sub3A_520 : f32 to vector<16xf32>
      %sub3A_522 = arith.subf %sub3A_521, %mul3A_519 : vector<16xf32>
      %mul3A_523 = arith.mulf %bitcast3A_514, %sub3A_522 : vector<16xf32>
      %mul3A_524 = arith.constant 5.000000e-01 : f32
      %mul3A_525 = vector.broadcast %mul3A_524 : f32 to vector<16xf32>
      %mul3A_526 = arith.mulf %mul3A_525, %add3A_509 : vector<16xf32>
      %mul3A_527 = arith.mulf %mul3A_526, %mul3A_523 : vector<16xf32>
      %mul3A_528 = arith.mulf %mul3A_527, %mul3A_523 : vector<16xf32>
      %sub3A_529 = arith.constant 1.500000e+00 : f32
      %sub3A_530 = vector.broadcast %sub3A_529 : f32 to vector<16xf32>
      %sub3A_531 = arith.subf %sub3A_530, %mul3A_528 : vector<16xf32>
      %mul3A_532 = arith.mulf %mul3A_523, %sub3A_531 : vector<16xf32>
      %get3A_533 = arith.index_cast %scan3A_499 : i32 to index
      %get3A_534 = arith.constant 0 : index
      %get3A_535 = tpu.vector_load %arg11[%get3A_533, %get3A_534] {strides = array<i32>} : memref<128x64xf32, #tpu.memory_space<vmem>>, vector<16xf32>,
      %mul3A_536 = arith.mulf %get3A_535, %mul3A_532 : vector<16xf32>
      %swap3A = arith.index_cast %scan3A_499 : i32 to index
      %swap3A_537 = arith.constant 0 : index
      %swap3A_538 = tpu.vector_load %arg11[%swap3A, %swap3A_537] {strides = array<i32>} : memref<128x64xf32, #tpu.memory_space<vmem>>, vector<16xf32>,
      tpu.vector_store %arg11[%swap3A, %swap3A_537], %mul3A_536 {strides = array<i32>} : memref<128x64xf32, #tpu.memory_space<vmem>>, vector<16xf32>,
      %get3A_539 = arith.index_cast %scan3A_499 : i32 to index
      %get3A_540 = arith.constant 16 : index
      %get3A_541 = tpu.vector_load %arg11[%get3A_539, %get3A_540] {strides = array<i32>} : memref<128x64xf32, #tpu.memory_space<vmem>>, vector<16xf32>,
      %mul3A_542 = arith.mulf %get3A_541, %mul3A_532 : vector<16xf32>
      %swap3A_543 = arith.index_cast %scan3A_499 : i32 to index
      %swap3A_544 = arith.constant 16 : index
      %swap3A_545 = tpu.vector_load %arg11[%swap3A_543, %swap3A_544] {strides = array<i32>} : memref<128x64xf32, #tpu.memory_space<vmem>>, vector<16xf32>,
      tpu.vector_store %arg11[%swap3A_543, %swap3A_544], %mul3A_542 {strides = array<i32>} : memref<128x64xf32, #tpu.memory_space<vmem>>, vector<16xf32>,
      %get3A_546 = arith.index_cast %scan3A_499 : i32 to index
      %get3A_547 = arith.constant 32 : index
      %get3A_548 = tpu.vector_load %arg11[%get3A_546, %get3A_547] {strides = array<i32>} : memref<128x64xf32, #tpu.memory_space<vmem>>, vector<16xf32>,
      %mul3A_549 = arith.mulf %get3A_548, %mul3A_532 : vector<16xf32>
      %swap3A_550 = arith.index_cast %scan3A_499 : i32 to index
      %swap3A_551 = arith.constant 32 : index
      %swap3A_552 = tpu.vector_load %arg11[%swap3A_550, %swap3A_551] {strides = array<i32>} : memref<128x64xf32, #tpu.memory_space<vmem>>, vector<16xf32>,
      tpu.vector_store %arg11[%swap3A_550, %swap3A_551], %mul3A_549 {strides = array<i32>} : memref<128x64xf32, #tpu.memory_space<vmem>>, vector<16xf32>,
      %get3A_553 = arith.index_cast %scan3A_499 : i32 to index
      %get3A_554 = arith.constant 48 : index
      %get3A_555 = tpu.vector_load %arg11[%get3A_553, %get3A_554] {strides = array<i32>} : memref<128x64xf32, #tpu.memory_space<vmem>>, vector<16xf32>,
      %mul3A_556 = arith.mulf %get3A_555, %mul3A_532 : vector<16xf32>
      %swap3A_557 = arith.index_cast %scan3A_499 : i32 to index
      %swap3A_558 = arith.constant 48 : index
      %swap3A_559 = tpu.vector_load %arg11[%swap3A_557, %swap3A_558] {strides = array<i32>} : memref<128x64xf32, #tpu.memory_space<vmem>>, vector<16xf32>,
      tpu.vector_store %arg11[%swap3A_557, %swap3A_558], %mul3A_556 {strides = array<i32>} : memref<128x64xf32, #tpu.memory_space<vmem>>, vector<16xf32>,
      %scan3A_560 = arith.constant 0 : i32
      scf.yield %scan3A_560 : i32
    }
    %scan3A_227 = arith.constant 125 : i32
    "tpu.region"() ({
      %run_scoped3A = tpu.sem_alloc : memref<!tpu.dma_semaphore, #tpu.memory_space<semaphore_mem>>
      %dma_start3A_499 = arith.constant 0 : i32
      %dma_start3A_500 = arith.constant 0 : i32
      %dma_start3A_501 = tpu.memref_slice %arg11[%dma_start3A_499, %dma_start3A_500] : memref<128x64xf32, #tpu.memory_space<vmem>> -> memref<125x64xf32, #tpu.memory_space<vmem>>
      %dma_start3A_502 = arith.constant 0 : i32
      %dma_start3A_503 = tpu.memref_slice %arg18[%add3A_184, %dma_start3A_502] : memref<10000x64xf32, #tpu.memory_space<vmem_shared>> -> memref<125x64xf32, #tpu.memory_space<vmem_shared>>
      %dma_start3A_504 = arith.constant 0 : i32
      %dma_start3A_505 = tpu.memref_slice %arg18[%add3A_184, %dma_start3A_504] : memref<10000x64xf32, #tpu.memory_space<vmem_shared>> -> memref<125x64xf32, #tpu.memory_space<vmem_shared>>
      %dma_start3A_506 = arith.constant 0 : i32
      %dma_start3A_507 = arith.constant 0 : i32
      %dma_start3A_508 = tpu.memref_slice %arg11[%dma_start3A_506, %dma_start3A_507] : memref<128x64xf32, #tpu.memory_space<vmem>> -> memref<125x64xf32, #tpu.memory_space<vmem>>
      tpu.enqueue_dma source(%dma_start3A_508 : memref<125x64xf32, #tpu.memory_space<vmem>>) target(%dma_start3A_505 : memref<125x64xf32, #tpu.memory_space<vmem_shared>>) target_semaphore(%run_scoped3A : memref<!tpu.dma_semaphore, #tpu.memory_space<semaphore_mem>>)
      %dma_wait3A_509 = arith.constant 0 : i32
      %dma_wait3A_510 = arith.constant 0 : i32
      %dma_wait3A_511 = tpu.memref_slice %arg11[%dma_wait3A_509, %dma_wait3A_510] : memref<128x64xf32, #tpu.memory_space<vmem>> -> memref<125x64xf32, #tpu.memory_space<vmem>>
      %dma_wait3A_512 = arith.constant 0 : i32
      %dma_wait3A_513 = tpu.memref_slice %arg18[%add3A_184, %dma_wait3A_512] : memref<10000x64xf32, #tpu.memory_space<vmem_shared>> -> memref<125x64xf32, #tpu.memory_space<vmem_shared>>
      %dma_wait3A_514 = arith.constant 0 : i32
      %dma_wait3A_515 = tpu.memref_slice %arg18[%add3A_184, %dma_wait3A_514] : memref<10000x64xf32, #tpu.memory_space<vmem_shared>> -> memref<125x64xf32, #tpu.memory_space<vmem_shared>>
      %dma_wait3A_516 = arith.constant 0 : i32
      %dma_wait3A_517 = arith.constant 0 : i32
      %dma_wait3A_518 = tpu.memref_slice %arg11[%dma_wait3A_516, %dma_wait3A_517] : memref<128x64xf32, #tpu.memory_space<vmem>> -> memref<125x64xf32, #tpu.memory_space<vmem>>
      tpu.wait_dma2 semaphore(%run_scoped3A : memref<!tpu.dma_semaphore, #tpu.memory_space<semaphore_mem>>) src(%dma_wait3A_518 : memref<125x64xf32, #tpu.memory_space<vmem>>) dst(%dma_wait3A_515 : memref<125x64xf32, #tpu.memory_space<vmem_shared>>)
      tpu.yield
    }) : () -> ()
    %mul3A_228 = arith.constant 625 : i32
    %mul3A_229 = arith.muli %arg1, %mul3A_228 : i32
    %add3A_230 = arith.constant 375 : i32
    %add3A_231 = arith.addi %mul3A_229, %add3A_230 : i32
    %dma_start3A_232 = arith.constant 0 : i32
    %dma_start3A_233 = arith.constant 0 : i32
    %dma_start3A_234 = tpu.memref_slice %arg11[%dma_start3A_232, %dma_start3A_233] : memref<128x64xf32, #tpu.memory_space<vmem>> -> memref<125x64xf32, #tpu.memory_space<vmem>>
    %dma_start3A_235 = arith.constant 0 : i32
    %dma_start3A_236 = tpu.memref_slice %arg2[%add3A_231, %dma_start3A_235] : memref<10000x64xf32, #tpu.memory_space<hbm>> -> memref<125x64xf32, #tpu.memory_space<hbm>>
    %dma_start3A_237 = arith.constant 0 : i32
    %dma_start3A_238 = arith.constant 0 : i32
    %dma_start3A_239 = tpu.memref_slice %arg11[%dma_start3A_237, %dma_start3A_238] : memref<128x64xf32, #tpu.memory_space<vmem>> -> memref<125x64xf32, #tpu.memory_space<vmem>>
    %dma_start3A_240 = arith.constant 0 : i32
    %dma_start3A_241 = tpu.memref_slice %arg2[%add3A_231, %dma_start3A_240] : memref<10000x64xf32, #tpu.memory_space<hbm>> -> memref<125x64xf32, #tpu.memory_space<hbm>>
    tpu.enqueue_dma source(%dma_start3A_241 : memref<125x64xf32, #tpu.memory_space<hbm>>) target(%dma_start3A_239 : memref<125x64xf32, #tpu.memory_space<vmem>>) target_semaphore(%arg20 : memref<!tpu.dma_semaphore, #tpu.memory_space<semaphore_mem>>)
    %dma_start3A_242 = arith.constant 0 : i32
    %dma_start3A_243 = arith.constant 0 : i32
    %dma_start3A_244 = arith.constant 0 : i32
    %dma_start3A_245 = tpu.memref_slice %arg15[%dma_start3A_243, %dma_start3A_244] : memref<128x16xf32, #tpu.memory_space<vmem>> -> memref<125x16xf32, #tpu.memory_space<vmem>>
    %dma_start3A_246 = arith.constant 0 : i32
    %dma_start3A_247 = tpu.memref_slice %arg3[%dma_start3A_242, %add3A_231, %dma_start3A_246] : memref<2x10240x16xf32, #tpu.memory_space<hbm>> -> memref<1x125x16xf32, #tpu.memory_space<hbm>>
    %dma_start3A_248 = tpu.memref_squeeze %dma_start3A_247 : memref<1x125x16xf32, #tpu.memory_space<hbm>> -> memref<125x16xf32, #tpu.memory_space<hbm>>
    %dma_start3A_249 = arith.constant 0 : i32
    %dma_start3A_250 = arith.constant 0 : i32
    %dma_start3A_251 = tpu.memref_slice %arg15[%dma_start3A_249, %dma_start3A_250] : memref<128x16xf32, #tpu.memory_space<vmem>> -> memref<125x16xf32, #tpu.memory_space<vmem>>
    %dma_start3A_252 = arith.constant 0 : i32
    %dma_start3A_253 = tpu.memref_slice %arg3[%dma_start3A_242, %add3A_231, %dma_start3A_252] : memref<2x10240x16xf32, #tpu.memory_space<hbm>> -> memref<1x125x16xf32, #tpu.memory_space<hbm>>
    %dma_start3A_254 = tpu.memref_squeeze %dma_start3A_253 : memref<1x125x16xf32, #tpu.memory_space<hbm>> -> memref<125x16xf32, #tpu.memory_space<hbm>>
    tpu.enqueue_dma source(%dma_start3A_254 : memref<125x16xf32, #tpu.memory_space<hbm>>) target(%dma_start3A_251 : memref<125x16xf32, #tpu.memory_space<vmem>>) target_semaphore(%arg23 : memref<!tpu.dma_semaphore, #tpu.memory_space<semaphore_mem>>)
    %dma_start3A_255 = arith.constant 1 : i32
    %dma_start3A_256 = arith.constant 0 : i32
    %dma_start3A_257 = arith.constant 0 : i32
    %dma_start3A_258 = tpu.memref_slice %arg16[%dma_start3A_256, %dma_start3A_257] : memref<128x16xf32, #tpu.memory_space<vmem>> -> memref<125x16xf32, #tpu.memory_space<vmem>>
    %dma_start3A_259 = arith.constant 0 : i32
    %dma_start3A_260 = tpu.memref_slice %arg3[%dma_start3A_255, %add3A_231, %dma_start3A_259] : memref<2x10240x16xf32, #tpu.memory_space<hbm>> -> memref<1x125x16xf32, #tpu.memory_space<hbm>>
    %dma_start3A_261 = tpu.memref_squeeze %dma_start3A_260 : memref<1x125x16xf32, #tpu.memory_space<hbm>> -> memref<125x16xf32, #tpu.memory_space<hbm>>
    %dma_start3A_262 = arith.constant 0 : i32
    %dma_start3A_263 = arith.constant 0 : i32
    %dma_start3A_264 = tpu.memref_slice %arg16[%dma_start3A_262, %dma_start3A_263] : memref<128x16xf32, #tpu.memory_space<vmem>> -> memref<125x16xf32, #tpu.memory_space<vmem>>
    %dma_start3A_265 = arith.constant 0 : i32
    %dma_start3A_266 = tpu.memref_slice %arg3[%dma_start3A_255, %add3A_231, %dma_start3A_265] : memref<2x10240x16xf32, #tpu.memory_space<hbm>> -> memref<1x125x16xf32, #tpu.memory_space<hbm>>
    %dma_start3A_267 = tpu.memref_squeeze %dma_start3A_266 : memref<1x125x16xf32, #tpu.memory_space<hbm>> -> memref<125x16xf32, #tpu.memory_space<hbm>>
    tpu.enqueue_dma source(%dma_start3A_267 : memref<125x16xf32, #tpu.memory_space<hbm>>) target(%dma_start3A_264 : memref<125x16xf32, #tpu.memory_space<vmem>>) target_semaphore(%arg23 : memref<!tpu.dma_semaphore, #tpu.memory_space<semaphore_mem>>)
    %mul3A_268 = arith.constant 625 : i32
    %mul3A_269 = arith.muli %arg1, %mul3A_268 : i32
    %add3A_270 = arith.constant 250 : i32
    %add3A_271 = arith.addi %mul3A_269, %add3A_270 : i32
    %dma_wait3A_272 = arith.constant 0 : i32
    %dma_wait3A_273 = arith.constant 0 : i32
    %dma_wait3A_274 = tpu.memref_slice %arg10[%dma_wait3A_272, %dma_wait3A_273] : memref<128x64xf32, #tpu.memory_space<vmem>> -> memref<125x64xf32, #tpu.memory_space<vmem>>
    %dma_wait3A_275 = arith.constant 0 : i32
    %dma_wait3A_276 = tpu.memref_slice %arg2[%add3A_271, %dma_wait3A_275] : memref<10000x64xf32, #tpu.memory_space<hbm>> -> memref<125x64xf32, #tpu.memory_space<hbm>>
    %dma_wait3A_277 = arith.constant 0 : i32
    %dma_wait3A_278 = arith.constant 0 : i32
    %dma_wait3A_279 = tpu.memref_slice %arg10[%dma_wait3A_277, %dma_wait3A_278] : memref<128x64xf32, #tpu.memory_space<vmem>> -> memref<125x64xf32, #tpu.memory_space<vmem>>
    %dma_wait3A_280 = arith.constant 0 : i32
    %dma_wait3A_281 = tpu.memref_slice %arg2[%add3A_271, %dma_wait3A_280] : memref<10000x64xf32, #tpu.memory_space<hbm>> -> memref<125x64xf32, #tpu.memory_space<hbm>>
    tpu.wait_dma2 semaphore(%arg19 : memref<!tpu.dma_semaphore, #tpu.memory_space<semaphore_mem>>) src(%dma_wait3A_281 : memref<125x64xf32, #tpu.memory_space<hbm>>) dst(%dma_wait3A_279 : memref<125x64xf32, #tpu.memory_space<vmem>>)
    %dma_wait3A_282 = arith.constant 0 : i32
    %dma_wait3A_283 = arith.constant 0 : i32
    %dma_wait3A_284 = arith.constant 0 : i32
    %dma_wait3A_285 = tpu.memref_slice %arg13[%dma_wait3A_283, %dma_wait3A_284] : memref<128x16xf32, #tpu.memory_space<vmem>> -> memref<125x16xf32, #tpu.memory_space<vmem>>
    %dma_wait3A_286 = arith.constant 0 : i32
    %dma_wait3A_287 = tpu.memref_slice %arg3[%dma_wait3A_282, %add3A_271, %dma_wait3A_286] : memref<2x10240x16xf32, #tpu.memory_space<hbm>> -> memref<1x125x16xf32, #tpu.memory_space<hbm>>
    %dma_wait3A_288 = tpu.memref_squeeze %dma_wait3A_287 : memref<1x125x16xf32, #tpu.memory_space<hbm>> -> memref<125x16xf32, #tpu.memory_space<hbm>>
    %dma_wait3A_289 = arith.constant 0 : i32
    %dma_wait3A_290 = arith.constant 0 : i32
    %dma_wait3A_291 = tpu.memref_slice %arg13[%dma_wait3A_289, %dma_wait3A_290] : memref<128x16xf32, #tpu.memory_space<vmem>> -> memref<125x16xf32, #tpu.memory_space<vmem>>
    %dma_wait3A_292 = arith.constant 0 : i32
    %dma_wait3A_293 = tpu.memref_slice %arg3[%dma_wait3A_282, %add3A_271, %dma_wait3A_292] : memref<2x10240x16xf32, #tpu.memory_space<hbm>> -> memref<1x125x16xf32, #tpu.memory_space<hbm>>
    %dma_wait3A_294 = tpu.memref_squeeze %dma_wait3A_293 : memref<1x125x16xf32, #tpu.memory_space<hbm>> -> memref<125x16xf32, #tpu.memory_space<hbm>>
    tpu.wait_dma2 semaphore(%arg22 : memref<!tpu.dma_semaphore, #tpu.memory_space<semaphore_mem>>) src(%dma_wait3A_294 : memref<125x16xf32, #tpu.memory_space<hbm>>) dst(%dma_wait3A_291 : memref<125x16xf32, #tpu.memory_space<vmem>>)
    %dma_wait3A_295 = arith.constant 1 : i32
    %dma_wait3A_296 = arith.constant 0 : i32
    %dma_wait3A_297 = arith.constant 0 : i32
    %dma_wait3A_298 = tpu.memref_slice %arg14[%dma_wait3A_296, %dma_wait3A_297] : memref<128x16xf32, #tpu.memory_space<vmem>> -> memref<125x16xf32, #tpu.memory_space<vmem>>
    %dma_wait3A_299 = arith.constant 0 : i32
    %dma_wait3A_300 = tpu.memref_slice %arg3[%dma_wait3A_295, %add3A_271, %dma_wait3A_299] : memref<2x10240x16xf32, #tpu.memory_space<hbm>> -> memref<1x125x16xf32, #tpu.memory_space<hbm>>
    %dma_wait3A_301 = tpu.memref_squeeze %dma_wait3A_300 : memref<1x125x16xf32, #tpu.memory_space<hbm>> -> memref<125x16xf32, #tpu.memory_space<hbm>>
    %dma_wait3A_302 = arith.constant 0 : i32
    %dma_wait3A_303 = arith.constant 0 : i32
    %dma_wait3A_304 = tpu.memref_slice %arg14[%dma_wait3A_302, %dma_wait3A_303] : memref<128x16xf32, #tpu.memory_space<vmem>> -> memref<125x16xf32, #tpu.memory_space<vmem>>
    %dma_wait3A_305 = arith.constant 0 : i32
    %dma_wait3A_306 = tpu.memref_slice %arg3[%dma_wait3A_295, %add3A_271, %dma_wait3A_305] : memref<2x10240x16xf32, #tpu.memory_space<hbm>> -> memref<1x125x16xf32, #tpu.memory_space<hbm>>
    %dma_wait3A_307 = tpu.memref_squeeze %dma_wait3A_306 : memref<1x125x16xf32, #tpu.memory_space<hbm>> -> memref<125x16xf32, #tpu.memory_space<hbm>>
    tpu.wait_dma2 semaphore(%arg22 : memref<!tpu.dma_semaphore, #tpu.memory_space<semaphore_mem>>) src(%dma_wait3A_307 : memref<125x16xf32, #tpu.memory_space<hbm>>) dst(%dma_wait3A_304 : memref<125x16xf32, #tpu.memory_space<vmem>>)
    %scan3A_308 = arith.constant 0 : i32
    %scan3A_309 = arith.constant 0 : i32
    %scan3A_310 = arith.constant 125 : i32
    %scan3A_311 = arith.addi %scan3A_309, %scan3A_310 : i32
    %scan3A_312 = arith.constant 1 : i32
    %scan3A_313 = scf.for %scan3A_499 = %scan3A_309 to %scan3A_311 step %scan3A_312 iter_args(%scan3A_500 = %scan3A_308) -> (i32)  : i32 {
      %get3A = arith.index_cast %scan3A_499 : i32 to index
      %get3A_501 = arith.constant 0 : index
      %get3A_502 = tpu.vector_load %arg13[%get3A, %get3A_501] {strides = array<i32>} : memref<128x16xf32, #tpu.memory_space<vmem>>, vector<16xf32>,
      %add3A_503 = arith.constant 1.000000e+00 : f32
      %add3A_504 = vector.broadcast %add3A_503 : f32 to vector<16xf32>
      %add3A_505 = arith.addf %add3A_504, %get3A_502 : vector<16xf32>
      %get3A_506 = arith.index_cast %scan3A_499 : i32 to index
      %get3A_507 = arith.constant 0 : index
      %get3A_508 = tpu.vector_load %arg14[%get3A_506, %get3A_507] {strides = array<i32>} : memref<128x16xf32, #tpu.memory_space<vmem>>, vector<16xf32>,
      %add3A_509 = arith.addf %add3A_505, %get3A_508 : vector<16xf32>
      %bitcast3A = vector.bitcast %add3A_509 : vector<16xf32> to vector<16xi32>
      %shift_right_logical3A = arith.constant 1 : i32
      %shift_right_logical3A_510 = vector.broadcast %shift_right_logical3A : i32 to vector<16xi32>
      %shift_right_logical3A_511 = arith.shrui %bitcast3A, %shift_right_logical3A_510 : vector<16xi32>
      %sub3A = arith.constant 1597463007 : i32
      %sub3A_512 = vector.broadcast %sub3A : i32 to vector<16xi32>
      %sub3A_513 = arith.subi %sub3A_512, %shift_right_logical3A_511 : vector<16xi32>
      %bitcast3A_514 = vector.bitcast %sub3A_513 : vector<16xi32> to vector<16xf32>
      %mul3A_515 = arith.constant 5.000000e-01 : f32
      %mul3A_516 = vector.broadcast %mul3A_515 : f32 to vector<16xf32>
      %mul3A_517 = arith.mulf %mul3A_516, %add3A_509 : vector<16xf32>
      %mul3A_518 = arith.mulf %mul3A_517, %bitcast3A_514 : vector<16xf32>
      %mul3A_519 = arith.mulf %mul3A_518, %bitcast3A_514 : vector<16xf32>
      %sub3A_520 = arith.constant 1.500000e+00 : f32
      %sub3A_521 = vector.broadcast %sub3A_520 : f32 to vector<16xf32>
      %sub3A_522 = arith.subf %sub3A_521, %mul3A_519 : vector<16xf32>
      %mul3A_523 = arith.mulf %bitcast3A_514, %sub3A_522 : vector<16xf32>
      %mul3A_524 = arith.constant 5.000000e-01 : f32
      %mul3A_525 = vector.broadcast %mul3A_524 : f32 to vector<16xf32>
      %mul3A_526 = arith.mulf %mul3A_525, %add3A_509 : vector<16xf32>
      %mul3A_527 = arith.mulf %mul3A_526, %mul3A_523 : vector<16xf32>
      %mul3A_528 = arith.mulf %mul3A_527, %mul3A_523 : vector<16xf32>
      %sub3A_529 = arith.constant 1.500000e+00 : f32
      %sub3A_530 = vector.broadcast %sub3A_529 : f32 to vector<16xf32>
      %sub3A_531 = arith.subf %sub3A_530, %mul3A_528 : vector<16xf32>
      %mul3A_532 = arith.mulf %mul3A_523, %sub3A_531 : vector<16xf32>
      %get3A_533 = arith.index_cast %scan3A_499 : i32 to index
      %get3A_534 = arith.constant 0 : index
      %get3A_535 = tpu.vector_load %arg10[%get3A_533, %get3A_534] {strides = array<i32>} : memref<128x64xf32, #tpu.memory_space<vmem>>, vector<16xf32>,
      %mul3A_536 = arith.mulf %get3A_535, %mul3A_532 : vector<16xf32>
      %swap3A = arith.index_cast %scan3A_499 : i32 to index
      %swap3A_537 = arith.constant 0 : index
      %swap3A_538 = tpu.vector_load %arg10[%swap3A, %swap3A_537] {strides = array<i32>} : memref<128x64xf32, #tpu.memory_space<vmem>>, vector<16xf32>,
      tpu.vector_store %arg10[%swap3A, %swap3A_537], %mul3A_536 {strides = array<i32>} : memref<128x64xf32, #tpu.memory_space<vmem>>, vector<16xf32>,
      %get3A_539 = arith.index_cast %scan3A_499 : i32 to index
      %get3A_540 = arith.constant 16 : index
      %get3A_541 = tpu.vector_load %arg10[%get3A_539, %get3A_540] {strides = array<i32>} : memref<128x64xf32, #tpu.memory_space<vmem>>, vector<16xf32>,
      %mul3A_542 = arith.mulf %get3A_541, %mul3A_532 : vector<16xf32>
      %swap3A_543 = arith.index_cast %scan3A_499 : i32 to index
      %swap3A_544 = arith.constant 16 : index
      %swap3A_545 = tpu.vector_load %arg10[%swap3A_543, %swap3A_544] {strides = array<i32>} : memref<128x64xf32, #tpu.memory_space<vmem>>, vector<16xf32>,
      tpu.vector_store %arg10[%swap3A_543, %swap3A_544], %mul3A_542 {strides = array<i32>} : memref<128x64xf32, #tpu.memory_space<vmem>>, vector<16xf32>,
      %get3A_546 = arith.index_cast %scan3A_499 : i32 to index
      %get3A_547 = arith.constant 32 : index
      %get3A_548 = tpu.vector_load %arg10[%get3A_546, %get3A_547] {strides = array<i32>} : memref<128x64xf32, #tpu.memory_space<vmem>>, vector<16xf32>,
      %mul3A_549 = arith.mulf %get3A_548, %mul3A_532 : vector<16xf32>
      %swap3A_550 = arith.index_cast %scan3A_499 : i32 to index
      %swap3A_551 = arith.constant 32 : index
      %swap3A_552 = tpu.vector_load %arg10[%swap3A_550, %swap3A_551] {strides = array<i32>} : memref<128x64xf32, #tpu.memory_space<vmem>>, vector<16xf32>,
      tpu.vector_store %arg10[%swap3A_550, %swap3A_551], %mul3A_549 {strides = array<i32>} : memref<128x64xf32, #tpu.memory_space<vmem>>, vector<16xf32>,
      %get3A_553 = arith.index_cast %scan3A_499 : i32 to index
      %get3A_554 = arith.constant 48 : index
      %get3A_555 = tpu.vector_load %arg10[%get3A_553, %get3A_554] {strides = array<i32>} : memref<128x64xf32, #tpu.memory_space<vmem>>, vector<16xf32>,
      %mul3A_556 = arith.mulf %get3A_555, %mul3A_532 : vector<16xf32>
      %swap3A_557 = arith.index_cast %scan3A_499 : i32 to index
      %swap3A_558 = arith.constant 48 : index
      %swap3A_559 = tpu.vector_load %arg10[%swap3A_557, %swap3A_558] {strides = array<i32>} : memref<128x64xf32, #tpu.memory_space<vmem>>, vector<16xf32>,
      tpu.vector_store %arg10[%swap3A_557, %swap3A_558], %mul3A_556 {strides = array<i32>} : memref<128x64xf32, #tpu.memory_space<vmem>>, vector<16xf32>,
      %scan3A_560 = arith.constant 0 : i32
      scf.yield %scan3A_560 : i32
    }
    %scan3A_314 = arith.constant 125 : i32
    "tpu.region"() ({
      %run_scoped3A = tpu.sem_alloc : memref<!tpu.dma_semaphore, #tpu.memory_space<semaphore_mem>>
      %dma_start3A_499 = arith.constant 0 : i32
      %dma_start3A_500 = arith.constant 0 : i32
      %dma_start3A_501 = tpu.memref_slice %arg10[%dma_start3A_499, %dma_start3A_500] : memref<128x64xf32, #tpu.memory_space<vmem>> -> memref<125x64xf32, #tpu.memory_space<vmem>>
      %dma_start3A_502 = arith.constant 0 : i32
      %dma_start3A_503 = tpu.memref_slice %arg18[%add3A_271, %dma_start3A_502] : memref<10000x64xf32, #tpu.memory_space<vmem_shared>> -> memref<125x64xf32, #tpu.memory_space<vmem_shared>>
      %dma_start3A_504 = arith.constant 0 : i32
      %dma_start3A_505 = tpu.memref_slice %arg18[%add3A_271, %dma_start3A_504] : memref<10000x64xf32, #tpu.memory_space<vmem_shared>> -> memref<125x64xf32, #tpu.memory_space<vmem_shared>>
      %dma_start3A_506 = arith.constant 0 : i32
      %dma_start3A_507 = arith.constant 0 : i32
      %dma_start3A_508 = tpu.memref_slice %arg10[%dma_start3A_506, %dma_start3A_507] : memref<128x64xf32, #tpu.memory_space<vmem>> -> memref<125x64xf32, #tpu.memory_space<vmem>>
      tpu.enqueue_dma source(%dma_start3A_508 : memref<125x64xf32, #tpu.memory_space<vmem>>) target(%dma_start3A_505 : memref<125x64xf32, #tpu.memory_space<vmem_shared>>) target_semaphore(%run_scoped3A : memref<!tpu.dma_semaphore, #tpu.memory_space<semaphore_mem>>)
      %dma_wait3A_509 = arith.constant 0 : i32
      %dma_wait3A_510 = arith.constant 0 : i32
      %dma_wait3A_511 = tpu.memref_slice %arg10[%dma_wait3A_509, %dma_wait3A_510] : memref<128x64xf32, #tpu.memory_space<vmem>> -> memref<125x64xf32, #tpu.memory_space<vmem>>
      %dma_wait3A_512 = arith.constant 0 : i32
      %dma_wait3A_513 = tpu.memref_slice %arg18[%add3A_271, %dma_wait3A_512] : memref<10000x64xf32, #tpu.memory_space<vmem_shared>> -> memref<125x64xf32, #tpu.memory_space<vmem_shared>>
      %dma_wait3A_514 = arith.constant 0 : i32
      %dma_wait3A_515 = tpu.memref_slice %arg18[%add3A_271, %dma_wait3A_514] : memref<10000x64xf32, #tpu.memory_space<vmem_shared>> -> memref<125x64xf32, #tpu.memory_space<vmem_shared>>
      %dma_wait3A_516 = arith.constant 0 : i32
      %dma_wait3A_517 = arith.constant 0 : i32
      %dma_wait3A_518 = tpu.memref_slice %arg10[%dma_wait3A_516, %dma_wait3A_517] : memref<128x64xf32, #tpu.memory_space<vmem>> -> memref<125x64xf32, #tpu.memory_space<vmem>>
      tpu.wait_dma2 semaphore(%run_scoped3A : memref<!tpu.dma_semaphore, #tpu.memory_space<semaphore_mem>>) src(%dma_wait3A_518 : memref<125x64xf32, #tpu.memory_space<vmem>>) dst(%dma_wait3A_515 : memref<125x64xf32, #tpu.memory_space<vmem_shared>>)
      tpu.yield
    }) : () -> ()
    %mul3A_315 = arith.constant 625 : i32
    %mul3A_316 = arith.muli %arg1, %mul3A_315 : i32
    %add3A_317 = arith.constant 500 : i32
    %add3A_318 = arith.addi %mul3A_316, %add3A_317 : i32
    %dma_start3A_319 = arith.constant 0 : i32
    %dma_start3A_320 = arith.constant 0 : i32
    %dma_start3A_321 = tpu.memref_slice %arg10[%dma_start3A_319, %dma_start3A_320] : memref<128x64xf32, #tpu.memory_space<vmem>> -> memref<125x64xf32, #tpu.memory_space<vmem>>
    %dma_start3A_322 = arith.constant 0 : i32
    %dma_start3A_323 = tpu.memref_slice %arg2[%add3A_318, %dma_start3A_322] : memref<10000x64xf32, #tpu.memory_space<hbm>> -> memref<125x64xf32, #tpu.memory_space<hbm>>
    %dma_start3A_324 = arith.constant 0 : i32
    %dma_start3A_325 = arith.constant 0 : i32
    %dma_start3A_326 = tpu.memref_slice %arg10[%dma_start3A_324, %dma_start3A_325] : memref<128x64xf32, #tpu.memory_space<vmem>> -> memref<125x64xf32, #tpu.memory_space<vmem>>
    %dma_start3A_327 = arith.constant 0 : i32
    %dma_start3A_328 = tpu.memref_slice %arg2[%add3A_318, %dma_start3A_327] : memref<10000x64xf32, #tpu.memory_space<hbm>> -> memref<125x64xf32, #tpu.memory_space<hbm>>
    tpu.enqueue_dma source(%dma_start3A_328 : memref<125x64xf32, #tpu.memory_space<hbm>>) target(%dma_start3A_326 : memref<125x64xf32, #tpu.memory_space<vmem>>) target_semaphore(%arg19 : memref<!tpu.dma_semaphore, #tpu.memory_space<semaphore_mem>>)
    %dma_start3A_329 = arith.constant 0 : i32
    %dma_start3A_330 = arith.constant 0 : i32
    %dma_start3A_331 = arith.constant 0 : i32
    %dma_start3A_332 = tpu.memref_slice %arg13[%dma_start3A_330, %dma_start3A_331] : memref<128x16xf32, #tpu.memory_space<vmem>> -> memref<125x16xf32, #tpu.memory_space<vmem>>
    %dma_start3A_333 = arith.constant 0 : i32
    %dma_start3A_334 = tpu.memref_slice %arg3[%dma_start3A_329, %add3A_318, %dma_start3A_333] : memref<2x10240x16xf32, #tpu.memory_space<hbm>> -> memref<1x125x16xf32, #tpu.memory_space<hbm>>
    %dma_start3A_335 = tpu.memref_squeeze %dma_start3A_334 : memref<1x125x16xf32, #tpu.memory_space<hbm>> -> memref<125x16xf32, #tpu.memory_space<hbm>>
    %dma_start3A_336 = arith.constant 0 : i32
    %dma_start3A_337 = arith.constant 0 : i32
    %dma_start3A_338 = tpu.memref_slice %arg13[%dma_start3A_336, %dma_start3A_337] : memref<128x16xf32, #tpu.memory_space<vmem>> -> memref<125x16xf32, #tpu.memory_space<vmem>>
    %dma_start3A_339 = arith.constant 0 : i32
    %dma_start3A_340 = tpu.memref_slice %arg3[%dma_start3A_329, %add3A_318, %dma_start3A_339] : memref<2x10240x16xf32, #tpu.memory_space<hbm>> -> memref<1x125x16xf32, #tpu.memory_space<hbm>>
    %dma_start3A_341 = tpu.memref_squeeze %dma_start3A_340 : memref<1x125x16xf32, #tpu.memory_space<hbm>> -> memref<125x16xf32, #tpu.memory_space<hbm>>
    tpu.enqueue_dma source(%dma_start3A_341 : memref<125x16xf32, #tpu.memory_space<hbm>>) target(%dma_start3A_338 : memref<125x16xf32, #tpu.memory_space<vmem>>) target_semaphore(%arg22 : memref<!tpu.dma_semaphore, #tpu.memory_space<semaphore_mem>>)
    %dma_start3A_342 = arith.constant 1 : i32
    %dma_start3A_343 = arith.constant 0 : i32
    %dma_start3A_344 = arith.constant 0 : i32
    %dma_start3A_345 = tpu.memref_slice %arg14[%dma_start3A_343, %dma_start3A_344] : memref<128x16xf32, #tpu.memory_space<vmem>> -> memref<125x16xf32, #tpu.memory_space<vmem>>
    %dma_start3A_346 = arith.constant 0 : i32
    %dma_start3A_347 = tpu.memref_slice %arg3[%dma_start3A_342, %add3A_318, %dma_start3A_346] : memref<2x10240x16xf32, #tpu.memory_space<hbm>> -> memref<1x125x16xf32, #tpu.memory_space<hbm>>
    %dma_start3A_348 = tpu.memref_squeeze %dma_start3A_347 : memref<1x125x16xf32, #tpu.memory_space<hbm>> -> memref<125x16xf32, #tpu.memory_space<hbm>>
    %dma_start3A_349 = arith.constant 0 : i32
    %dma_start3A_350 = arith.constant 0 : i32
    %dma_start3A_351 = tpu.memref_slice %arg14[%dma_start3A_349, %dma_start3A_350] : memref<128x16xf32, #tpu.memory_space<vmem>> -> memref<125x16xf32, #tpu.memory_space<vmem>>
    %dma_start3A_352 = arith.constant 0 : i32
    %dma_start3A_353 = tpu.memref_slice %arg3[%dma_start3A_342, %add3A_318, %dma_start3A_352] : memref<2x10240x16xf32, #tpu.memory_space<hbm>> -> memref<1x125x16xf32, #tpu.memory_space<hbm>>
    %dma_start3A_354 = tpu.memref_squeeze %dma_start3A_353 : memref<1x125x16xf32, #tpu.memory_space<hbm>> -> memref<125x16xf32, #tpu.memory_space<hbm>>
    tpu.enqueue_dma source(%dma_start3A_354 : memref<125x16xf32, #tpu.memory_space<hbm>>) target(%dma_start3A_351 : memref<125x16xf32, #tpu.memory_space<vmem>>) target_semaphore(%arg22 : memref<!tpu.dma_semaphore, #tpu.memory_space<semaphore_mem>>)
    %mul3A_355 = arith.constant 625 : i32
    %mul3A_356 = arith.muli %arg1, %mul3A_355 : i32
    %add3A_357 = arith.constant 375 : i32
    %add3A_358 = arith.addi %mul3A_356, %add3A_357 : i32
    %dma_wait3A_359 = arith.constant 0 : i32
    %dma_wait3A_360 = arith.constant 0 : i32
    %dma_wait3A_361 = tpu.memref_slice %arg11[%dma_wait3A_359, %dma_wait3A_360] : memref<128x64xf32, #tpu.memory_space<vmem>> -> memref<125x64xf32, #tpu.memory_space<vmem>>
    %dma_wait3A_362 = arith.constant 0 : i32
    %dma_wait3A_363 = tpu.memref_slice %arg2[%add3A_358, %dma_wait3A_362] : memref<10000x64xf32, #tpu.memory_space<hbm>> -> memref<125x64xf32, #tpu.memory_space<hbm>>
    %dma_wait3A_364 = arith.constant 0 : i32
    %dma_wait3A_365 = arith.constant 0 : i32
    %dma_wait3A_366 = tpu.memref_slice %arg11[%dma_wait3A_364, %dma_wait3A_365] : memref<128x64xf32, #tpu.memory_space<vmem>> -> memref<125x64xf32, #tpu.memory_space<vmem>>
    %dma_wait3A_367 = arith.constant 0 : i32
    %dma_wait3A_368 = tpu.memref_slice %arg2[%add3A_358, %dma_wait3A_367] : memref<10000x64xf32, #tpu.memory_space<hbm>> -> memref<125x64xf32, #tpu.memory_space<hbm>>
    tpu.wait_dma2 semaphore(%arg20 : memref<!tpu.dma_semaphore, #tpu.memory_space<semaphore_mem>>) src(%dma_wait3A_368 : memref<125x64xf32, #tpu.memory_space<hbm>>) dst(%dma_wait3A_366 : memref<125x64xf32, #tpu.memory_space<vmem>>)
    %dma_wait3A_369 = arith.constant 0 : i32
    %dma_wait3A_370 = arith.constant 0 : i32
    %dma_wait3A_371 = arith.constant 0 : i32
    %dma_wait3A_372 = tpu.memref_slice %arg15[%dma_wait3A_370, %dma_wait3A_371] : memref<128x16xf32, #tpu.memory_space<vmem>> -> memref<125x16xf32, #tpu.memory_space<vmem>>
    %dma_wait3A_373 = arith.constant 0 : i32
    %dma_wait3A_374 = tpu.memref_slice %arg3[%dma_wait3A_369, %add3A_358, %dma_wait3A_373] : memref<2x10240x16xf32, #tpu.memory_space<hbm>> -> memref<1x125x16xf32, #tpu.memory_space<hbm>>
    %dma_wait3A_375 = tpu.memref_squeeze %dma_wait3A_374 : memref<1x125x16xf32, #tpu.memory_space<hbm>> -> memref<125x16xf32, #tpu.memory_space<hbm>>
    %dma_wait3A_376 = arith.constant 0 : i32
    %dma_wait3A_377 = arith.constant 0 : i32
    %dma_wait3A_378 = tpu.memref_slice %arg15[%dma_wait3A_376, %dma_wait3A_377] : memref<128x16xf32, #tpu.memory_space<vmem>> -> memref<125x16xf32, #tpu.memory_space<vmem>>
    %dma_wait3A_379 = arith.constant 0 : i32
    %dma_wait3A_380 = tpu.memref_slice %arg3[%dma_wait3A_369, %add3A_358, %dma_wait3A_379] : memref<2x10240x16xf32, #tpu.memory_space<hbm>> -> memref<1x125x16xf32, #tpu.memory_space<hbm>>
    %dma_wait3A_381 = tpu.memref_squeeze %dma_wait3A_380 : memref<1x125x16xf32, #tpu.memory_space<hbm>> -> memref<125x16xf32, #tpu.memory_space<hbm>>
    tpu.wait_dma2 semaphore(%arg23 : memref<!tpu.dma_semaphore, #tpu.memory_space<semaphore_mem>>) src(%dma_wait3A_381 : memref<125x16xf32, #tpu.memory_space<hbm>>) dst(%dma_wait3A_378 : memref<125x16xf32, #tpu.memory_space<vmem>>)
    %dma_wait3A_382 = arith.constant 1 : i32
    %dma_wait3A_383 = arith.constant 0 : i32
    %dma_wait3A_384 = arith.constant 0 : i32
    %dma_wait3A_385 = tpu.memref_slice %arg16[%dma_wait3A_383, %dma_wait3A_384] : memref<128x16xf32, #tpu.memory_space<vmem>> -> memref<125x16xf32, #tpu.memory_space<vmem>>
    %dma_wait3A_386 = arith.constant 0 : i32
    %dma_wait3A_387 = tpu.memref_slice %arg3[%dma_wait3A_382, %add3A_358, %dma_wait3A_386] : memref<2x10240x16xf32, #tpu.memory_space<hbm>> -> memref<1x125x16xf32, #tpu.memory_space<hbm>>
    %dma_wait3A_388 = tpu.memref_squeeze %dma_wait3A_387 : memref<1x125x16xf32, #tpu.memory_space<hbm>> -> memref<125x16xf32, #tpu.memory_space<hbm>>
    %dma_wait3A_389 = arith.constant 0 : i32
    %dma_wait3A_390 = arith.constant 0 : i32
    %dma_wait3A_391 = tpu.memref_slice %arg16[%dma_wait3A_389, %dma_wait3A_390] : memref<128x16xf32, #tpu.memory_space<vmem>> -> memref<125x16xf32, #tpu.memory_space<vmem>>
    %dma_wait3A_392 = arith.constant 0 : i32
    %dma_wait3A_393 = tpu.memref_slice %arg3[%dma_wait3A_382, %add3A_358, %dma_wait3A_392] : memref<2x10240x16xf32, #tpu.memory_space<hbm>> -> memref<1x125x16xf32, #tpu.memory_space<hbm>>
    %dma_wait3A_394 = tpu.memref_squeeze %dma_wait3A_393 : memref<1x125x16xf32, #tpu.memory_space<hbm>> -> memref<125x16xf32, #tpu.memory_space<hbm>>
    tpu.wait_dma2 semaphore(%arg23 : memref<!tpu.dma_semaphore, #tpu.memory_space<semaphore_mem>>) src(%dma_wait3A_394 : memref<125x16xf32, #tpu.memory_space<hbm>>) dst(%dma_wait3A_391 : memref<125x16xf32, #tpu.memory_space<vmem>>)
    %scan3A_395 = arith.constant 0 : i32
    %scan3A_396 = arith.constant 0 : i32
    %scan3A_397 = arith.constant 125 : i32
    %scan3A_398 = arith.addi %scan3A_396, %scan3A_397 : i32
    %scan3A_399 = arith.constant 1 : i32
    %scan3A_400 = scf.for %scan3A_499 = %scan3A_396 to %scan3A_398 step %scan3A_399 iter_args(%scan3A_500 = %scan3A_395) -> (i32)  : i32 {
      %get3A = arith.index_cast %scan3A_499 : i32 to index
      %get3A_501 = arith.constant 0 : index
      %get3A_502 = tpu.vector_load %arg15[%get3A, %get3A_501] {strides = array<i32>} : memref<128x16xf32, #tpu.memory_space<vmem>>, vector<16xf32>,
      %add3A_503 = arith.constant 1.000000e+00 : f32
      %add3A_504 = vector.broadcast %add3A_503 : f32 to vector<16xf32>
      %add3A_505 = arith.addf %add3A_504, %get3A_502 : vector<16xf32>
      %get3A_506 = arith.index_cast %scan3A_499 : i32 to index
      %get3A_507 = arith.constant 0 : index
      %get3A_508 = tpu.vector_load %arg16[%get3A_506, %get3A_507] {strides = array<i32>} : memref<128x16xf32, #tpu.memory_space<vmem>>, vector<16xf32>,
      %add3A_509 = arith.addf %add3A_505, %get3A_508 : vector<16xf32>
      %bitcast3A = vector.bitcast %add3A_509 : vector<16xf32> to vector<16xi32>
      %shift_right_logical3A = arith.constant 1 : i32
      %shift_right_logical3A_510 = vector.broadcast %shift_right_logical3A : i32 to vector<16xi32>
      %shift_right_logical3A_511 = arith.shrui %bitcast3A, %shift_right_logical3A_510 : vector<16xi32>
      %sub3A = arith.constant 1597463007 : i32
      %sub3A_512 = vector.broadcast %sub3A : i32 to vector<16xi32>
      %sub3A_513 = arith.subi %sub3A_512, %shift_right_logical3A_511 : vector<16xi32>
      %bitcast3A_514 = vector.bitcast %sub3A_513 : vector<16xi32> to vector<16xf32>
      %mul3A_515 = arith.constant 5.000000e-01 : f32
      %mul3A_516 = vector.broadcast %mul3A_515 : f32 to vector<16xf32>
      %mul3A_517 = arith.mulf %mul3A_516, %add3A_509 : vector<16xf32>
      %mul3A_518 = arith.mulf %mul3A_517, %bitcast3A_514 : vector<16xf32>
      %mul3A_519 = arith.mulf %mul3A_518, %bitcast3A_514 : vector<16xf32>
      %sub3A_520 = arith.constant 1.500000e+00 : f32
      %sub3A_521 = vector.broadcast %sub3A_520 : f32 to vector<16xf32>
      %sub3A_522 = arith.subf %sub3A_521, %mul3A_519 : vector<16xf32>
      %mul3A_523 = arith.mulf %bitcast3A_514, %sub3A_522 : vector<16xf32>
      %mul3A_524 = arith.constant 5.000000e-01 : f32
      %mul3A_525 = vector.broadcast %mul3A_524 : f32 to vector<16xf32>
      %mul3A_526 = arith.mulf %mul3A_525, %add3A_509 : vector<16xf32>
      %mul3A_527 = arith.mulf %mul3A_526, %mul3A_523 : vector<16xf32>
      %mul3A_528 = arith.mulf %mul3A_527, %mul3A_523 : vector<16xf32>
      %sub3A_529 = arith.constant 1.500000e+00 : f32
      %sub3A_530 = vector.broadcast %sub3A_529 : f32 to vector<16xf32>
      %sub3A_531 = arith.subf %sub3A_530, %mul3A_528 : vector<16xf32>
      %mul3A_532 = arith.mulf %mul3A_523, %sub3A_531 : vector<16xf32>
      %get3A_533 = arith.index_cast %scan3A_499 : i32 to index
      %get3A_534 = arith.constant 0 : index
      %get3A_535 = tpu.vector_load %arg11[%get3A_533, %get3A_534] {strides = array<i32>} : memref<128x64xf32, #tpu.memory_space<vmem>>, vector<16xf32>,
      %mul3A_536 = arith.mulf %get3A_535, %mul3A_532 : vector<16xf32>
      %swap3A = arith.index_cast %scan3A_499 : i32 to index
      %swap3A_537 = arith.constant 0 : index
      %swap3A_538 = tpu.vector_load %arg11[%swap3A, %swap3A_537] {strides = array<i32>} : memref<128x64xf32, #tpu.memory_space<vmem>>, vector<16xf32>,
      tpu.vector_store %arg11[%swap3A, %swap3A_537], %mul3A_536 {strides = array<i32>} : memref<128x64xf32, #tpu.memory_space<vmem>>, vector<16xf32>,
      %get3A_539 = arith.index_cast %scan3A_499 : i32 to index
      %get3A_540 = arith.constant 16 : index
      %get3A_541 = tpu.vector_load %arg11[%get3A_539, %get3A_540] {strides = array<i32>} : memref<128x64xf32, #tpu.memory_space<vmem>>, vector<16xf32>,
      %mul3A_542 = arith.mulf %get3A_541, %mul3A_532 : vector<16xf32>
      %swap3A_543 = arith.index_cast %scan3A_499 : i32 to index
      %swap3A_544 = arith.constant 16 : index
      %swap3A_545 = tpu.vector_load %arg11[%swap3A_543, %swap3A_544] {strides = array<i32>} : memref<128x64xf32, #tpu.memory_space<vmem>>, vector<16xf32>,
      tpu.vector_store %arg11[%swap3A_543, %swap3A_544], %mul3A_542 {strides = array<i32>} : memref<128x64xf32, #tpu.memory_space<vmem>>, vector<16xf32>,
      %get3A_546 = arith.index_cast %scan3A_499 : i32 to index
      %get3A_547 = arith.constant 32 : index
      %get3A_548 = tpu.vector_load %arg11[%get3A_546, %get3A_547] {strides = array<i32>} : memref<128x64xf32, #tpu.memory_space<vmem>>, vector<16xf32>,
      %mul3A_549 = arith.mulf %get3A_548, %mul3A_532 : vector<16xf32>
      %swap3A_550 = arith.index_cast %scan3A_499 : i32 to index
      %swap3A_551 = arith.constant 32 : index
      %swap3A_552 = tpu.vector_load %arg11[%swap3A_550, %swap3A_551] {strides = array<i32>} : memref<128x64xf32, #tpu.memory_space<vmem>>, vector<16xf32>,
      tpu.vector_store %arg11[%swap3A_550, %swap3A_551], %mul3A_549 {strides = array<i32>} : memref<128x64xf32, #tpu.memory_space<vmem>>, vector<16xf32>,
      %get3A_553 = arith.index_cast %scan3A_499 : i32 to index
      %get3A_554 = arith.constant 48 : index
      %get3A_555 = tpu.vector_load %arg11[%get3A_553, %get3A_554] {strides = array<i32>} : memref<128x64xf32, #tpu.memory_space<vmem>>, vector<16xf32>,
      %mul3A_556 = arith.mulf %get3A_555, %mul3A_532 : vector<16xf32>
      %swap3A_557 = arith.index_cast %scan3A_499 : i32 to index
      %swap3A_558 = arith.constant 48 : index
      %swap3A_559 = tpu.vector_load %arg11[%swap3A_557, %swap3A_558] {strides = array<i32>} : memref<128x64xf32, #tpu.memory_space<vmem>>, vector<16xf32>,
      tpu.vector_store %arg11[%swap3A_557, %swap3A_558], %mul3A_556 {strides = array<i32>} : memref<128x64xf32, #tpu.memory_space<vmem>>, vector<16xf32>,
      %scan3A_560 = arith.constant 0 : i32
      scf.yield %scan3A_560 : i32
    }
    %scan3A_401 = arith.constant 125 : i32
    "tpu.region"() ({
      %run_scoped3A = tpu.sem_alloc : memref<!tpu.dma_semaphore, #tpu.memory_space<semaphore_mem>>
      %dma_start3A_499 = arith.constant 0 : i32
      %dma_start3A_500 = arith.constant 0 : i32
      %dma_start3A_501 = tpu.memref_slice %arg11[%dma_start3A_499, %dma_start3A_500] : memref<128x64xf32, #tpu.memory_space<vmem>> -> memref<125x64xf32, #tpu.memory_space<vmem>>
      %dma_start3A_502 = arith.constant 0 : i32
      %dma_start3A_503 = tpu.memref_slice %arg18[%add3A_358, %dma_start3A_502] : memref<10000x64xf32, #tpu.memory_space<vmem_shared>> -> memref<125x64xf32, #tpu.memory_space<vmem_shared>>
      %dma_start3A_504 = arith.constant 0 : i32
      %dma_start3A_505 = tpu.memref_slice %arg18[%add3A_358, %dma_start3A_504] : memref<10000x64xf32, #tpu.memory_space<vmem_shared>> -> memref<125x64xf32, #tpu.memory_space<vmem_shared>>
      %dma_start3A_506 = arith.constant 0 : i32
      %dma_start3A_507 = arith.constant 0 : i32
      %dma_start3A_508 = tpu.memref_slice %arg11[%dma_start3A_506, %dma_start3A_507] : memref<128x64xf32, #tpu.memory_space<vmem>> -> memref<125x64xf32, #tpu.memory_space<vmem>>
      tpu.enqueue_dma source(%dma_start3A_508 : memref<125x64xf32, #tpu.memory_space<vmem>>) target(%dma_start3A_505 : memref<125x64xf32, #tpu.memory_space<vmem_shared>>) target_semaphore(%run_scoped3A : memref<!tpu.dma_semaphore, #tpu.memory_space<semaphore_mem>>)
      %dma_wait3A_509 = arith.constant 0 : i32
      %dma_wait3A_510 = arith.constant 0 : i32
      %dma_wait3A_511 = tpu.memref_slice %arg11[%dma_wait3A_509, %dma_wait3A_510] : memref<128x64xf32, #tpu.memory_space<vmem>> -> memref<125x64xf32, #tpu.memory_space<vmem>>
      %dma_wait3A_512 = arith.constant 0 : i32
      %dma_wait3A_513 = tpu.memref_slice %arg18[%add3A_358, %dma_wait3A_512] : memref<10000x64xf32, #tpu.memory_space<vmem_shared>> -> memref<125x64xf32, #tpu.memory_space<vmem_shared>>
      %dma_wait3A_514 = arith.constant 0 : i32
      %dma_wait3A_515 = tpu.memref_slice %arg18[%add3A_358, %dma_wait3A_514] : memref<10000x64xf32, #tpu.memory_space<vmem_shared>> -> memref<125x64xf32, #tpu.memory_space<vmem_shared>>
      %dma_wait3A_516 = arith.constant 0 : i32
      %dma_wait3A_517 = arith.constant 0 : i32
      %dma_wait3A_518 = tpu.memref_slice %arg11[%dma_wait3A_516, %dma_wait3A_517] : memref<128x64xf32, #tpu.memory_space<vmem>> -> memref<125x64xf32, #tpu.memory_space<vmem>>
      tpu.wait_dma2 semaphore(%run_scoped3A : memref<!tpu.dma_semaphore, #tpu.memory_space<semaphore_mem>>) src(%dma_wait3A_518 : memref<125x64xf32, #tpu.memory_space<vmem>>) dst(%dma_wait3A_515 : memref<125x64xf32, #tpu.memory_space<vmem_shared>>)
      tpu.yield
    }) : () -> ()
    %mul3A_402 = arith.constant 625 : i32
    %mul3A_403 = arith.muli %arg1, %mul3A_402 : i32
    %add3A_404 = arith.constant 500 : i32
    %add3A_405 = arith.addi %mul3A_403, %add3A_404 : i32
    %dma_wait3A_406 = arith.constant 0 : i32
    %dma_wait3A_407 = arith.constant 0 : i32
    %dma_wait3A_408 = tpu.memref_slice %arg10[%dma_wait3A_406, %dma_wait3A_407] : memref<128x64xf32, #tpu.memory_space<vmem>> -> memref<125x64xf32, #tpu.memory_space<vmem>>
    %dma_wait3A_409 = arith.constant 0 : i32
    %dma_wait3A_410 = tpu.memref_slice %arg2[%add3A_405, %dma_wait3A_409] : memref<10000x64xf32, #tpu.memory_space<hbm>> -> memref<125x64xf32, #tpu.memory_space<hbm>>
    %dma_wait3A_411 = arith.constant 0 : i32
    %dma_wait3A_412 = arith.constant 0 : i32
    %dma_wait3A_413 = tpu.memref_slice %arg10[%dma_wait3A_411, %dma_wait3A_412] : memref<128x64xf32, #tpu.memory_space<vmem>> -> memref<125x64xf32, #tpu.memory_space<vmem>>
    %dma_wait3A_414 = arith.constant 0 : i32
    %dma_wait3A_415 = tpu.memref_slice %arg2[%add3A_405, %dma_wait3A_414] : memref<10000x64xf32, #tpu.memory_space<hbm>> -> memref<125x64xf32, #tpu.memory_space<hbm>>
    tpu.wait_dma2 semaphore(%arg19 : memref<!tpu.dma_semaphore, #tpu.memory_space<semaphore_mem>>) src(%dma_wait3A_415 : memref<125x64xf32, #tpu.memory_space<hbm>>) dst(%dma_wait3A_413 : memref<125x64xf32, #tpu.memory_space<vmem>>)
    %dma_wait3A_416 = arith.constant 0 : i32
    %dma_wait3A_417 = arith.constant 0 : i32
    %dma_wait3A_418 = arith.constant 0 : i32
    %dma_wait3A_419 = tpu.memref_slice %arg13[%dma_wait3A_417, %dma_wait3A_418] : memref<128x16xf32, #tpu.memory_space<vmem>> -> memref<125x16xf32, #tpu.memory_space<vmem>>
    %dma_wait3A_420 = arith.constant 0 : i32
    %dma_wait3A_421 = tpu.memref_slice %arg3[%dma_wait3A_416, %add3A_405, %dma_wait3A_420] : memref<2x10240x16xf32, #tpu.memory_space<hbm>> -> memref<1x125x16xf32, #tpu.memory_space<hbm>>
    %dma_wait3A_422 = tpu.memref_squeeze %dma_wait3A_421 : memref<1x125x16xf32, #tpu.memory_space<hbm>> -> memref<125x16xf32, #tpu.memory_space<hbm>>
    %dma_wait3A_423 = arith.constant 0 : i32
    %dma_wait3A_424 = arith.constant 0 : i32
    %dma_wait3A_425 = tpu.memref_slice %arg13[%dma_wait3A_423, %dma_wait3A_424] : memref<128x16xf32, #tpu.memory_space<vmem>> -> memref<125x16xf32, #tpu.memory_space<vmem>>
    %dma_wait3A_426 = arith.constant 0 : i32
    %dma_wait3A_427 = tpu.memref_slice %arg3[%dma_wait3A_416, %add3A_405, %dma_wait3A_426] : memref<2x10240x16xf32, #tpu.memory_space<hbm>> -> memref<1x125x16xf32, #tpu.memory_space<hbm>>
    %dma_wait3A_428 = tpu.memref_squeeze %dma_wait3A_427 : memref<1x125x16xf32, #tpu.memory_space<hbm>> -> memref<125x16xf32, #tpu.memory_space<hbm>>
    tpu.wait_dma2 semaphore(%arg22 : memref<!tpu.dma_semaphore, #tpu.memory_space<semaphore_mem>>) src(%dma_wait3A_428 : memref<125x16xf32, #tpu.memory_space<hbm>>) dst(%dma_wait3A_425 : memref<125x16xf32, #tpu.memory_space<vmem>>)
    %dma_wait3A_429 = arith.constant 1 : i32
    %dma_wait3A_430 = arith.constant 0 : i32
    %dma_wait3A_431 = arith.constant 0 : i32
    %dma_wait3A_432 = tpu.memref_slice %arg14[%dma_wait3A_430, %dma_wait3A_431] : memref<128x16xf32, #tpu.memory_space<vmem>> -> memref<125x16xf32, #tpu.memory_space<vmem>>
    %dma_wait3A_433 = arith.constant 0 : i32
    %dma_wait3A_434 = tpu.memref_slice %arg3[%dma_wait3A_429, %add3A_405, %dma_wait3A_433] : memref<2x10240x16xf32, #tpu.memory_space<hbm>> -> memref<1x125x16xf32, #tpu.memory_space<hbm>>
    %dma_wait3A_435 = tpu.memref_squeeze %dma_wait3A_434 : memref<1x125x16xf32, #tpu.memory_space<hbm>> -> memref<125x16xf32, #tpu.memory_space<hbm>>
    %dma_wait3A_436 = arith.constant 0 : i32
    %dma_wait3A_437 = arith.constant 0 : i32
    %dma_wait3A_438 = tpu.memref_slice %arg14[%dma_wait3A_436, %dma_wait3A_437] : memref<128x16xf32, #tpu.memory_space<vmem>> -> memref<125x16xf32, #tpu.memory_space<vmem>>
    %dma_wait3A_439 = arith.constant 0 : i32
    %dma_wait3A_440 = tpu.memref_slice %arg3[%dma_wait3A_429, %add3A_405, %dma_wait3A_439] : memref<2x10240x16xf32, #tpu.memory_space<hbm>> -> memref<1x125x16xf32, #tpu.memory_space<hbm>>
    %dma_wait3A_441 = tpu.memref_squeeze %dma_wait3A_440 : memref<1x125x16xf32, #tpu.memory_space<hbm>> -> memref<125x16xf32, #tpu.memory_space<hbm>>
    tpu.wait_dma2 semaphore(%arg22 : memref<!tpu.dma_semaphore, #tpu.memory_space<semaphore_mem>>) src(%dma_wait3A_441 : memref<125x16xf32, #tpu.memory_space<hbm>>) dst(%dma_wait3A_438 : memref<125x16xf32, #tpu.memory_space<vmem>>)
    %scan3A_442 = arith.constant 0 : i32
    %scan3A_443 = arith.constant 0 : i32
    %scan3A_444 = arith.constant 125 : i32
    %scan3A_445 = arith.addi %scan3A_443, %scan3A_444 : i32
    %scan3A_446 = arith.constant 1 : i32
    %scan3A_447 = scf.for %scan3A_499 = %scan3A_443 to %scan3A_445 step %scan3A_446 iter_args(%scan3A_500 = %scan3A_442) -> (i32)  : i32 {
      %get3A = arith.index_cast %scan3A_499 : i32 to index
      %get3A_501 = arith.constant 0 : index
      %get3A_502 = tpu.vector_load %arg13[%get3A, %get3A_501] {strides = array<i32>} : memref<128x16xf32, #tpu.memory_space<vmem>>, vector<16xf32>,
      %add3A_503 = arith.constant 1.000000e+00 : f32
      %add3A_504 = vector.broadcast %add3A_503 : f32 to vector<16xf32>
      %add3A_505 = arith.addf %add3A_504, %get3A_502 : vector<16xf32>
      %get3A_506 = arith.index_cast %scan3A_499 : i32 to index
      %get3A_507 = arith.constant 0 : index
      %get3A_508 = tpu.vector_load %arg14[%get3A_506, %get3A_507] {strides = array<i32>} : memref<128x16xf32, #tpu.memory_space<vmem>>, vector<16xf32>,
      %add3A_509 = arith.addf %add3A_505, %get3A_508 : vector<16xf32>
      %bitcast3A = vector.bitcast %add3A_509 : vector<16xf32> to vector<16xi32>
      %shift_right_logical3A = arith.constant 1 : i32
      %shift_right_logical3A_510 = vector.broadcast %shift_right_logical3A : i32 to vector<16xi32>
      %shift_right_logical3A_511 = arith.shrui %bitcast3A, %shift_right_logical3A_510 : vector<16xi32>
      %sub3A = arith.constant 1597463007 : i32
      %sub3A_512 = vector.broadcast %sub3A : i32 to vector<16xi32>
      %sub3A_513 = arith.subi %sub3A_512, %shift_right_logical3A_511 : vector<16xi32>
      %bitcast3A_514 = vector.bitcast %sub3A_513 : vector<16xi32> to vector<16xf32>
      %mul3A_515 = arith.constant 5.000000e-01 : f32
      %mul3A_516 = vector.broadcast %mul3A_515 : f32 to vector<16xf32>
      %mul3A_517 = arith.mulf %mul3A_516, %add3A_509 : vector<16xf32>
      %mul3A_518 = arith.mulf %mul3A_517, %bitcast3A_514 : vector<16xf32>
      %mul3A_519 = arith.mulf %mul3A_518, %bitcast3A_514 : vector<16xf32>
      %sub3A_520 = arith.constant 1.500000e+00 : f32
      %sub3A_521 = vector.broadcast %sub3A_520 : f32 to vector<16xf32>
      %sub3A_522 = arith.subf %sub3A_521, %mul3A_519 : vector<16xf32>
      %mul3A_523 = arith.mulf %bitcast3A_514, %sub3A_522 : vector<16xf32>
      %mul3A_524 = arith.constant 5.000000e-01 : f32
      %mul3A_525 = vector.broadcast %mul3A_524 : f32 to vector<16xf32>
      %mul3A_526 = arith.mulf %mul3A_525, %add3A_509 : vector<16xf32>
      %mul3A_527 = arith.mulf %mul3A_526, %mul3A_523 : vector<16xf32>
      %mul3A_528 = arith.mulf %mul3A_527, %mul3A_523 : vector<16xf32>
      %sub3A_529 = arith.constant 1.500000e+00 : f32
      %sub3A_530 = vector.broadcast %sub3A_529 : f32 to vector<16xf32>
      %sub3A_531 = arith.subf %sub3A_530, %mul3A_528 : vector<16xf32>
      %mul3A_532 = arith.mulf %mul3A_523, %sub3A_531 : vector<16xf32>
      %get3A_533 = arith.index_cast %scan3A_499 : i32 to index
      %get3A_534 = arith.constant 0 : index
      %get3A_535 = tpu.vector_load %arg10[%get3A_533, %get3A_534] {strides = array<i32>} : memref<128x64xf32, #tpu.memory_space<vmem>>, vector<16xf32>,
      %mul3A_536 = arith.mulf %get3A_535, %mul3A_532 : vector<16xf32>
      %swap3A = arith.index_cast %scan3A_499 : i32 to index
      %swap3A_537 = arith.constant 0 : index
      %swap3A_538 = tpu.vector_load %arg10[%swap3A, %swap3A_537] {strides = array<i32>} : memref<128x64xf32, #tpu.memory_space<vmem>>, vector<16xf32>,
      tpu.vector_store %arg10[%swap3A, %swap3A_537], %mul3A_536 {strides = array<i32>} : memref<128x64xf32, #tpu.memory_space<vmem>>, vector<16xf32>,
      %get3A_539 = arith.index_cast %scan3A_499 : i32 to index
      %get3A_540 = arith.constant 16 : index
      %get3A_541 = tpu.vector_load %arg10[%get3A_539, %get3A_540] {strides = array<i32>} : memref<128x64xf32, #tpu.memory_space<vmem>>, vector<16xf32>,
      %mul3A_542 = arith.mulf %get3A_541, %mul3A_532 : vector<16xf32>
      %swap3A_543 = arith.index_cast %scan3A_499 : i32 to index
      %swap3A_544 = arith.constant 16 : index
      %swap3A_545 = tpu.vector_load %arg10[%swap3A_543, %swap3A_544] {strides = array<i32>} : memref<128x64xf32, #tpu.memory_space<vmem>>, vector<16xf32>,
      tpu.vector_store %arg10[%swap3A_543, %swap3A_544], %mul3A_542 {strides = array<i32>} : memref<128x64xf32, #tpu.memory_space<vmem>>, vector<16xf32>,
      %get3A_546 = arith.index_cast %scan3A_499 : i32 to index
      %get3A_547 = arith.constant 32 : index
      %get3A_548 = tpu.vector_load %arg10[%get3A_546, %get3A_547] {strides = array<i32>} : memref<128x64xf32, #tpu.memory_space<vmem>>, vector<16xf32>,
      %mul3A_549 = arith.mulf %get3A_548, %mul3A_532 : vector<16xf32>
      %swap3A_550 = arith.index_cast %scan3A_499 : i32 to index
      %swap3A_551 = arith.constant 32 : index
      %swap3A_552 = tpu.vector_load %arg10[%swap3A_550, %swap3A_551] {strides = array<i32>} : memref<128x64xf32, #tpu.memory_space<vmem>>, vector<16xf32>,
      tpu.vector_store %arg10[%swap3A_550, %swap3A_551], %mul3A_549 {strides = array<i32>} : memref<128x64xf32, #tpu.memory_space<vmem>>, vector<16xf32>,
      %get3A_553 = arith.index_cast %scan3A_499 : i32 to index
      %get3A_554 = arith.constant 48 : index
      %get3A_555 = tpu.vector_load %arg10[%get3A_553, %get3A_554] {strides = array<i32>} : memref<128x64xf32, #tpu.memory_space<vmem>>, vector<16xf32>,
      %mul3A_556 = arith.mulf %get3A_555, %mul3A_532 : vector<16xf32>
      %swap3A_557 = arith.index_cast %scan3A_499 : i32 to index
      %swap3A_558 = arith.constant 48 : index
      %swap3A_559 = tpu.vector_load %arg10[%swap3A_557, %swap3A_558] {strides = array<i32>} : memref<128x64xf32, #tpu.memory_space<vmem>>, vector<16xf32>,
      tpu.vector_store %arg10[%swap3A_557, %swap3A_558], %mul3A_556 {strides = array<i32>} : memref<128x64xf32, #tpu.memory_space<vmem>>, vector<16xf32>,
      %scan3A_560 = arith.constant 0 : i32
      scf.yield %scan3A_560 : i32
    }
    %scan3A_448 = arith.constant 125 : i32
    "tpu.region"() ({
      %run_scoped3A = tpu.sem_alloc : memref<!tpu.dma_semaphore, #tpu.memory_space<semaphore_mem>>
      %dma_start3A_499 = arith.constant 0 : i32
      %dma_start3A_500 = arith.constant 0 : i32
      %dma_start3A_501 = tpu.memref_slice %arg10[%dma_start3A_499, %dma_start3A_500] : memref<128x64xf32, #tpu.memory_space<vmem>> -> memref<125x64xf32, #tpu.memory_space<vmem>>
      %dma_start3A_502 = arith.constant 0 : i32
      %dma_start3A_503 = tpu.memref_slice %arg18[%add3A_405, %dma_start3A_502] : memref<10000x64xf32, #tpu.memory_space<vmem_shared>> -> memref<125x64xf32, #tpu.memory_space<vmem_shared>>
      %dma_start3A_504 = arith.constant 0 : i32
      %dma_start3A_505 = tpu.memref_slice %arg18[%add3A_405, %dma_start3A_504] : memref<10000x64xf32, #tpu.memory_space<vmem_shared>> -> memref<125x64xf32, #tpu.memory_space<vmem_shared>>
      %dma_start3A_506 = arith.constant 0 : i32
      %dma_start3A_507 = arith.constant 0 : i32
      %dma_start3A_508 = tpu.memref_slice %arg10[%dma_start3A_506, %dma_start3A_507] : memref<128x64xf32, #tpu.memory_space<vmem>> -> memref<125x64xf32, #tpu.memory_space<vmem>>
      tpu.enqueue_dma source(%dma_start3A_508 : memref<125x64xf32, #tpu.memory_space<vmem>>) target(%dma_start3A_505 : memref<125x64xf32, #tpu.memory_space<vmem_shared>>) target_semaphore(%run_scoped3A : memref<!tpu.dma_semaphore, #tpu.memory_space<semaphore_mem>>)
      %dma_wait3A_509 = arith.constant 0 : i32
      %dma_wait3A_510 = arith.constant 0 : i32
      %dma_wait3A_511 = tpu.memref_slice %arg10[%dma_wait3A_509, %dma_wait3A_510] : memref<128x64xf32, #tpu.memory_space<vmem>> -> memref<125x64xf32, #tpu.memory_space<vmem>>
      %dma_wait3A_512 = arith.constant 0 : i32
      %dma_wait3A_513 = tpu.memref_slice %arg18[%add3A_405, %dma_wait3A_512] : memref<10000x64xf32, #tpu.memory_space<vmem_shared>> -> memref<125x64xf32, #tpu.memory_space<vmem_shared>>
      %dma_wait3A_514 = arith.constant 0 : i32
      %dma_wait3A_515 = tpu.memref_slice %arg18[%add3A_405, %dma_wait3A_514] : memref<10000x64xf32, #tpu.memory_space<vmem_shared>> -> memref<125x64xf32, #tpu.memory_space<vmem_shared>>
      %dma_wait3A_516 = arith.constant 0 : i32
      %dma_wait3A_517 = arith.constant 0 : i32
      %dma_wait3A_518 = tpu.memref_slice %arg10[%dma_wait3A_516, %dma_wait3A_517] : memref<128x64xf32, #tpu.memory_space<vmem>> -> memref<125x64xf32, #tpu.memory_space<vmem>>
      tpu.wait_dma2 semaphore(%run_scoped3A : memref<!tpu.dma_semaphore, #tpu.memory_space<semaphore_mem>>) src(%dma_wait3A_518 : memref<125x64xf32, #tpu.memory_space<vmem>>) dst(%dma_wait3A_515 : memref<125x64xf32, #tpu.memory_space<vmem_shared>>)
      tpu.yield
    }) : () -> ()
    "tpu.region"() ({
      %run_scoped3A = tpu.sem_alloc : memref<!tpu.dma_semaphore, #tpu.memory_space<semaphore_mem>>
      %dma_start3A_499 = arith.constant 0 : i32
      %dma_start3A_500 = arith.constant 0 : i32
      %dma_start3A_501 = tpu.memref_slice %arg8[%dma_start3A_499, %dma_start3A_500] : memref<40x128xi32, #tpu.memory_space<vmem>> -> memref<39x128xi32, #tpu.memory_space<vmem>>
      %dma_start3A_502 = arith.constant 0 : i32
      %dma_start3A_503 = tpu.memref_slice %arg4[%add3A_11, %dma_start3A_502] : memref<1250x128xi32, #tpu.memory_space<hbm>> -> memref<39x128xi32, #tpu.memory_space<hbm>>
      %dma_start3A_504 = arith.constant 0 : i32
      %dma_start3A_505 = arith.constant 0 : i32
      %dma_start3A_506 = tpu.memref_slice %arg8[%dma_start3A_504, %dma_start3A_505] : memref<40x128xi32, #tpu.memory_space<vmem>> -> memref<39x128xi32, #tpu.memory_space<vmem>>
      %dma_start3A_507 = arith.constant 0 : i32
      %dma_start3A_508 = tpu.memref_slice %arg4[%add3A_11, %dma_start3A_507] : memref<1250x128xi32, #tpu.memory_space<hbm>> -> memref<39x128xi32, #tpu.memory_space<hbm>>
      tpu.enqueue_dma source(%dma_start3A_508 : memref<39x128xi32, #tpu.memory_space<hbm>>) target(%dma_start3A_506 : memref<39x128xi32, #tpu.memory_space<vmem>>) target_semaphore(%run_scoped3A : memref<!tpu.dma_semaphore, #tpu.memory_space<semaphore_mem>>)
      %dma_wait3A_509 = arith.constant 0 : i32
      %dma_wait3A_510 = arith.constant 0 : i32
      %dma_wait3A_511 = tpu.memref_slice %arg8[%dma_wait3A_509, %dma_wait3A_510] : memref<40x128xi32, #tpu.memory_space<vmem>> -> memref<39x128xi32, #tpu.memory_space<vmem>>
      %dma_wait3A_512 = arith.constant 0 : i32
      %dma_wait3A_513 = tpu.memref_slice %arg4[%add3A_11, %dma_wait3A_512] : memref<1250x128xi32, #tpu.memory_space<hbm>> -> memref<39x128xi32, #tpu.memory_space<hbm>>
      %dma_wait3A_514 = arith.constant 0 : i32
      %dma_wait3A_515 = arith.constant 0 : i32
      %dma_wait3A_516 = tpu.memref_slice %arg8[%dma_wait3A_514, %dma_wait3A_515] : memref<40x128xi32, #tpu.memory_space<vmem>> -> memref<39x128xi32, #tpu.memory_space<vmem>>
      %dma_wait3A_517 = arith.constant 0 : i32
      %dma_wait3A_518 = tpu.memref_slice %arg4[%add3A_11, %dma_wait3A_517] : memref<1250x128xi32, #tpu.memory_space<hbm>> -> memref<39x128xi32, #tpu.memory_space<hbm>>
      tpu.wait_dma2 semaphore(%run_scoped3A : memref<!tpu.dma_semaphore, #tpu.memory_space<semaphore_mem>>) src(%dma_wait3A_518 : memref<39x128xi32, #tpu.memory_space<hbm>>) dst(%dma_wait3A_516 : memref<39x128xi32, #tpu.memory_space<vmem>>)
      tpu.yield
    }) : () -> ()
    "tpu.region"() ({
      %run_scoped3A = tpu.sem_alloc : memref<!tpu.dma_semaphore, #tpu.memory_space<semaphore_mem>>
      %dma_start3A_499 = arith.constant 0 : i32
      %dma_start3A_500 = arith.constant 0 : i32
      %dma_start3A_501 = tpu.memref_slice %arg9[%dma_start3A_499, %dma_start3A_500] : memref<40x128xi32, #tpu.memory_space<vmem>> -> memref<39x128xi32, #tpu.memory_space<vmem>>
      %dma_start3A_502 = arith.constant 0 : i32
      %dma_start3A_503 = tpu.memref_slice %arg5[%add3A_11, %dma_start3A_502] : memref<1250x128xi32, #tpu.memory_space<hbm>> -> memref<39x128xi32, #tpu.memory_space<hbm>>
      %dma_start3A_504 = arith.constant 0 : i32
      %dma_start3A_505 = arith.constant 0 : i32
      %dma_start3A_506 = tpu.memref_slice %arg9[%dma_start3A_504, %dma_start3A_505] : memref<40x128xi32, #tpu.memory_space<vmem>> -> memref<39x128xi32, #tpu.memory_space<vmem>>
      %dma_start3A_507 = arith.constant 0 : i32
      %dma_start3A_508 = tpu.memref_slice %arg5[%add3A_11, %dma_start3A_507] : memref<1250x128xi32, #tpu.memory_space<hbm>> -> memref<39x128xi32, #tpu.memory_space<hbm>>
      tpu.enqueue_dma source(%dma_start3A_508 : memref<39x128xi32, #tpu.memory_space<hbm>>) target(%dma_start3A_506 : memref<39x128xi32, #tpu.memory_space<vmem>>) target_semaphore(%run_scoped3A : memref<!tpu.dma_semaphore, #tpu.memory_space<semaphore_mem>>)
      %dma_wait3A_509 = arith.constant 0 : i32
      %dma_wait3A_510 = arith.constant 0 : i32
      %dma_wait3A_511 = tpu.memref_slice %arg9[%dma_wait3A_509, %dma_wait3A_510] : memref<40x128xi32, #tpu.memory_space<vmem>> -> memref<39x128xi32, #tpu.memory_space<vmem>>
      %dma_wait3A_512 = arith.constant 0 : i32
      %dma_wait3A_513 = tpu.memref_slice %arg5[%add3A_11, %dma_wait3A_512] : memref<1250x128xi32, #tpu.memory_space<hbm>> -> memref<39x128xi32, #tpu.memory_space<hbm>>
      %dma_wait3A_514 = arith.constant 0 : i32
      %dma_wait3A_515 = arith.constant 0 : i32
      %dma_wait3A_516 = tpu.memref_slice %arg9[%dma_wait3A_514, %dma_wait3A_515] : memref<40x128xi32, #tpu.memory_space<vmem>> -> memref<39x128xi32, #tpu.memory_space<vmem>>
      %dma_wait3A_517 = arith.constant 0 : i32
      %dma_wait3A_518 = tpu.memref_slice %arg5[%add3A_11, %dma_wait3A_517] : memref<1250x128xi32, #tpu.memory_space<hbm>> -> memref<39x128xi32, #tpu.memory_space<hbm>>
      tpu.wait_dma2 semaphore(%run_scoped3A : memref<!tpu.dma_semaphore, #tpu.memory_space<semaphore_mem>>) src(%dma_wait3A_518 : memref<39x128xi32, #tpu.memory_space<hbm>>) dst(%dma_wait3A_516 : memref<39x128xi32, #tpu.memory_space<vmem>>)
      tpu.yield
    }) : () -> ()
    %convert_element_type3A = arith.extui %or3A : i1 to i32
    %cond3A = arith.constant 0 : i32
    %cond3A_449 = arith.cmpi ne, %convert_element_type3A, %cond3A : i32
    scf.if %cond3A_449 {
      %add3A_499 = arith.constant 39 : i32
      %add3A_500 = arith.addi %add3A_11, %add3A_499 : i32
      "tpu.region"() ({
        %run_scoped3A = tpu.sem_alloc : memref<!tpu.dma_semaphore, #tpu.memory_space<semaphore_mem>>
        %dma_start3A_503 = arith.constant 39 : i32
        %dma_start3A_504 = arith.constant 0 : i32
        %dma_start3A_505 = tpu.memref_slice %arg8[%dma_start3A_503, %dma_start3A_504] : memref<40x128xi32, #tpu.memory_space<vmem>> -> memref<1x128xi32, #tpu.memory_space<vmem>>
        %dma_start3A_506 = arith.constant 0 : i32
        %dma_start3A_507 = tpu.memref_slice %arg4[%add3A_500, %dma_start3A_506] : memref<1250x128xi32, #tpu.memory_space<hbm>> -> memref<1x128xi32, #tpu.memory_space<hbm>>
        %dma_start3A_508 = arith.constant 39 : i32
        %dma_start3A_509 = arith.constant 0 : i32
        %dma_start3A_510 = tpu.memref_slice %arg8[%dma_start3A_508, %dma_start3A_509] : memref<40x128xi32, #tpu.memory_space<vmem>> -> memref<1x128xi32, #tpu.memory_space<vmem>>
        %dma_start3A_511 = arith.constant 0 : i32
        %dma_start3A_512 = tpu.memref_slice %arg4[%add3A_500, %dma_start3A_511] : memref<1250x128xi32, #tpu.memory_space<hbm>> -> memref<1x128xi32, #tpu.memory_space<hbm>>
        tpu.enqueue_dma source(%dma_start3A_512 : memref<1x128xi32, #tpu.memory_space<hbm>>) target(%dma_start3A_510 : memref<1x128xi32, #tpu.memory_space<vmem>>) target_semaphore(%run_scoped3A : memref<!tpu.dma_semaphore, #tpu.memory_space<semaphore_mem>>)
        %dma_wait3A_513 = arith.constant 39 : i32
        %dma_wait3A_514 = arith.constant 0 : i32
        %dma_wait3A_515 = tpu.memref_slice %arg8[%dma_wait3A_513, %dma_wait3A_514] : memref<40x128xi32, #tpu.memory_space<vmem>> -> memref<1x128xi32, #tpu.memory_space<vmem>>
        %dma_wait3A_516 = arith.constant 0 : i32
        %dma_wait3A_517 = tpu.memref_slice %arg4[%add3A_500, %dma_wait3A_516] : memref<1250x128xi32, #tpu.memory_space<hbm>> -> memref<1x128xi32, #tpu.memory_space<hbm>>
        %dma_wait3A_518 = arith.constant 39 : i32
        %dma_wait3A_519 = arith.constant 0 : i32
        %dma_wait3A_520 = tpu.memref_slice %arg8[%dma_wait3A_518, %dma_wait3A_519] : memref<40x128xi32, #tpu.memory_space<vmem>> -> memref<1x128xi32, #tpu.memory_space<vmem>>
        %dma_wait3A_521 = arith.constant 0 : i32
        %dma_wait3A_522 = tpu.memref_slice %arg4[%add3A_500, %dma_wait3A_521] : memref<1250x128xi32, #tpu.memory_space<hbm>> -> memref<1x128xi32, #tpu.memory_space<hbm>>
        tpu.wait_dma2 semaphore(%run_scoped3A : memref<!tpu.dma_semaphore, #tpu.memory_space<semaphore_mem>>) src(%dma_wait3A_522 : memref<1x128xi32, #tpu.memory_space<hbm>>) dst(%dma_wait3A_520 : memref<1x128xi32, #tpu.memory_space<vmem>>)
        tpu.yield
      }) : () -> ()
      %add3A_501 = arith.constant 39 : i32
      %add3A_502 = arith.addi %add3A_11, %add3A_501 : i32
      "tpu.region"() ({
        %run_scoped3A = tpu.sem_alloc : memref<!tpu.dma_semaphore, #tpu.memory_space<semaphore_mem>>
        %dma_start3A_503 = arith.constant 39 : i32
        %dma_start3A_504 = arith.constant 0 : i32
        %dma_start3A_505 = tpu.memref_slice %arg9[%dma_start3A_503, %dma_start3A_504] : memref<40x128xi32, #tpu.memory_space<vmem>> -> memref<1x128xi32, #tpu.memory_space<vmem>>
        %dma_start3A_506 = arith.constant 0 : i32
        %dma_start3A_507 = tpu.memref_slice %arg5[%add3A_502, %dma_start3A_506] : memref<1250x128xi32, #tpu.memory_space<hbm>> -> memref<1x128xi32, #tpu.memory_space<hbm>>
        %dma_start3A_508 = arith.constant 39 : i32
        %dma_start3A_509 = arith.constant 0 : i32
        %dma_start3A_510 = tpu.memref_slice %arg9[%dma_start3A_508, %dma_start3A_509] : memref<40x128xi32, #tpu.memory_space<vmem>> -> memref<1x128xi32, #tpu.memory_space<vmem>>
        %dma_start3A_511 = arith.constant 0 : i32
        %dma_start3A_512 = tpu.memref_slice %arg5[%add3A_502, %dma_start3A_511] : memref<1250x128xi32, #tpu.memory_space<hbm>> -> memref<1x128xi32, #tpu.memory_space<hbm>>
        tpu.enqueue_dma source(%dma_start3A_512 : memref<1x128xi32, #tpu.memory_space<hbm>>) target(%dma_start3A_510 : memref<1x128xi32, #tpu.memory_space<vmem>>) target_semaphore(%run_scoped3A : memref<!tpu.dma_semaphore, #tpu.memory_space<semaphore_mem>>)
        %dma_wait3A_513 = arith.constant 39 : i32
        %dma_wait3A_514 = arith.constant 0 : i32
        %dma_wait3A_515 = tpu.memref_slice %arg9[%dma_wait3A_513, %dma_wait3A_514] : memref<40x128xi32, #tpu.memory_space<vmem>> -> memref<1x128xi32, #tpu.memory_space<vmem>>
        %dma_wait3A_516 = arith.constant 0 : i32
        %dma_wait3A_517 = tpu.memref_slice %arg5[%add3A_502, %dma_wait3A_516] : memref<1250x128xi32, #tpu.memory_space<hbm>> -> memref<1x128xi32, #tpu.memory_space<hbm>>
        %dma_wait3A_518 = arith.constant 39 : i32
        %dma_wait3A_519 = arith.constant 0 : i32
        %dma_wait3A_520 = tpu.memref_slice %arg9[%dma_wait3A_518, %dma_wait3A_519] : memref<40x128xi32, #tpu.memory_space<vmem>> -> memref<1x128xi32, #tpu.memory_space<vmem>>
        %dma_wait3A_521 = arith.constant 0 : i32
        %dma_wait3A_522 = tpu.memref_slice %arg5[%add3A_502, %dma_wait3A_521] : memref<1250x128xi32, #tpu.memory_space<hbm>> -> memref<1x128xi32, #tpu.memory_space<hbm>>
        tpu.wait_dma2 semaphore(%run_scoped3A : memref<!tpu.dma_semaphore, #tpu.memory_space<semaphore_mem>>) src(%dma_wait3A_522 : memref<1x128xi32, #tpu.memory_space<hbm>>) dst(%dma_wait3A_520 : memref<1x128xi32, #tpu.memory_space<vmem>>)
        tpu.yield
      }) : () -> ()
    } else {
    }
    %barrier3A = arith.constant 0 : index
    tpu.barrier barrier_id(%barrier3A)
    %scan3A_450 = arith.constant 0 : i32
    %scan3A_451 = arith.constant 0 : i32
    %scan3A_452 = arith.constant 13 : i32
    %scan3A_453 = arith.addi %scan3A_451, %scan3A_452 : i32
    %scan3A_454 = arith.constant 1 : i32
    %scan3A_455 = scf.for %scan3A_499 = %scan3A_451 to %scan3A_453 step %scan3A_454 iter_args(%scan3A_500 = %scan3A_450) -> (i32)  : i32 {
      %mul3A_501 = arith.constant 3 : i32
      %mul3A_502 = arith.muli %scan3A_499, %mul3A_501 : i32
      %add3A_503 = arith.constant 0 : i32
      %add3A_504 = arith.addi %mul3A_502, %add3A_503 : i32
      %gt3A = arith.constant 0 : i32
      %gt3A_505 = arith.cmpi sgt, %scan3A_499, %gt3A : i32
      %convert_element_type3A_506 = arith.extui %gt3A_505 : i1 to i32
      %cond3A_507 = arith.constant 0 : i32
      %cond3A_508 = arith.cmpi ne, %convert_element_type3A_506, %cond3A_507 : i32
      scf.if %cond3A_508 {
        %dma_wait3A_594 = arith.constant 0 : i32
        %dma_wait3A_595 = tpu.memref_slice %arg9[%add3A_504, %dma_wait3A_594] : memref<40x128xi32, #tpu.memory_space<vmem>> -> memref<1x128xi32, #tpu.memory_space<vmem>>
        %dma_wait3A_596 = tpu.memref_squeeze %dma_wait3A_595 : memref<1x128xi32, #tpu.memory_space<vmem>> -> memref<128xi32, #tpu.memory_space<vmem>>
        %dma_wait3A_597 = arith.constant 0 : i32
        %dma_wait3A_598 = arith.constant 0 : i32
        %dma_wait3A_599 = tpu.memref_slice %arg17[%dma_wait3A_597, %dma_wait3A_598] : memref<10240x64xf32, #tpu.memory_space<vmem_shared>> -> memref<10240x64xf32, #tpu.memory_space<vmem_shared>>
        tpu.wait_indirect_dma semaphore(%arg22 : memref<!tpu.dma_semaphore, #tpu.memory_space<semaphore_mem>>) src(%arg10 : memref<128x64xf32, #tpu.memory_space<vmem>>) dst(%dma_wait3A_599 : memref<10240x64xf32, #tpu.memory_space<vmem_shared>>)
      } else {
      }
      %dma_start3A_509 = arith.constant 0 : i32
      %dma_start3A_510 = tpu.memref_slice %arg8[%add3A_504, %dma_start3A_509] : memref<40x128xi32, #tpu.memory_space<vmem>> -> memref<1x128xi32, #tpu.memory_space<vmem>>
      %dma_start3A_511 = tpu.memref_squeeze %dma_start3A_510 : memref<1x128xi32, #tpu.memory_space<vmem>> -> memref<128xi32, #tpu.memory_space<vmem>>
      %dma_start3A_512 = arith.constant 0 : i32
      %dma_start3A_513 = arith.constant 0 : i32
      %dma_start3A_514 = tpu.memref_slice %arg18[%dma_start3A_512, %dma_start3A_513] : memref<10000x64xf32, #tpu.memory_space<vmem_shared>> -> memref<10000x64xf32, #tpu.memory_space<vmem_shared>>
      tpu.enqueue_indirect_dma source(%dma_start3A_514 : memref<10000x64xf32, #tpu.memory_space<vmem_shared>>) target(%arg10 : memref<128x64xf32, #tpu.memory_space<vmem>>) offsets(%dma_start3A_511 : memref<128xi32, #tpu.memory_space<vmem>>) semaphore(%arg19 : memref<!tpu.dma_semaphore, #tpu.memory_space<semaphore_mem>>)
      %mul3A_515 = arith.constant 3 : i32
      %mul3A_516 = arith.muli %scan3A_499, %mul3A_515 : i32
      %add3A_517 = arith.constant 1 : i32
      %add3A_518 = arith.addi %mul3A_516, %add3A_517 : i32
      %gt3A_519 = arith.constant 0 : i32
      %gt3A_520 = arith.cmpi sgt, %scan3A_499, %gt3A_519 : i32
      %convert_element_type3A_521 = arith.extui %gt3A_520 : i1 to i32
      %cond3A_522 = arith.constant 0 : i32
      %cond3A_523 = arith.cmpi ne, %convert_element_type3A_521, %cond3A_522 : i32
      scf.if %cond3A_523 {
        %dma_wait3A_594 = arith.constant 0 : i32
        %dma_wait3A_595 = tpu.memref_slice %arg9[%add3A_518, %dma_wait3A_594] : memref<40x128xi32, #tpu.memory_space<vmem>> -> memref<1x128xi32, #tpu.memory_space<vmem>>
        %dma_wait3A_596 = tpu.memref_squeeze %dma_wait3A_595 : memref<1x128xi32, #tpu.memory_space<vmem>> -> memref<128xi32, #tpu.memory_space<vmem>>
        %dma_wait3A_597 = arith.constant 0 : i32
        %dma_wait3A_598 = arith.constant 0 : i32
        %dma_wait3A_599 = tpu.memref_slice %arg17[%dma_wait3A_597, %dma_wait3A_598] : memref<10240x64xf32, #tpu.memory_space<vmem_shared>> -> memref<10240x64xf32, #tpu.memory_space<vmem_shared>>
        tpu.wait_indirect_dma semaphore(%arg23 : memref<!tpu.dma_semaphore, #tpu.memory_space<semaphore_mem>>) src(%arg11 : memref<128x64xf32, #tpu.memory_space<vmem>>) dst(%dma_wait3A_599 : memref<10240x64xf32, #tpu.memory_space<vmem_shared>>)
      } else {
      }
      %dma_start3A_524 = arith.constant 0 : i32
      %dma_start3A_525 = tpu.memref_slice %arg8[%add3A_518, %dma_start3A_524] : memref<40x128xi32, #tpu.memory_space<vmem>> -> memref<1x128xi32, #tpu.memory_space<vmem>>
      %dma_start3A_526 = tpu.memref_squeeze %dma_start3A_525 : memref<1x128xi32, #tpu.memory_space<vmem>> -> memref<128xi32, #tpu.memory_space<vmem>>
      %dma_start3A_527 = arith.constant 0 : i32
      %dma_start3A_528 = arith.constant 0 : i32
      %dma_start3A_529 = tpu.memref_slice %arg18[%dma_start3A_527, %dma_start3A_528] : memref<10000x64xf32, #tpu.memory_space<vmem_shared>> -> memref<10000x64xf32, #tpu.memory_space<vmem_shared>>
      tpu.enqueue_indirect_dma source(%dma_start3A_529 : memref<10000x64xf32, #tpu.memory_space<vmem_shared>>) target(%arg11 : memref<128x64xf32, #tpu.memory_space<vmem>>) offsets(%dma_start3A_526 : memref<128xi32, #tpu.memory_space<vmem>>) semaphore(%arg20 : memref<!tpu.dma_semaphore, #tpu.memory_space<semaphore_mem>>)
      %mul3A_530 = arith.constant 3 : i32
      %mul3A_531 = arith.muli %scan3A_499, %mul3A_530 : i32
      %add3A_532 = arith.constant 2 : i32
      %add3A_533 = arith.addi %mul3A_531, %add3A_532 : i32
      %gt3A_534 = arith.constant 0 : i32
      %gt3A_535 = arith.cmpi sgt, %scan3A_499, %gt3A_534 : i32
      %convert_element_type3A_536 = arith.extui %gt3A_535 : i1 to i32
      %cond3A_537 = arith.constant 0 : i32
      %cond3A_538 = arith.cmpi ne, %convert_element_type3A_536, %cond3A_537 : i32
      scf.if %cond3A_538 {
        %dma_wait3A_594 = arith.constant 0 : i32
        %dma_wait3A_595 = tpu.memref_slice %arg9[%add3A_533, %dma_wait3A_594] : memref<40x128xi32, #tpu.memory_space<vmem>> -> memref<1x128xi32, #tpu.memory_space<vmem>>
        %dma_wait3A_596 = tpu.memref_squeeze %dma_wait3A_595 : memref<1x128xi32, #tpu.memory_space<vmem>> -> memref<128xi32, #tpu.memory_space<vmem>>
        %dma_wait3A_597 = arith.constant 0 : i32
        %dma_wait3A_598 = arith.constant 0 : i32
        %dma_wait3A_599 = tpu.memref_slice %arg17[%dma_wait3A_597, %dma_wait3A_598] : memref<10240x64xf32, #tpu.memory_space<vmem_shared>> -> memref<10240x64xf32, #tpu.memory_space<vmem_shared>>
        tpu.wait_indirect_dma semaphore(%arg24 : memref<!tpu.dma_semaphore, #tpu.memory_space<semaphore_mem>>) src(%arg12 : memref<128x64xf32, #tpu.memory_space<vmem>>) dst(%dma_wait3A_599 : memref<10240x64xf32, #tpu.memory_space<vmem_shared>>)
      } else {
      }
      %dma_start3A_539 = arith.constant 0 : i32
      %dma_start3A_540 = tpu.memref_slice %arg8[%add3A_533, %dma_start3A_539] : memref<40x128xi32, #tpu.memory_space<vmem>> -> memref<1x128xi32, #tpu.memory_space<vmem>>
      %dma_start3A_541 = tpu.memref_squeeze %dma_start3A_540 : memref<1x128xi32, #tpu.memory_space<vmem>> -> memref<128xi32, #tpu.memory_space<vmem>>
      %dma_start3A_542 = arith.constant 0 : i32
      %dma_start3A_543 = arith.constant 0 : i32
      %dma_start3A_544 = tpu.memref_slice %arg18[%dma_start3A_542, %dma_start3A_543] : memref<10000x64xf32, #tpu.memory_space<vmem_shared>> -> memref<10000x64xf32, #tpu.memory_space<vmem_shared>>
      tpu.enqueue_indirect_dma source(%dma_start3A_544 : memref<10000x64xf32, #tpu.memory_space<vmem_shared>>) target(%arg12 : memref<128x64xf32, #tpu.memory_space<vmem>>) offsets(%dma_start3A_541 : memref<128xi32, #tpu.memory_space<vmem>>) semaphore(%arg21 : memref<!tpu.dma_semaphore, #tpu.memory_space<semaphore_mem>>)
      %mul3A_545 = arith.constant 3 : i32
      %mul3A_546 = arith.muli %scan3A_499, %mul3A_545 : i32
      %add3A_547 = arith.constant 0 : i32
      %add3A_548 = arith.addi %mul3A_546, %add3A_547 : i32
      %dma_wait3A_549 = arith.constant 0 : i32
      %dma_wait3A_550 = tpu.memref_slice %arg8[%add3A_548, %dma_wait3A_549] : memref<40x128xi32, #tpu.memory_space<vmem>> -> memref<1x128xi32, #tpu.memory_space<vmem>>
      %dma_wait3A_551 = tpu.memref_squeeze %dma_wait3A_550 : memref<1x128xi32, #tpu.memory_space<vmem>> -> memref<128xi32, #tpu.memory_space<vmem>>
      %dma_wait3A_552 = arith.constant 0 : i32
      %dma_wait3A_553 = arith.constant 0 : i32
      %dma_wait3A_554 = tpu.memref_slice %arg18[%dma_wait3A_552, %dma_wait3A_553] : memref<10000x64xf32, #tpu.memory_space<vmem_shared>> -> memref<10000x64xf32, #tpu.memory_space<vmem_shared>>
      tpu.wait_indirect_dma semaphore(%arg19 : memref<!tpu.dma_semaphore, #tpu.memory_space<semaphore_mem>>) src(%dma_wait3A_554 : memref<10000x64xf32, #tpu.memory_space<vmem_shared>>) dst(%arg10 : memref<128x64xf32, #tpu.memory_space<vmem>>)
      %dma_start3A_555 = arith.constant 0 : i32
      %dma_start3A_556 = tpu.memref_slice %arg9[%add3A_548, %dma_start3A_555] : memref<40x128xi32, #tpu.memory_space<vmem>> -> memref<1x128xi32, #tpu.memory_space<vmem>>
      %dma_start3A_557 = tpu.memref_squeeze %dma_start3A_556 : memref<1x128xi32, #tpu.memory_space<vmem>> -> memref<128xi32, #tpu.memory_space<vmem>>
      %dma_start3A_558 = arith.constant 0 : i32
      %dma_start3A_559 = arith.constant 0 : i32
      %dma_start3A_560 = tpu.memref_slice %arg17[%dma_start3A_558, %dma_start3A_559] : memref<10240x64xf32, #tpu.memory_space<vmem_shared>> -> memref<10240x64xf32, #tpu.memory_space<vmem_shared>>
      tpu.enqueue_indirect_dma source(%arg10 : memref<128x64xf32, #tpu.memory_space<vmem>>) target(%dma_start3A_560 : memref<10240x64xf32, #tpu.memory_space<vmem_shared>>) offsets(%dma_start3A_557 : memref<128xi32, #tpu.memory_space<vmem>>) semaphore(%arg22 : memref<!tpu.dma_semaphore, #tpu.memory_space<semaphore_mem>>) {add = true}
      %mul3A_561 = arith.constant 3 : i32
      %mul3A_562 = arith.muli %scan3A_499, %mul3A_561 : i32
      %add3A_563 = arith.constant 1 : i32
      %add3A_564 = arith.addi %mul3A_562, %add3A_563 : i32
      %dma_wait3A_565 = arith.constant 0 : i32
      %dma_wait3A_566 = tpu.memref_slice %arg8[%add3A_564, %dma_wait3A_565] : memref<40x128xi32, #tpu.memory_space<vmem>> -> memref<1x128xi32, #tpu.memory_space<vmem>>
      %dma_wait3A_567 = tpu.memref_squeeze %dma_wait3A_566 : memref<1x128xi32, #tpu.memory_space<vmem>> -> memref<128xi32, #tpu.memory_space<vmem>>
      %dma_wait3A_568 = arith.constant 0 : i32
      %dma_wait3A_569 = arith.constant 0 : i32
      %dma_wait3A_570 = tpu.memref_slice %arg18[%dma_wait3A_568, %dma_wait3A_569] : memref<10000x64xf32, #tpu.memory_space<vmem_shared>> -> memref<10000x64xf32, #tpu.memory_space<vmem_shared>>
      tpu.wait_indirect_dma semaphore(%arg20 : memref<!tpu.dma_semaphore, #tpu.memory_space<semaphore_mem>>) src(%dma_wait3A_570 : memref<10000x64xf32, #tpu.memory_space<vmem_shared>>) dst(%arg11 : memref<128x64xf32, #tpu.memory_space<vmem>>)
      %dma_start3A_571 = arith.constant 0 : i32
      %dma_start3A_572 = tpu.memref_slice %arg9[%add3A_564, %dma_start3A_571] : memref<40x128xi32, #tpu.memory_space<vmem>> -> memref<1x128xi32, #tpu.memory_space<vmem>>
      %dma_start3A_573 = tpu.memref_squeeze %dma_start3A_572 : memref<1x128xi32, #tpu.memory_space<vmem>> -> memref<128xi32, #tpu.memory_space<vmem>>
      %dma_start3A_574 = arith.constant 0 : i32
      %dma_start3A_575 = arith.constant 0 : i32
      %dma_start3A_576 = tpu.memref_slice %arg17[%dma_start3A_574, %dma_start3A_575] : memref<10240x64xf32, #tpu.memory_space<vmem_shared>> -> memref<10240x64xf32, #tpu.memory_space<vmem_shared>>
      tpu.enqueue_indirect_dma source(%arg11 : memref<128x64xf32, #tpu.memory_space<vmem>>) target(%dma_start3A_576 : memref<10240x64xf32, #tpu.memory_space<vmem_shared>>) offsets(%dma_start3A_573 : memref<128xi32, #tpu.memory_space<vmem>>) semaphore(%arg23 : memref<!tpu.dma_semaphore, #tpu.memory_space<semaphore_mem>>) {add = true}
      %mul3A_577 = arith.constant 3 : i32
      %mul3A_578 = arith.muli %scan3A_499, %mul3A_577 : i32
      %add3A_579 = arith.constant 2 : i32
      %add3A_580 = arith.addi %mul3A_578, %add3A_579 : i32
      %dma_wait3A_581 = arith.constant 0 : i32
      %dma_wait3A_582 = tpu.memref_slice %arg8[%add3A_580, %dma_wait3A_581] : memref<40x128xi32, #tpu.memory_space<vmem>> -> memref<1x128xi32, #tpu.memory_space<vmem>>
      %dma_wait3A_583 = tpu.memref_squeeze %dma_wait3A_582 : memref<1x128xi32, #tpu.memory_space<vmem>> -> memref<128xi32, #tpu.memory_space<vmem>>
      %dma_wait3A_584 = arith.constant 0 : i32
      %dma_wait3A_585 = arith.constant 0 : i32
      %dma_wait3A_586 = tpu.memref_slice %arg18[%dma_wait3A_584, %dma_wait3A_585] : memref<10000x64xf32, #tpu.memory_space<vmem_shared>> -> memref<10000x64xf32, #tpu.memory_space<vmem_shared>>
      tpu.wait_indirect_dma semaphore(%arg21 : memref<!tpu.dma_semaphore, #tpu.memory_space<semaphore_mem>>) src(%dma_wait3A_586 : memref<10000x64xf32, #tpu.memory_space<vmem_shared>>) dst(%arg12 : memref<128x64xf32, #tpu.memory_space<vmem>>)
      %dma_start3A_587 = arith.constant 0 : i32
      %dma_start3A_588 = tpu.memref_slice %arg9[%add3A_580, %dma_start3A_587] : memref<40x128xi32, #tpu.memory_space<vmem>> -> memref<1x128xi32, #tpu.memory_space<vmem>>
      %dma_start3A_589 = tpu.memref_squeeze %dma_start3A_588 : memref<1x128xi32, #tpu.memory_space<vmem>> -> memref<128xi32, #tpu.memory_space<vmem>>
      %dma_start3A_590 = arith.constant 0 : i32
      %dma_start3A_591 = arith.constant 0 : i32
      %dma_start3A_592 = tpu.memref_slice %arg17[%dma_start3A_590, %dma_start3A_591] : memref<10240x64xf32, #tpu.memory_space<vmem_shared>> -> memref<10240x64xf32, #tpu.memory_space<vmem_shared>>
      tpu.enqueue_indirect_dma source(%arg12 : memref<128x64xf32, #tpu.memory_space<vmem>>) target(%dma_start3A_592 : memref<10240x64xf32, #tpu.memory_space<vmem_shared>>) offsets(%dma_start3A_589 : memref<128xi32, #tpu.memory_space<vmem>>) semaphore(%arg24 : memref<!tpu.dma_semaphore, #tpu.memory_space<semaphore_mem>>) {add = true}
      %scan3A_593 = arith.constant 0 : i32
      scf.yield %scan3A_593 : i32
    }
    %scan3A_456 = arith.constant 13 : i32
    %dma_wait3A_457 = arith.constant 0 : i32
    %dma_wait3A_458 = arith.constant 0 : i32
    %dma_wait3A_459 = tpu.memref_slice %arg9[%dma_wait3A_457, %dma_wait3A_458] : memref<40x128xi32, #tpu.memory_space<vmem>> -> memref<1x128xi32, #tpu.memory_space<vmem>>
    %dma_wait3A_460 = tpu.memref_squeeze %dma_wait3A_459 : memref<1x128xi32, #tpu.memory_space<vmem>> -> memref<128xi32, #tpu.memory_space<vmem>>
    %dma_wait3A_461 = arith.constant 0 : i32
    %dma_wait3A_462 = arith.constant 0 : i32
    %dma_wait3A_463 = tpu.memref_slice %arg17[%dma_wait3A_461, %dma_wait3A_462] : memref<10240x64xf32, #tpu.memory_space<vmem_shared>> -> memref<10240x64xf32, #tpu.memory_space<vmem_shared>>
    tpu.wait_indirect_dma semaphore(%arg22 : memref<!tpu.dma_semaphore, #tpu.memory_space<semaphore_mem>>) src(%arg10 : memref<128x64xf32, #tpu.memory_space<vmem>>) dst(%dma_wait3A_463 : memref<10240x64xf32, #tpu.memory_space<vmem_shared>>)
    %dma_wait3A_464 = arith.constant 1 : i32
    %dma_wait3A_465 = arith.constant 0 : i32
    %dma_wait3A_466 = tpu.memref_slice %arg9[%dma_wait3A_464, %dma_wait3A_465] : memref<40x128xi32, #tpu.memory_space<vmem>> -> memref<1x128xi32, #tpu.memory_space<vmem>>
    %dma_wait3A_467 = tpu.memref_squeeze %dma_wait3A_466 : memref<1x128xi32, #tpu.memory_space<vmem>> -> memref<128xi32, #tpu.memory_space<vmem>>
    %dma_wait3A_468 = arith.constant 0 : i32
    %dma_wait3A_469 = arith.constant 0 : i32
    %dma_wait3A_470 = tpu.memref_slice %arg17[%dma_wait3A_468, %dma_wait3A_469] : memref<10240x64xf32, #tpu.memory_space<vmem_shared>> -> memref<10240x64xf32, #tpu.memory_space<vmem_shared>>
    tpu.wait_indirect_dma semaphore(%arg23 : memref<!tpu.dma_semaphore, #tpu.memory_space<semaphore_mem>>) src(%arg11 : memref<128x64xf32, #tpu.memory_space<vmem>>) dst(%dma_wait3A_470 : memref<10240x64xf32, #tpu.memory_space<vmem_shared>>)
    %dma_wait3A_471 = arith.constant 2 : i32
    %dma_wait3A_472 = arith.constant 0 : i32
    %dma_wait3A_473 = tpu.memref_slice %arg9[%dma_wait3A_471, %dma_wait3A_472] : memref<40x128xi32, #tpu.memory_space<vmem>> -> memref<1x128xi32, #tpu.memory_space<vmem>>
    %dma_wait3A_474 = tpu.memref_squeeze %dma_wait3A_473 : memref<1x128xi32, #tpu.memory_space<vmem>> -> memref<128xi32, #tpu.memory_space<vmem>>
    %dma_wait3A_475 = arith.constant 0 : i32
    %dma_wait3A_476 = arith.constant 0 : i32
    %dma_wait3A_477 = tpu.memref_slice %arg17[%dma_wait3A_475, %dma_wait3A_476] : memref<10240x64xf32, #tpu.memory_space<vmem_shared>> -> memref<10240x64xf32, #tpu.memory_space<vmem_shared>>
    tpu.wait_indirect_dma semaphore(%arg24 : memref<!tpu.dma_semaphore, #tpu.memory_space<semaphore_mem>>) src(%arg12 : memref<128x64xf32, #tpu.memory_space<vmem>>) dst(%dma_wait3A_477 : memref<10240x64xf32, #tpu.memory_space<vmem_shared>>)
    %jit3A_478 = arith.constant 1 : i32
    %jit3A_479 = arith.constant 0 : i32
    %select_n3A_480 = arith.select %or3A, %jit3A_478, %jit3A_479 : i32
    %add3A_481 = arith.constant 39 : i32
    %add3A_482 = arith.addi %add3A_481, %select_n3A_480 : i32
    %while3A = arith.constant 39 : i32
    %while3A_483 = arith.constant 0 : i32
    %while3A_484 = arith.subi %add3A_482, %while3A : i32
    %while3A_485 = arith.addi %while3A, %while3A_484 : i32
    %while3A_486 = arith.constant 1 : i32
    %while3A_487 = arith.divsi %while3A_484, %while3A_486 : i32
    %while3A_488 = arith.muli %while3A_487, %while3A_486 : i32
    %while3A_489 = arith.addi %while3A, %while3A_488 : i32
    %while3A_490 = arith.constant 1 : i32
    %while3A_491 = scf.for %while3A_499 = %while3A to %while3A_489 step %while3A_490 iter_args(%while3A_500 = %while3A_483) -> (i32)  : i32 {
      %dma_start3A_501 = arith.constant 0 : i32
      %dma_start3A_502 = tpu.memref_slice %arg8[%while3A_499, %dma_start3A_501] : memref<40x128xi32, #tpu.memory_space<vmem>> -> memref<1x128xi32, #tpu.memory_space<vmem>>
      %dma_start3A_503 = tpu.memref_squeeze %dma_start3A_502 : memref<1x128xi32, #tpu.memory_space<vmem>> -> memref<128xi32, #tpu.memory_space<vmem>>
      %dma_start3A_504 = arith.constant 0 : i32
      %dma_start3A_505 = arith.constant 0 : i32
      %dma_start3A_506 = tpu.memref_slice %arg18[%dma_start3A_504, %dma_start3A_505] : memref<10000x64xf32, #tpu.memory_space<vmem_shared>> -> memref<10000x64xf32, #tpu.memory_space<vmem_shared>>
      tpu.enqueue_indirect_dma source(%dma_start3A_506 : memref<10000x64xf32, #tpu.memory_space<vmem_shared>>) target(%arg10 : memref<128x64xf32, #tpu.memory_space<vmem>>) offsets(%dma_start3A_503 : memref<128xi32, #tpu.memory_space<vmem>>) semaphore(%arg19 : memref<!tpu.dma_semaphore, #tpu.memory_space<semaphore_mem>>)
      %dma_wait3A_507 = arith.constant 0 : i32
      %dma_wait3A_508 = tpu.memref_slice %arg8[%while3A_499, %dma_wait3A_507] : memref<40x128xi32, #tpu.memory_space<vmem>> -> memref<1x128xi32, #tpu.memory_space<vmem>>
      %dma_wait3A_509 = tpu.memref_squeeze %dma_wait3A_508 : memref<1x128xi32, #tpu.memory_space<vmem>> -> memref<128xi32, #tpu.memory_space<vmem>>
      %dma_wait3A_510 = arith.constant 0 : i32
      %dma_wait3A_511 = arith.constant 0 : i32
      %dma_wait3A_512 = tpu.memref_slice %arg18[%dma_wait3A_510, %dma_wait3A_511] : memref<10000x64xf32, #tpu.memory_space<vmem_shared>> -> memref<10000x64xf32, #tpu.memory_space<vmem_shared>>
      tpu.wait_indirect_dma semaphore(%arg19 : memref<!tpu.dma_semaphore, #tpu.memory_space<semaphore_mem>>) src(%dma_wait3A_512 : memref<10000x64xf32, #tpu.memory_space<vmem_shared>>) dst(%arg10 : memref<128x64xf32, #tpu.memory_space<vmem>>)
      %dma_start3A_513 = arith.constant 0 : i32
      %dma_start3A_514 = tpu.memref_slice %arg9[%while3A_499, %dma_start3A_513] : memref<40x128xi32, #tpu.memory_space<vmem>> -> memref<1x128xi32, #tpu.memory_space<vmem>>
      %dma_start3A_515 = tpu.memref_squeeze %dma_start3A_514 : memref<1x128xi32, #tpu.memory_space<vmem>> -> memref<128xi32, #tpu.memory_space<vmem>>
      %dma_start3A_516 = arith.constant 0 : i32
      %dma_start3A_517 = arith.constant 0 : i32
      %dma_start3A_518 = tpu.memref_slice %arg17[%dma_start3A_516, %dma_start3A_517] : memref<10240x64xf32, #tpu.memory_space<vmem_shared>> -> memref<10240x64xf32, #tpu.memory_space<vmem_shared>>
      tpu.enqueue_indirect_dma source(%arg10 : memref<128x64xf32, #tpu.memory_space<vmem>>) target(%dma_start3A_518 : memref<10240x64xf32, #tpu.memory_space<vmem_shared>>) offsets(%dma_start3A_515 : memref<128xi32, #tpu.memory_space<vmem>>) semaphore(%arg22 : memref<!tpu.dma_semaphore, #tpu.memory_space<semaphore_mem>>) {add = true}
      %dma_wait3A_519 = arith.constant 0 : i32
      %dma_wait3A_520 = tpu.memref_slice %arg9[%while3A_499, %dma_wait3A_519] : memref<40x128xi32, #tpu.memory_space<vmem>> -> memref<1x128xi32, #tpu.memory_space<vmem>>
      %dma_wait3A_521 = tpu.memref_squeeze %dma_wait3A_520 : memref<1x128xi32, #tpu.memory_space<vmem>> -> memref<128xi32, #tpu.memory_space<vmem>>
      %dma_wait3A_522 = arith.constant 0 : i32
      %dma_wait3A_523 = arith.constant 0 : i32
      %dma_wait3A_524 = tpu.memref_slice %arg17[%dma_wait3A_522, %dma_wait3A_523] : memref<10240x64xf32, #tpu.memory_space<vmem_shared>> -> memref<10240x64xf32, #tpu.memory_space<vmem_shared>>
      tpu.wait_indirect_dma semaphore(%arg22 : memref<!tpu.dma_semaphore, #tpu.memory_space<semaphore_mem>>) src(%arg10 : memref<128x64xf32, #tpu.memory_space<vmem>>) dst(%dma_wait3A_524 : memref<10240x64xf32, #tpu.memory_space<vmem_shared>>)
      %while3A_525 = arith.constant 0 : i32
      scf.yield %while3A_525 : i32
    }
    %while3A_492 = arith.constant 1 : i32
    %while3A_493 = scf.for %while3A_499 = %while3A_489 to %while3A_485 step %while3A_492 iter_args(%while3A_500 = %while3A_491) -> (i32)  : i32 {
      %dma_start3A_501 = arith.constant 0 : i32
      %dma_start3A_502 = tpu.memref_slice %arg8[%while3A_499, %dma_start3A_501] : memref<40x128xi32, #tpu.memory_space<vmem>> -> memref<1x128xi32, #tpu.memory_space<vmem>>
      %dma_start3A_503 = tpu.memref_squeeze %dma_start3A_502 : memref<1x128xi32, #tpu.memory_space<vmem>> -> memref<128xi32, #tpu.memory_space<vmem>>
      %dma_start3A_504 = arith.constant 0 : i32
      %dma_start3A_505 = arith.constant 0 : i32
      %dma_start3A_506 = tpu.memref_slice %arg18[%dma_start3A_504, %dma_start3A_505] : memref<10000x64xf32, #tpu.memory_space<vmem_shared>> -> memref<10000x64xf32, #tpu.memory_space<vmem_shared>>
      tpu.enqueue_indirect_dma source(%dma_start3A_506 : memref<10000x64xf32, #tpu.memory_space<vmem_shared>>) target(%arg10 : memref<128x64xf32, #tpu.memory_space<vmem>>) offsets(%dma_start3A_503 : memref<128xi32, #tpu.memory_space<vmem>>) semaphore(%arg19 : memref<!tpu.dma_semaphore, #tpu.memory_space<semaphore_mem>>)
      %dma_wait3A_507 = arith.constant 0 : i32
      %dma_wait3A_508 = tpu.memref_slice %arg8[%while3A_499, %dma_wait3A_507] : memref<40x128xi32, #tpu.memory_space<vmem>> -> memref<1x128xi32, #tpu.memory_space<vmem>>
      %dma_wait3A_509 = tpu.memref_squeeze %dma_wait3A_508 : memref<1x128xi32, #tpu.memory_space<vmem>> -> memref<128xi32, #tpu.memory_space<vmem>>
      %dma_wait3A_510 = arith.constant 0 : i32
      %dma_wait3A_511 = arith.constant 0 : i32
      %dma_wait3A_512 = tpu.memref_slice %arg18[%dma_wait3A_510, %dma_wait3A_511] : memref<10000x64xf32, #tpu.memory_space<vmem_shared>> -> memref<10000x64xf32, #tpu.memory_space<vmem_shared>>
      tpu.wait_indirect_dma semaphore(%arg19 : memref<!tpu.dma_semaphore, #tpu.memory_space<semaphore_mem>>) src(%dma_wait3A_512 : memref<10000x64xf32, #tpu.memory_space<vmem_shared>>) dst(%arg10 : memref<128x64xf32, #tpu.memory_space<vmem>>)
      %dma_start3A_513 = arith.constant 0 : i32
      %dma_start3A_514 = tpu.memref_slice %arg9[%while3A_499, %dma_start3A_513] : memref<40x128xi32, #tpu.memory_space<vmem>> -> memref<1x128xi32, #tpu.memory_space<vmem>>
      %dma_start3A_515 = tpu.memref_squeeze %dma_start3A_514 : memref<1x128xi32, #tpu.memory_space<vmem>> -> memref<128xi32, #tpu.memory_space<vmem>>
      %dma_start3A_516 = arith.constant 0 : i32
      %dma_start3A_517 = arith.constant 0 : i32
      %dma_start3A_518 = tpu.memref_slice %arg17[%dma_start3A_516, %dma_start3A_517] : memref<10240x64xf32, #tpu.memory_space<vmem_shared>> -> memref<10240x64xf32, #tpu.memory_space<vmem_shared>>
      tpu.enqueue_indirect_dma source(%arg10 : memref<128x64xf32, #tpu.memory_space<vmem>>) target(%dma_start3A_518 : memref<10240x64xf32, #tpu.memory_space<vmem_shared>>) offsets(%dma_start3A_515 : memref<128xi32, #tpu.memory_space<vmem>>) semaphore(%arg22 : memref<!tpu.dma_semaphore, #tpu.memory_space<semaphore_mem>>) {add = true}
      %dma_wait3A_519 = arith.constant 0 : i32
      %dma_wait3A_520 = tpu.memref_slice %arg9[%while3A_499, %dma_wait3A_519] : memref<40x128xi32, #tpu.memory_space<vmem>> -> memref<1x128xi32, #tpu.memory_space<vmem>>
      %dma_wait3A_521 = tpu.memref_squeeze %dma_wait3A_520 : memref<1x128xi32, #tpu.memory_space<vmem>> -> memref<128xi32, #tpu.memory_space<vmem>>
      %dma_wait3A_522 = arith.constant 0 : i32
      %dma_wait3A_523 = arith.constant 0 : i32
      %dma_wait3A_524 = tpu.memref_slice %arg17[%dma_wait3A_522, %dma_wait3A_523] : memref<10240x64xf32, #tpu.memory_space<vmem_shared>> -> memref<10240x64xf32, #tpu.memory_space<vmem_shared>>
      tpu.wait_indirect_dma semaphore(%arg22 : memref<!tpu.dma_semaphore, #tpu.memory_space<semaphore_mem>>) src(%arg10 : memref<128x64xf32, #tpu.memory_space<vmem>>) dst(%dma_wait3A_524 : memref<10240x64xf32, #tpu.memory_space<vmem_shared>>)
      %while3A_525 = arith.constant 0 : i32
      scf.yield %while3A_525 : i32
    }
    %barrier3A_494 = arith.constant 0 : index
    tpu.barrier barrier_id(%barrier3A_494)
    %mul3A_495 = arith.constant 640 : i32
    %mul3A_496 = arith.muli %arg1, %mul3A_495 : i32
    %mul3A_497 = arith.constant 640 : i32
    %mul3A_498 = arith.muli %arg1, %mul3A_497 : i32
    "tpu.region"() ({
      %run_scoped3A = tpu.sem_alloc : memref<!tpu.dma_semaphore, #tpu.memory_space<semaphore_mem>>
      %dma_start3A_499 = arith.constant 0 : i32
      %dma_start3A_500 = tpu.memref_slice %arg7[%arg0, %mul3A_498, %dma_start3A_499] : memref<2x10240x64xf32, #tpu.memory_space<hbm>> -> memref<1x640x64xf32, #tpu.memory_space<hbm>>
      %dma_start3A_501 = tpu.memref_squeeze %dma_start3A_500 : memref<1x640x64xf32, #tpu.memory_space<hbm>> -> memref<640x64xf32, #tpu.memory_space<hbm>>
      %dma_start3A_502 = arith.constant 0 : i32
      %dma_start3A_503 = tpu.memref_slice %arg17[%mul3A_496, %dma_start3A_502] : memref<10240x64xf32, #tpu.memory_space<vmem_shared>> -> memref<640x64xf32, #tpu.memory_space<vmem_shared>>
      tpu.enqueue_dma source(%dma_start3A_503 : memref<640x64xf32, #tpu.memory_space<vmem_shared>>) target(%dma_start3A_501 : memref<640x64xf32, #tpu.memory_space<hbm>>) target_semaphore(%run_scoped3A : memref<!tpu.dma_semaphore, #tpu.memory_space<semaphore_mem>>)
      %dma_wait3A_504 = arith.constant 0 : i32
      %dma_wait3A_505 = tpu.memref_slice %arg7[%arg0, %mul3A_498, %dma_wait3A_504] : memref<2x10240x64xf32, #tpu.memory_space<hbm>> -> memref<1x640x64xf32, #tpu.memory_space<hbm>>
      %dma_wait3A_506 = tpu.memref_squeeze %dma_wait3A_505 : memref<1x640x64xf32, #tpu.memory_space<hbm>> -> memref<640x64xf32, #tpu.memory_space<hbm>>
      %dma_wait3A_507 = arith.constant 0 : i32
      %dma_wait3A_508 = tpu.memref_slice %arg17[%mul3A_496, %dma_wait3A_507] : memref<10240x64xf32, #tpu.memory_space<vmem_shared>> -> memref<640x64xf32, #tpu.memory_space<vmem_shared>>
      tpu.wait_dma2 semaphore(%run_scoped3A : memref<!tpu.dma_semaphore, #tpu.memory_space<semaphore_mem>>) src(%dma_wait3A_508 : memref<640x64xf32, #tpu.memory_space<vmem_shared>>) dst(%dma_wait3A_506 : memref<640x64xf32, #tpu.memory_space<hbm>>)
      tpu.yield
    }) : () -> ()
    return
  }
}

module attributes {stable_mosaic.version = 14 : i64} {
  func.func @_h_body(%arg0: memref<10000x128xf32, #tpu.memory_space<vmem>>, %arg1: memref<128x64xf32, #tpu.memory_space<vmem>>, %arg2: memref<1x64xf32, #tpu.memory_space<vmem>>, %arg3: memref<10000x64xf32, #tpu.memory_space<vmem>>) attributes {dimension_semantics = [], scalar_prefetch = 0 : i64, scratch_operands = 0 : i64, tpu.core_type = #tpu.core_type<tc>} {
    %get3A = arith.constant 0 : index
    %get3A_0 = arith.constant 0 : index
    %get3A_1 = vector.load %arg0[%get3A, %get3A_0] : memref<10000x128xf32, #tpu.memory_space<vmem>>, vector<10000x128xf32>
    %get3A_2 = arith.constant 0 : index
    %get3A_3 = arith.constant 0 : index
    %get3A_4 = vector.load %arg1[%get3A_2, %get3A_3] : memref<128x64xf32, #tpu.memory_space<vmem>>, vector<128x64xf32>
    %dot_general3A = arith.constant dense<0.000000e+00> : vector<10000x64xf32>
    %dot_general3A_5 = tpu.matmul %get3A_1, %get3A_4, %dot_general3A {dimension_numbers = #tpu.dot_dimension_numbers<[1], [0], [0], [1], [0, 0, 1, 1], [], []>, transpose_lhs_hint = false} : vector<10000x128xf32>, vector<128x64xf32>, vector<10000x64xf32> -> vector<10000x64xf32>
    %get3A_6 = arith.constant 0 : index
    %get3A_7 = arith.constant 0 : index
    %get3A_8 = vector.load %arg2[%get3A_6, %get3A_7] : memref<1x64xf32, #tpu.memory_space<vmem>>, vector<1x64xf32>
    %add3A = vector.broadcast %get3A_8 : vector<1x64xf32> to vector<10000x64xf32>
    %add3A_9 = arith.addf %dot_general3A_5, %add3A : vector<10000x64xf32>
    %ge3A = arith.constant 0.000000e+00 : f32
    %ge3A_10 = vector.broadcast %ge3A : f32 to vector<10000x64xf32>
    %ge3A_11 = arith.cmpf oge, %add3A_9, %ge3A_10 : vector<10000x64xf32>
    %mul3A = arith.constant 0.00999999977 : f32
    %mul3A_12 = vector.broadcast %mul3A : f32 to vector<10000x64xf32>
    %mul3A_13 = arith.mulf %mul3A_12, %add3A_9 : vector<10000x64xf32>
    %select_n3A = arith.select %ge3A_11, %add3A_9, %mul3A_13 : vector<10000x64xi1>, vector<10000x64xf32>
    %swap3A = arith.constant 0 : index
    %swap3A_14 = arith.constant 0 : index
    %swap3A_15 = vector.load %arg3[%swap3A, %swap3A_14] : memref<10000x64xf32, #tpu.memory_space<vmem>>, vector<10000x64xf32>
    tpu.vector_store %arg3[%swap3A, %swap3A_14], %select_n3A {strides = array<i32>} : memref<10000x64xf32, #tpu.memory_space<vmem>>, vector<10000x64xf32>,
    return
  }
}

module attributes {stable_mosaic.version = 14 : i64} {
  func.func @_combine_body(%arg0: i32, %arg1: memref<2048x64xf32, #tpu.memory_space<vmem>>, %arg2: memref<2x2048x64xf32, #tpu.memory_space<vmem>>, %arg3: memref<2x2048x1xf32, #tpu.memory_space<vmem>>, %arg4: memref<2048x64xf32, #tpu.memory_space<vmem>>, %arg5: memref<2048x64xf32, #tpu.memory_space<vmem>>) attributes {dimension_semantics = [#tpu.dimension_semantics<arbitrary>], iteration_bounds = array<i64: 5>, scalar_prefetch = 0 : i64, scratch_operands = 0 : i64, tpu.core_type = #tpu.core_type<tc>, window_params = [{transform_indices = @transform_0, window_bounds = array<i64: 2048, 64>}, {transform_indices = @transform_1, window_bounds = array<i64: 2, 2048, 64>}, {transform_indices = @transform_2, window_bounds = array<i64: 2, 2048, 1>}, {transform_indices = @transform_3, window_bounds = array<i64: 2048, 64>}, {transform_indices = @transform_4, window_bounds = array<i64: 2048, 64>}]} {
    %get3A = arith.constant 0 : index
    %get3A_0 = arith.constant 0 : index
    %get3A_1 = arith.constant 0 : index
    %get3A_2 = vector.load %arg3[%get3A, %get3A_0, %get3A_1] : memref<2x2048x1xf32, #tpu.memory_space<vmem>>, vector<1x2048x1xf32>
    %get3A_3 = vector.shape_cast %get3A_2 : vector<1x2048x1xf32> to vector<2048x1xf32>
    %add3A = arith.constant 1.000000e+00 : f32
    %add3A_4 = vector.broadcast %add3A : f32 to vector<2048x1xf32>
    %add3A_5 = arith.addf %add3A_4, %get3A_3 : vector<2048x1xf32>
    %get3A_6 = arith.constant 1 : index
    %get3A_7 = arith.constant 0 : index
    %get3A_8 = arith.constant 0 : index
    %get3A_9 = vector.load %arg3[%get3A_6, %get3A_7, %get3A_8] : memref<2x2048x1xf32, #tpu.memory_space<vmem>>, vector<1x2048x1xf32>
    %get3A_10 = vector.shape_cast %get3A_9 : vector<1x2048x1xf32> to vector<2048x1xf32>
    %add3A_11 = arith.addf %add3A_5, %get3A_10 : vector<2048x1xf32>
    %max3A = arith.constant 1.000000e+00 : f32
    %max3A_12 = vector.broadcast %max3A : f32 to vector<2048x1xf32>
    %max3A_13 = arith.maximumf %add3A_11, %max3A_12 : vector<2048x1xf32>
    %rsqrt3A = math.rsqrt %max3A_13 : vector<2048x1xf32>
    %get3A_14 = arith.constant 0 : index
    %get3A_15 = arith.constant 0 : index
    %get3A_16 = vector.load %arg1[%get3A_14, %get3A_15] : memref<2048x64xf32, #tpu.memory_space<vmem>>, vector<2048x64xf32>
    %get3A_17 = arith.constant 0 : index
    %get3A_18 = arith.constant 0 : index
    %get3A_19 = arith.constant 0 : index
    %get3A_20 = vector.load %arg2[%get3A_17, %get3A_18, %get3A_19] : memref<2x2048x64xf32, #tpu.memory_space<vmem>>, vector<1x2048x64xf32>
    %get3A_21 = vector.shape_cast %get3A_20 : vector<1x2048x64xf32> to vector<2048x64xf32>
    %get3A_22 = arith.constant 1 : index
    %get3A_23 = arith.constant 0 : index
    %get3A_24 = arith.constant 0 : index
    %get3A_25 = vector.load %arg2[%get3A_22, %get3A_23, %get3A_24] : memref<2x2048x64xf32, #tpu.memory_space<vmem>>, vector<1x2048x64xf32>
    %get3A_26 = vector.shape_cast %get3A_25 : vector<1x2048x64xf32> to vector<2048x64xf32>
    %add3A_27 = arith.addf %get3A_21, %get3A_26 : vector<2048x64xf32>
    %mul3A = vector.broadcast %rsqrt3A : vector<2048x1xf32> to vector<2048x64xf32>
    %mul3A_28 = arith.mulf %get3A_16, %mul3A : vector<2048x64xf32>
    %add3A_29 = arith.addf %add3A_27, %mul3A_28 : vector<2048x64xf32>
    %mul3A_30 = vector.broadcast %rsqrt3A : vector<2048x1xf32> to vector<2048x64xf32>
    %mul3A_31 = arith.mulf %mul3A_30, %add3A_29 : vector<2048x64xf32>
    %mul3A_32 = arith.constant 0.000000e+00 : f32
    %mul3A_33 = vector.broadcast %mul3A_32 : f32 to vector<2048x64xf32>
    %mul3A_34 = arith.mulf %mul3A_33, %get3A_16 : vector<2048x64xf32>
    %mul3A_35 = arith.constant 1.500000e+00 : f32
    %mul3A_36 = vector.broadcast %mul3A_35 : f32 to vector<2048x64xf32>
    %mul3A_37 = arith.mulf %mul3A_36, %mul3A_31 : vector<2048x64xf32>
    %add3A_38 = arith.addf %mul3A_34, %mul3A_37 : vector<2048x64xf32>
    %swap3A = arith.constant 0 : index
    %swap3A_39 = arith.constant 0 : index
    %swap3A_40 = vector.load %arg4[%swap3A, %swap3A_39] : memref<2048x64xf32, #tpu.memory_space<vmem>>, vector<2048x64xf32>
    tpu.vector_store %arg4[%swap3A, %swap3A_39], %add3A_38 {strides = array<i32>} : memref<2048x64xf32, #tpu.memory_space<vmem>>, vector<2048x64xf32>,
    %mul3A_41 = arith.constant 1.500000e+00 : f32
    %mul3A_42 = vector.broadcast %mul3A_41 : f32 to vector<2048x64xf32>
    %mul3A_43 = arith.mulf %mul3A_42, %get3A_16 : vector<2048x64xf32>
    %mul3A_44 = arith.constant -1.500000e+00 : f32
    %mul3A_45 = vector.broadcast %mul3A_44 : f32 to vector<2048x64xf32>
    %mul3A_46 = arith.mulf %mul3A_45, %mul3A_31 : vector<2048x64xf32>
    %add3A_47 = arith.addf %mul3A_43, %mul3A_46 : vector<2048x64xf32>
    %swap3A_48 = arith.constant 0 : index
    %swap3A_49 = arith.constant 0 : index
    %swap3A_50 = vector.load %arg5[%swap3A_48, %swap3A_49] : memref<2048x64xf32, #tpu.memory_space<vmem>>, vector<2048x64xf32>
    tpu.vector_store %arg5[%swap3A_48, %swap3A_49], %add3A_47 {strides = array<i32>} : memref<2048x64xf32, #tpu.memory_space<vmem>>, vector<2048x64xf32>,
    return
  }
  func.func @transform_0(%arg0: i32) -> (i32, i32) {
    %c0_i32 = arith.constant 0 : i32
    %c0_i32_0 = arith.constant 0 : i32
    return %arg0, %c0_i32 : i32, i32
  }
  func.func @transform_1(%arg0: i32) -> (i32, i32, i32) {
    %c0_i32 = arith.constant 0 : i32
    %c0_i32_0 = arith.constant 0 : i32
    %c0_i32_1 = arith.constant 0 : i32
    return %c0_i32, %arg0, %c0_i32_0 : i32, i32, i32
  }
  func.func @transform_2(%arg0: i32) -> (i32, i32, i32) {
    %c0_i32 = arith.constant 0 : i32
    %c0_i32_0 = arith.constant 0 : i32
    %c0_i32_1 = arith.constant 0 : i32
    return %c0_i32, %arg0, %c0_i32_0 : i32, i32, i32
  }
  func.func @transform_3(%arg0: i32) -> (i32, i32) {
    %c0_i32 = arith.constant 0 : i32
    %c0_i32_0 = arith.constant 0 : i32
    return %arg0, %c0_i32 : i32, i32
  }
  func.func @transform_4(%arg0: i32) -> (i32, i32) {
    %c0_i32 = arith.constant 0 : i32
    %c0_i32_0 = arith.constant 0 : i32
    return %arg0, %c0_i32 : i32, i32
  }
}

module attributes {stable_mosaic.version = 14 : i64} {
  func.func @_recon_body(%arg0: i32, %arg1: i32, %arg2: memref<2560x64xf32, #tpu.memory_space<vmem>>, %arg3: memref<1280x64xf32, #tpu.memory_space<vmem>>, %arg4: memref<2560x64xf32, #tpu.memory_space<vmem>>, %arg5: memref<1280x64xf32, #tpu.memory_space<vmem>>, %arg6: memref<2560x1280xf32, #tpu.memory_space<vmem>>, %arg7: memref<2560x1280xf32, #tpu.memory_space<vmem>>) attributes {dimension_semantics = [#tpu.dimension_semantics<arbitrary>, #tpu.dimension_semantics<arbitrary>], iteration_bounds = array<i64: 4, 8>, scalar_prefetch = 0 : i64, scratch_operands = 0 : i64, tpu.core_type = #tpu.core_type<tc>, window_params = [{transform_indices = @transform_0, window_bounds = array<i64: 2560, 64>}, {transform_indices = @transform_1, window_bounds = array<i64: 1280, 64>}, {transform_indices = @transform_2, window_bounds = array<i64: 2560, 64>}, {transform_indices = @transform_3, window_bounds = array<i64: 1280, 64>}, {transform_indices = @transform_4, window_bounds = array<i64: 2560, 1280>}, {transform_indices = @transform_5, window_bounds = array<i64: 2560, 1280>}]} {
    %get3A = arith.constant 0 : index
    %get3A_0 = arith.constant 0 : index
    %get3A_1 = vector.load %arg2[%get3A, %get3A_0] : memref<2560x64xf32, #tpu.memory_space<vmem>>, vector<2560x64xf32>
    %get3A_2 = arith.constant 0 : index
    %get3A_3 = arith.constant 0 : index
    %get3A_4 = vector.load %arg3[%get3A_2, %get3A_3] : memref<1280x64xf32, #tpu.memory_space<vmem>>, vector<1280x64xf32>
    %dot_general3A = arith.constant dense<0.000000e+00> : vector<2560x1280xf32>
    %dot_general3A_5 = tpu.matmul %get3A_1, %get3A_4, %dot_general3A {dimension_numbers = #tpu.dot_dimension_numbers<[1], [1], [0], [0], [0, 0, 1, 0], [], []>, transpose_lhs_hint = false} : vector<2560x64xf32>, vector<1280x64xf32>, vector<2560x1280xf32> -> vector<2560x1280xf32>
    %swap3A = arith.constant 0 : index
    %swap3A_6 = arith.constant 0 : index
    %swap3A_7 = vector.load %arg6[%swap3A, %swap3A_6] : memref<2560x1280xf32, #tpu.memory_space<vmem>>, vector<2560x1280xf32>
    tpu.vector_store %arg6[%swap3A, %swap3A_6], %dot_general3A_5 {strides = array<i32>} : memref<2560x1280xf32, #tpu.memory_space<vmem>>, vector<2560x1280xf32>,
    %get3A_8 = arith.constant 0 : index
    %get3A_9 = arith.constant 0 : index
    %get3A_10 = vector.load %arg4[%get3A_8, %get3A_9] : memref<2560x64xf32, #tpu.memory_space<vmem>>, vector<2560x64xf32>
    %get3A_11 = arith.constant 0 : index
    %get3A_12 = arith.constant 0 : index
    %get3A_13 = vector.load %arg5[%get3A_11, %get3A_12] : memref<1280x64xf32, #tpu.memory_space<vmem>>, vector<1280x64xf32>
    %dot_general3A_14 = arith.constant dense<0.000000e+00> : vector<2560x1280xf32>
    %dot_general3A_15 = tpu.matmul %get3A_10, %get3A_13, %dot_general3A_14 {dimension_numbers = #tpu.dot_dimension_numbers<[1], [1], [0], [0], [0, 0, 1, 0], [], []>, transpose_lhs_hint = false} : vector<2560x64xf32>, vector<1280x64xf32>, vector<2560x1280xf32> -> vector<2560x1280xf32>
    %swap3A_16 = arith.constant 0 : index
    %swap3A_17 = arith.constant 0 : index
    %swap3A_18 = vector.load %arg7[%swap3A_16, %swap3A_17] : memref<2560x1280xf32, #tpu.memory_space<vmem>>, vector<2560x1280xf32>
    tpu.vector_store %arg7[%swap3A_16, %swap3A_17], %dot_general3A_15 {strides = array<i32>} : memref<2560x1280xf32, #tpu.memory_space<vmem>>, vector<2560x1280xf32>,
    return
  }
  func.func @transform_0(%arg0: i32, %arg1: i32) -> (i32, i32) {
    %c0_i32 = arith.constant 0 : i32
    %c0_i32_0 = arith.constant 0 : i32
    return %arg0, %c0_i32 : i32, i32
  }
  func.func @transform_1(%arg0: i32, %arg1: i32) -> (i32, i32) {
    %c0_i32 = arith.constant 0 : i32
    %c0_i32_0 = arith.constant 0 : i32
    return %arg1, %c0_i32 : i32, i32
  }
  func.func @transform_2(%arg0: i32, %arg1: i32) -> (i32, i32) {
    %c0_i32 = arith.constant 0 : i32
    %c0_i32_0 = arith.constant 0 : i32
    return %arg0, %c0_i32 : i32, i32
  }
  func.func @transform_3(%arg0: i32, %arg1: i32) -> (i32, i32) {
    %c0_i32 = arith.constant 0 : i32
    %c0_i32_0 = arith.constant 0 : i32
    return %arg1, %c0_i32 : i32, i32
  }
  func.func @transform_4(%arg0: i32, %arg1: i32) -> (i32, i32) {
    %c0_i32 = arith.constant 0 : i32
    return %arg0, %arg1 : i32, i32
  }
  func.func @transform_5(%arg0: i32, %arg1: i32) -> (i32, i32) {
    %c0_i32 = arith.constant 0 : i32
    return %arg0, %arg1 : i32, i32
  }
}

</mosaic_0001>

<sc_bundles>
// kernel: kernel.10.cloned.1.call-start
scs
__scs_entry_jumppad:
0x0: {  	(pc) =	sbr.rel $0x88, $3  }
0x1: {  	(tag) =	ssettag $0x0;
	lr =	simm.s32 $0x1  }
0x2: {  	[smem:$0x3F9D] =	sst lr;
	_ =	strace $0xD0000000  }
0x3: {  	_ = 	snop  }
0x4: {  	_ = 	snop  }
0x5: {  	_ = 	snop  }
0x6: {  	_ = 	snop  }
0x7: {  	_ = 	snop  }
__scs_overlays_trampoline_lowered:
0x8: {  	[smem:$0x3FAC] =	sst s0  }
0x9: {  	[smem:$0x3FAD] =	sst s1  }
0xa: {  	[smem:$0x3FAE] =	sst s2  }
0xb: {  	[smem:$0x3FAF] =	sst s3  }
0xc: {  	[smem:$0x3FB0] =	sst s4  }
0xd: {  	[smem:$0x3FB1] =	sst s5  }
0xe: {  	[smem:$0x3FB2] =	sst s6  }
0xf: {  	[smem:$0x3FB3] =	sst s7  }
0x10: {  	[smem:$0x3FB4] =	sst s8  }
0x11: {  	[smem:$0x3FB5] =	sst s9;
	s0 =	simm.s32 @!p0 $0x0  }
0x12: {  	s1 =	sld [smem:$0x3F9B];
	s0 =	simm.s32 @p0 $0x1  }
0x13: {  	[smem:$0x3FB6] =	sst s0;
	s0 =	simm.s32 @!p1 $0x0  }
0x14: {  	s2 =	sld [smem:$0x3F9A];
	s0 =	simm.s32 @p1 $0x1  }
0x15: {  	[smem:$0x3FB7] =	sst s0;
	s0 =	simm.s32 @!p2 $0x0  }
0x16: {  	s3 =	sld [smem:$0x3FDB];
	s0 =	simm.s32 @p2 $0x1  }
0x17: {  	s4 =	simm.s32 $0x1BF5;
	[smem:$0x3FB9] =	sst s0  }
0x18: {  	s0 =	sld [smem:$0x3F9C];
	_ =	swait.ge [sflag:s4], $0x0  }
0x19: {  	s7 =	sld [smem:$0x3F9D]  }
0x1a: {  	s8 =	sadd.s32 $0xFFFFE003, lr  }
0x1b: {  	s9 =	sadd.s32 $0xFFFFFEF7, lr;
	s5 =	simm.s32 $0xFFFFFFFF;
	p2 =	slt.u32 s8, $0xFFFFF086  }
0x1c: {  	p1 =	slt.u32 s9, $0xF7A;
	s5 =	simm.s32 @!p2 $0x0  }
0x1d: {  	s5 =	simm.s32 @p1 $0x1;
	p0 =	seq.s32 s7, s2  }
0x1e: {  	s7 =	smul.u32 @!p0 $0xF7A, s2;
	p2 =	seq.s32 @!p0 s5, $0x0  }
0x1f: {  	s9 =	smul.u32 $0xF7A, s1;
	s8 =	simm.s32 @!p0 $0x1BF5;
	p2 =	por !p2, p0  }
0x20: {  	[sflag:s8] =	ssyncset.s32 @!p0 $0xFFFFF086;
	s6 =	sadd.s32 @!p0 s3, s7;
	s7 =	simm.s32 @!p0 $0x108  }
0x21: {  	s3 =	sadd.s32 s3, s9;
	s6 =	sadd.s32 @!p0 $0x88, s6;
	s7 =	simm.s32 @p2 $0x1082  }
0x22: {  	[simem:s7], [sflag:s8] =	dma.local @!p0 [hbm:s6], $0xF7A  }
0x23: {  	s9 =	sor.u32 $0xD0000000, s2;
	s6 =	simm.s32 $0x108;
	_ =	swait.ge @!p0 [sflag:s8], $0x0  }
0x24: {  	s3 =	sadd.s32 $0x88, s3;
	s6 =	simm.s32 @!p1 $0x1082;
	[sflag:s4] =	ssyncset.s32 $0xFFFFF086  }
0x25: {  	[simem:s6], [sflag:s4] =	dma.local [hbm:s3], $0xF7A  }
0x26: {  	[smem:$0x3F9D] =	sst s1;
	(tag) =	ssettag s2;
	_ =	strace s9  }
0x27: {  	s1 =	sld [smem:$0x3FAD]  }
0x28: {  	s2 =	sld [smem:$0x3FAE]  }
0x29: {  	s4 =	sld [smem:$0x3FB0]  }
0x2a: {  	p0 =	seq.s32 s5, $0x0;
	s5 =	sld [smem:$0x3FB1]  }
0x2b: {  	s6 =	sld [smem:$0x3FB2]  }
0x2c: {  	s7 =	sld [smem:$0x3FB3]  }
0x2d: {  	s3 =	simm.s32 $0x108;
	s8 =	sld [smem:$0x3FB4]  }
0x2e: {  	s3 =	simm.s32 @!p0 $0x1082;
	s9 =	sld [smem:$0x3FB5]  }
0x2f: {  	lr =	sadd.s32 s0, s3;
	s0 =	sld [smem:$0x3FAC]  }
0x30: {  	s3 =	sld [smem:$0x3FAF]  }
0x31: {  	[smem:$0x3FB8] =	sst s10  }
0x32: {  	s10 =	sld [smem:$0x3FB6];
	_ =	sdelay $0x3  }
0x33: {  	p0 =	seq.s32 s10, $0x1;
	s10 =	sld [smem:$0x3FB8];
	_ =	sdelay $0x3  }
0x34: {  	[smem:$0x3FB8] =	sst s10  }
0x35: {  	s10 =	sld [smem:$0x3FB7];
	_ =	sdelay $0x3  }
0x36: {  	p1 =	seq.s32 s10, $0x1;
	s10 =	sld [smem:$0x3FB8];
	_ =	sdelay $0x3  }
0x37: {  	[smem:$0x3FB8] =	sst s10  }
0x38: {  	s10 =	sld [smem:$0x3FB9]  }
0x39: {  	_ = 	snop;
	(pc) =	sbr.ind lr, $3  }
0x3a: {  	_ = 	snop  }
0x3b: {  	_ = 	snop  }
0x3c: {  	p2 =	seq.s32 s10, $0x1;
	s10 =	sld [smem:$0x3FB8]  }
0x3d: {  	_ =	shalt  }
0x3e: {  	_ =	shalt  }
0x3f: {  	_ =	shalt  }
0x40: {  	_ =	shalt  }
0x41: {  	_ =	shalt  }
0x42: {  	_ =	shalt  }
0x43: {  	_ =	shalt  }
0x44: {  	_ =	shalt  }
0x45: {  	_ =	shalt  }
0x46: {  	_ =	shalt  }
0x47: {  	_ =	shalt  }
0x48: {  	_ =	shalt  }
0x49: {  	_ =	shalt  }
0x4a: {  	_ =	shalt  }
0x4b: {  	_ =	shalt  }
0x4c: {  	_ =	shalt  }
0x4d: {  	_ =	shalt  }
0x4e: {  	_ =	shalt  }
0x4f: {  	_ =	shalt  }
0x50: {  	_ =	shalt  }
0x51: {  	_ =	shalt  }
0x52: {  	_ =	shalt  }
0x53: {  	_ =	shalt  }
0x54: {  	_ =	shalt  }
0x55: {  	_ =	shalt  }
0x56: {  	_ =	shalt  }
0x57: {  	_ =	shalt  }
0x58: {  	_ =	shalt  }
0x59: {  	_ =	shalt  }
0x5a: {  	_ =	shalt  }
0x5b: {  	_ =	shalt  }
0x5c: {  	_ =	shalt  }
0x5d: {  	_ =	shalt  }
0x5e: {  	_ =	shalt  }
0x5f: {  	_ =	shalt  }
0x60: {  	_ =	shalt  }
0x61: {  	_ =	shalt  }
0x62: {  	_ =	shalt  }
0x63: {  	_ =	shalt  }
0x64: {  	_ =	shalt  }
0x65: {  	_ =	shalt  }
0x66: {  	_ =	shalt  }
0x67: {  	_ =	shalt  }
0x68: {  	_ =	shalt  }
0x69: {  	_ =	shalt  }
0x6a: {  	_ =	shalt  }
0x6b: {  	_ =	shalt  }
0x6c: {  	_ =	shalt  }
0x6d: {  	_ =	shalt  }
0x6e: {  	_ =	shalt  }
0x6f: {  	_ =	shalt  }
0x70: {  	_ =	shalt  }
0x71: {  	_ =	shalt  }
0x72: {  	_ =	shalt  }
0x73: {  	_ =	shalt  }
0x74: {  	_ =	shalt  }
0x75: {  	_ =	shalt  }
0x76: {  	_ =	shalt  }
0x77: {  	_ =	shalt  }
0x78: {  	_ =	shalt  }
0x79: {  	_ =	shalt  }
0x7a: {  	_ =	shalt  }
0x7b: {  	_ =	shalt  }
0x7c: {  	_ =	shalt  }
0x7d: {  	_ =	shalt  }
0x7e: {  	_ =	shalt  }
0x7f: {  	_ =	shalt  }
0x80: {  	_ =	shalt  }
0x81: {  	_ =	shalt  }
0x82: {  	_ =	shalt  }
0x83: {  	_ =	shalt  }
0x84: {  	_ =	shalt  }
0x85: {  	_ =	shalt  }
0x86: {  	_ =	shalt  }
0x87: {  	_ =	shalt  }
.Lfunc_end0:
.L_simem_size_0:
called_computation.1_lowered:
.L_overlay_start_0:
0x88: {  	s2 =	sld [smem:$0x3FD9]  }
0x89: {  	s3 =	sld [smem:$0x3FFE];
	_ =	sdelay $0x1  }
0x8a: {  	s1 =	srdreg.scid  }
0x8b: {  	s0 =	sand.u32 $0x1, s1  }
0x8c: {  	s14 =	sshll.u32 s0, $0xA;
	s2 =	sadd.s32 s3, s2  }
0x8d: {  	s2 =	sadd.s32 s2, s14  }
0x8e: {  	[smem:$0x3FC4] =	sst s2  }
0x8f: {  	_ = 	snop  }
0x90: {  	s2 =	sld [smem:$0x3FD0];
	_ =	sdelay $0x2  }
0x91: {  	s15 =	simm.s32 $0xA;
	s4 =	simm.s32 $0x10  }
0x92: {  	[smem:s4], [sflag:s15] =	dma.local [hbm:s2], $0x1  }
0x93: {  	_ =	swait.eq [sflag:s15], $0x1  }
0x94: {  	[sflag:s15] =	ssyncset.done $0x0  }
0x95: {  	[sflag:s15] =	ssyncadd.s32 $0xFFFFFFFF  }
0x96: {  	s16 =	sld [smem:$0x11];
	(tm) =	ssettm $0x1  }
0x97: {  	s17 =	sld [smem:$0x3FFB];
	_ =	sdelay $0x3  }
0x98: {  	_ =	strace s17  }
0x99: {  	s3 =	sld [smem:$0x3FFC];
	_ =	sdelay $0x3  }
0x9a: {  	_ =	strace s3  }
0x9b: {  	s3 =	sld [smem:$0x3FFD];
	_ =	sdelay $0x3  }
0x9c: {  	_ =	strace s3  }
0x9d: {  	_ =	strace $0x8FFFFFFF  }
0x9e: {  	s18 =	sld [smem:$0x3FDB];
	_ =	sdelay $0x1  }
0x9f: {  	s19 =	simm.s32 $_scs_section_size  }
0xa0: {  	s5 =	simm.s32 $_size__tile_overlayer_lowered;
	s6 =	simm.s32 $_tile_overlayer_lowered  }
0xa1: {  	s22 =	simm.s32 $0x1BFF;
	s21 =	sshll.u32 s6, $0x1;
	s3 =	sadd.s32 s19, s18  }
0xa2: {  	s7 =	simm.s32 $0x0;
	s20 =	sshll.u32 s5, $0x1;
	s5 =	sadd.s32 s21, s3  }
0xa3: {  	[timem:s7], [sflag:s22] =	dma.local [hbm:s5], s20  }
0xa4: {  	_ =	swait.ge [sflag:s22], s20  }
0xa5: {  	s4 =	ssub.s32 $0x0, s20;
	[sflag:s22] =	ssyncset.done $0x0  }
0xa6: {  	[sflag:s22] =	ssyncadd.s32 s4;
	_ =	sdelay $0x1  }
0xa7: {  	s23 =	simm.s32 $0x1B8B  }
0xa8: {  	_ =	swait.ge [sflag:s23], $0x1  }
0xa9: {  	[sflag:s23] =	ssyncset.done $0x0  }
0xaa: {  	s25 =	simm.s32 $0x1B8E;
	s24 =	sld [smem:$0x3FFE];
	[sflag:s23] =	ssyncadd.s32 $0xFFFFFFFF  }
0xab: {  	s26 =	simm.s32 $execute0_lowered;
	[smem:$0x3FD2] =	sst s25  }
0xac: {  	s5 =	sshll.u32 s26, $0x1;
	_ =	strace $0x80000049;
	[dreg:$0x1] =	wrdreg $0xFFFFFFFF  }
0xad: {  	s28 =	simm.s32 $_size_execute0_lowered;
	s3 =	sadd.s32 s3, s5;
	[dreg:$0x0] =	wrdreg $0x0  }
0xae: {  	s5 =	sshll.u32 s28, $0x1;
	[dreg:$0x2] =	wrdreg s3  }
0xaf: {  	[dreg:$0x3] =	wrdreg s5  }
0xb0: {  	[dreg:$0x4] =	wrdreg $0xC0  }
0xb1: {  	_ =	task [dreg:s7], $0x5FFFF  }
0xb2: {  	[dreg:$0x1] =	wrdreg $0xFFFFFFFF  }
0xb3: {  	[dreg:$0x0] =	wrdreg $0x60  }
0xb4: {  	[dreg:$0x2] =	wrdreg s16  }
0xb5: {  	[dreg:$0x3] =	wrdreg s24  }
0xb6: {  	[dreg:$0x4] =	wrdreg $0xA8000  }
0xb7: {  	[dreg:$0x5] =	wrdreg $0x148000  }
0xb8: {  	[dreg:$0x6] =	wrdreg $0x9  }
0xb9: {  	_ =	task.clear_ibuf [dreg:s7], $0x7FFFF;
	_ =	strace $0x90000049  }
0xba: {  	s29 =	simm.s32 $0x9;
	_ =	strace $0x8000004B  }
0xbb: {  	_ =	swait.ge [sflag:s29], $0x1  }
0xbc: {  	[sflag:s29] =	ssyncadd.s32 $0xFFFFFFFF  }
0xbd: {  	_ =	strace $0x9000004B  }
0xbe: {  	_ =	sfence  }
0xbf: {  	s30 =	sld [smem:$0x0];
	_ =	sdelay $0x2  }
0xc0: {  	s31 =	sshll.u32 s1, $0xD;
	s1 =	sshrl.u32 s1, $0x2  }
0xc1: {  	s3 =	sand.u32 $0x4000, s31;
	s1 =	sadd.s32 s1, s30  }
0xc2: {  	s0 =	sor.u32 s3, s0;
	s1 =	sshll.u32 s1, $0x11  }
0xc3: {  	s0 =	sor.u32 s1, s0  }
0xc4: {  	s0 =	sadd.s32 $0x8F2B, s0  }
0xc5: {  	[sflag:s0] =	ssyncadd.remote.s32 $0x1  }
0xc6: {  	_ =	sfence.sel $0xFFFF  }
0xc7: {  	[dreg:$0x0] =	wrdreg $0xFFFFFFFF;
	(pc) =	sbr.abs _section_cstart, $3  }
0xc8: {  	[dreg:$0x1] =	wrdreg $0xFFFFFFFF  }
0xc9: {  	_ =	task.clear_ibuf [dreg:s7], $0x2FFFF;
	_ =	strace $0x9FFFFFFF  }
0xca: {  	(tm) =	ssettm $0x7FFFFFFF  }
0xcb: {  	_ =	shalt  }
tec
execute0_lowered:
.L_overlay_start_1:
0x0: {  	(tag) =	ssettag $0x1  }
0x1: {  	s5 =	rddreg [dreg:$0x0];
	s1 =	stileid.u32  }
0x2: {  	s0 =	srdreg.scid;
	s3 =	smul.u32 $0xA000, s1  }
0x3: {  	s2 =	rddreg [dreg:$0x1];
	s9 =	simm.s32 $0x1;
	s11 =	smul.u32 $0x271, s1  }
0x4: {  	s12 =	simm.s32 $0x1;
	s29 =	simm.s32 $0x9800;
	s13 =	smul.u32 $0x9C40, s1  }
0x5: {  	s4 =	sand.u32 $0x1, s0;
	s6 =	sadd.s32 $0xB000, s2;
	s19 =	smul.u32 $0x2710, s1  }
0x6: {  	s24 =	sadd.s32 $0x10000, s2;
	s0 =	sshll.u32 s4, $0x4;
	s7 =	ssub.s32 $0x2, s4  }
0x7: {  	s14 =	smul.u32 $0xA0000, s4;
	s0 =	sor.u32 s1, s0;
	s10 =	sshrl.u32 s7, $0x1  }
0x8: {  	s20 =	sshrl.u32 s13, $0x3;
	s17 =	sadd.s32 $0x177, s11;
	s8 =	smul.u32 $0x27, s0  }
0x9: {  	p0 =	sne.s32 s0, $0x0;
	s4 =	ssub.s32 s7, s10;
	s10 =	sadd.s32 $0x7D, s11  }
0xa: {  	s18 =	sshll.u32 s17, $0x1;
	s9 =	simm.s32 @!p0 $0x0;
	p0 =	sgt.u32 s0, $0x10  }
0xb: {  	s21 =	sshll.u32 s10, $0x3;
	s22 =	sshll.u32 s10, $0x1;
	s8 =	sadd.s32 s9, s8  }
0xc: {  	s12 =	simm.s32 @!p0 $0x0;
	s9 =	sshrl.u32 s19, $0x3;
	s23 =	sadd.s32 s6, s22  }
0xd: {  	s7 =	sadd.s32 s12, s8;
	s8 =	sadd.s32 s5, s20;
	[dreg:$0x7] =	wrdreg s23  }
0xe: {  	p0 =	sne.s32 s1, $0x0;
	s20 =	sadd.s32 s6, s18;
	[dreg:$0x5] =	wrdreg s8  }
0xf: {  	s1 =	sshll.u32 s1, $0x6;
	s8 =	sadd.s32 s5, s21;
	[dreg:$0xe] =	wrdreg s20  }
0x10: {  	s19 =	sadd.s32 s6, s9;
	s21 =	sadd.s32 s18, s24;
	[dreg:$0x6] =	wrdreg s8  }
0x11: {  	s9 =	sadd.s32 $0xFA, s11;
	s11 =	sadd.s32 $0x1F4, s11;
	[dreg:$0xf] =	wrdreg s21  }
0x12: {  	s15 =	sshll.u32 s9, $0x3;
	s8 =	sadd.s32 s22, s24;
	s21 =	rddreg [dreg:$0x3]  }
0x13: {  	s26 =	sshll.u32 s9, $0x1;
	s25 =	sadd.s32 s5, s15;
	[dreg:$0x8] =	wrdreg s8  }
0x14: {  	s23 =	sadd.s32 s3, s14;
	s28 =	sadd.s32 s6, s26;
	[dreg:$0x9] =	wrdreg s25  }
0x15: {  	s22 =	sshll.u32 s11, $0x1;
	[dreg:$0xa] =	wrdreg s28;
	s8 =	sadd.s32 s26, s24  }
0x16: {  	s12 =	simm.s32 $0x4;
	s6 =	sadd.s32 s6, s22;
	[dreg:$0xb] =	wrdreg s8  }
0x17: {  	s16 =	sshll.u32 s11, $0x3;
	s15 =	sshll.u32 s17, $0x3;
	[dreg:$0x10] =	wrdreg s6  }
0x18: {  	s8 =	sadd.s32 s5, s15;
	s5 =	sadd.s32 s5, s16;
	s16 =	rddreg [dreg:$0x2]  }
0x19: {  	s14 =	simm.s32 $0x5;
	s25 =	sadd.s32 $0x5E00, s2;
	[dreg:$0xc] =	wrdreg s8  }
0x1a: {  	s26 =	sadd.s32 $0xE00, s2;
	s15 =	simm.s32 $0x0;
	[dreg:$0xd] =	wrdreg s5  }
0x1b: {  	s5 =	sadd.s32 s22, s24;
	[smem:$0x7FF] =	sst s15;
	s24 =	sshll.u32 s7, $0x4  }
0x1c: {  	s20 =	sadd.s32 s3, s16;
	s22 =	sadd.s32 s13, s21;
	s3 =	simm.s32 $0x1  }
0x1d: {  	s8 =	simm.s32 $0x9000;
	s13 =	simm.s32 $0x2;
	[dreg:$0x11] =	wrdreg s5  }
0x1e: {  	s7 =	sand.u32 $0x1FFFFFF0, s24;
	s6 =	sadd.s32 $0x270, s24;
	s5 =	sshrl.u32 s23, $0x3  }
0x1f: {  	s23 =	sshll.u32 s10, $0x6;
	s24 =	sshll.u32 s9, $0x6;
	s9 =	simm.s32 $0x4800  }
0x20: {  	s28 =	sadd.s32 s25, s7;
	s7 =	sadd.s32 s26, s7;
	s18 =	sadd.s32 s25, s6  }
0x21: {  	s6 =	sadd.s32 s26, s6;
	s5 =	sadd.s32 s5, s2;
	[dreg:$0x12] =	wrdreg s28  }
0x22: {  	s2 =	sadd.s32 $0x15000, s2;
	s25 =	sor.u32 $0x1C07, s1;
	[dreg:$0x13] =	wrdreg s7  }
0x23: {  	s1 =	sadd.s32 s23, s21;
	s26 =	sshll.u32 s17, $0x6;
	[dreg:$0x14] =	wrdreg s18  }
0x24: {  	s17 =	simm.s32 $0x80;
	s23 =	simm.s32 $0x0;
	[dreg:$0x15] =	wrdreg s6  }
0x25: {  	s30 =	sadd.s32 s26, s21;
	_ =	strace $0x8000004A;
	[dreg:$0x16] =	wrdreg s2  }
0x26: {  	s28 =	sshll.u32 s11, $0x6;
	s18 =	sadd.s32 $0x16400, s5;
	[dreg:$0x17] =	wrdreg s20  }
0x27: {  	s11 =	smov.u32 s19;
	s5 =	simm.s32 $0x7;
	[dreg:$0x18] =	wrdreg s22  }
0x28: {  	s6 =	simm.s32 $0x2800;
	s7 =	simm.s32 $0x8800;
	[dreg:$0x19] =	wrdreg s1  }
0x29: {  	s1 =	sadd.s32 s24, s21;
	s31 =	sadd.s32 s28, s21;
	s2 =	simm.s32 $0x1400  }
0x2a: {  	s20 =	simm.s32 $0x3;
	s22 =	simm.s32 $0x6;
	[dreg:$0x1a] =	wrdreg s1  }
0x2b: {  	s1 =	smax.u32 s4, $0x1;
	s4 =	sadd.s32 $0x5000, s19;
	s19 =	simm.s32 $0x6800  }
.LBB2_1:
0x2c: {  	s10 =	rddreg [dreg:$0x17]  }
0x2d: {  	s26 =	rddreg [dreg:$0x16];
	s24 =	sshrl.u32 s10, $0x3  }
0x2e: {  	[spmem:s24], [sflag:s25] =	dma.local [hbm:s26], $0x1400  }
0x2f: {  	_ =	swait.ge [sflag:s5], $0x1400  }
0x30: {  	[sflag:s5] =	ssyncset.done $0x0  }
0x31: {  	s26 =	rddreg [dreg:$0x5];
	[sflag:s5] =	ssyncadd.s32 $0xFFFFEC00  }
0x32: {  	[tilespmem:s6], [sflag:$0x1] =	stream.linear.gather [hbm4b:s26+s15], $0x1F40, $0x38;
	[tilespmem:$0x1E440] =	vst v63  }
0x33: {  	_ = 	snop  }
0x34: {  	[tilespmem:s7], [sflag:$0x4] =	stream.linear.gather [hbm4b:s11+s15], $0x7D0, $0x38;
	[tilespmem:$0x1E440] =	vst v63  }
0x35: {  	_ = 	snop  }
0x36: {  	[tilespmem:s8], [sflag:$0x4] =	stream.linear.gather [hbm4b:s4+s15], $0x7D0, $0x38;
	[tilespmem:$0x1E440] =	vst v63  }
0x37: {  	s26 =	rddreg [dreg:$0x6]  }
0x38: {  	[tilespmem:s9], [sflag:$0x2] =	stream.linear.gather [hbm4b:s26+s15], $0x1F40, $0x38;
	[tilespmem:$0x1E440] =	vst v63  }
0x39: {  	s26 =	rddreg [dreg:$0x7]  }
0x3a: {  	[tilespmem:s29], [sflag:$0x5] =	stream.linear.gather [hbm4b:s26+s15], $0x7D0, $0x38;
	[tilespmem:$0x1E440] =	vst v63  }
0x3b: {  	s10 =	rddreg [dreg:$0x8];
	s26 =	simm.s32 $0xA000  }
0x3c: {  	[tilespmem:s26], [sflag:$0x5] =	stream.linear.gather [hbm4b:s10+s15], $0x7D0, $0x38;
	[tilespmem:$0x1E440] =	vst v63  }
0x3d: {  	_ =	swait.ge [sflag:s3], $0x1F40  }
0x3e: {  	[sflag:s3] =	ssyncset.done $0x0  }
0x3f: {  	[sflag:s3] =	ssyncadd.s32 $0xFFFFE0C0  }
0x40: {  	_ =	swait.ge [sflag:s12], $0x7D0  }
0x41: {  	[sflag:s12] =	ssyncset.done $0x0  }
0x42: {  	[sflag:s12] =	ssyncadd.s32 $0xFFFFF830  }
0x43: {  	_ =	swait.ge [sflag:s12], $0x7D0  }
0x44: {  	[sflag:s12] =	ssyncset.done $0x0  }
0x45: {  	s26 =	simm.s32 $0x0;
	[sflag:s12] =	ssyncadd.s32 $0xFFFFF830  }
0x46: {  	v0 =	vld [tilespmem:s26+$0x8800];
	_ =	sdelay $0x1  }
0x47: {  	v1 =	vld [tilespmem:s26+$0x9000];
	_ =	sdelay $0x2  }
0x48: {  	v0 =	vadd.f32 $1.000000000e+00, v0;
	_ =	sdelay $0x1  }
0x49: {  	v0 =	vadd.f32 v1, v0;
	_ =	sdelay $0x1  }
0x4a: {  	v1 =	vshrl.u32 v0, $0x1;
	v0 =	vmul.f32 $5.000000000e-01, v0  }
0x4b: {  	v1 =	vsub.s32 $0x5F3759DF, v1  }
0x4c: {  	v2 =	vmul.f32 v1, v0;
	_ =	sdelay $0x1  }
0x4d: {  	v2 =	vmul.f32 v1, v2;
	_ =	sdelay $0x1  }
0x4e: {  	v2 =	vsub.f32 $1.500000000e+00, v2;
	_ =	sdelay $0x1  }
0x4f: {  	v1 =	vmul.f32 v1, v2;
	_ =	sdelay $0x1  }
0x50: {  	v0 =	vmul.f32 v1, v0;
	_ =	sdelay $0x1  }
0x51: {  	s26 =	simm.s32 $0x2820;
	v0 =	vmul.f32 v0, v1  }
0x52: {  	v61 =	vld [tilespmem:s26+$0x10]  }
0x53: {  	v3 =	vld [tilespmem:s26+$0x0];
	v0 =	vsub.f32 $1.500000000e+00, v0  }
0x54: {  	v4 =	vld [tilespmem:s26+$0xFFFFFFF0]  }
0x55: {  	v5 =	vld [tilespmem:s26+$0xFFFFFFE0];
	v0 =	vmul.f32 v0, v1;
	_ =	sdelay $0x1  }
0x56: {  	v1 =	vmul.f32 v0, v61  }
0x57: {  	v62 =	vmul.f32 v0, v3  }
0x58: {  	v63 =	vmul.f32 v0, v4;
	[tilespmem:s26+$0x10] =	vst v1  }
0x59: {  	v0 =	vmul.f32 v0, v5;
	[tilespmem:s26+$0x0] =	vst v62  }
0x5a: {  	[tilespmem:s26+$0xFFFFFFF0] =	vst v63  }
0x5b: {  	s28 =	simm.s32 $0x80;
	s10 =	simm.s32 $0x10;
	[tilespmem:s26+$0xFFFFFFE0] =	vst v0  }
.LBB2_2:
0x5c: {  	p1 =	sne.s32 s28, $0x1F00;
	v0 =	vld [tilespmem:s10+$0x8800]  }
0x5d: {  	v1 =	vld [tilespmem:s10+$0x9000];
	_ =	sdelay $0x3  }
0x5e: {  	v0 =	vadd.f32 $1.000000000e+00, v0;
	_ =	sdelay $0x1  }
0x5f: {  	v0 =	vadd.f32 v1, v0;
	_ =	sdelay $0x1  }
0x60: {  	v1 =	vshrl.u32 v0, $0x1;
	v0 =	vmul.f32 $5.000000000e-01, v0  }
0x61: {  	v1 =	vsub.s32 $0x5F3759DF, v1  }
0x62: {  	v2 =	vmul.f32 v1, v0;
	_ =	sdelay $0x1  }
0x63: {  	v2 =	vmul.f32 v1, v2;
	_ =	sdelay $0x1  }
0x64: {  	v2 =	vsub.f32 $1.500000000e+00, v2;
	_ =	sdelay $0x1  }
0x65: {  	v1 =	vmul.f32 v1, v2;
	_ =	sdelay $0x1  }
0x66: {  	s26 =	sadd.s32 $0x40, s26;
	v0 =	vmul.f32 v1, v0  }
0x67: {  	v2 =	vld [tilespmem:s26+$0xFFFFFFF0]  }
0x68: {  	v0 =	vmul.f32 v0, v1;
	v3 =	vld [tilespmem:s26+$0x10]  }
0x69: {  	v4 =	vld [tilespmem:s26+$0x0]  }
0x6a: {  	v0 =	vsub.f32 $1.500000000e+00, v0;
	v5 =	vld [tilespmem:s26+$0xFFFFFFE0];
	_ =	sdelay $0x1  }
0x6b: {  	v0 =	vmul.f32 v0, v1;
	_ =	sdelay $0x1  }
0x6c: {  	v1 =	vmul.f32 v0, v4;
	v3 =	vmul.f32 v0, v3  }
.Ltmp0:
0x6d: {  	v4 =	vmul.f32 v0, v5;
	v0 =	vmul.f32 v0, v2;
	(pc) =	sbr.rel @p1 .LBB2_2-.Ltmp0, $4  }
0x6e: {  	[tilespmem:s26+$0x10] =	vst v3  }
0x6f: {  	[tilespmem:s26+$0x0] =	vst v1  }
0x70: {  	[tilespmem:s26+$0xFFFFFFF0] =	vst v0  }
0x71: {  	s10 =	sshra.s32 s28, $0x2;
	s28 =	sadd.s32 $0x40, s28;
	[tilespmem:s26+$0xFFFFFFE0] =	vst v4  }
0x72: {  	v0 =	vld [tilespmem:s10+$0x8800];
	_ =	sdelay $0x1  }
0x73: {  	v1 =	vld [tilespmem:s10+$0x9000];
	_ =	sdelay $0x2  }
0x74: {  	v0 =	vadd.f32 $1.000000000e+00, v0;
	_ =	sdelay $0x1  }
0x75: {  	v0 =	vadd.f32 v1, v0;
	_ =	sdelay $0x1  }
0x76: {  	v1 =	vshrl.u32 v0, $0x1;
	v0 =	vmul.f32 $5.000000000e-01, v0  }
0x77: {  	v1 =	vsub.s32 $0x5F3759DF, v1  }
0x78: {  	v2 =	vmul.f32 v1, v0;
	_ =	sdelay $0x1  }
0x79: {  	v2 =	vmul.f32 v1, v2;
	_ =	sdelay $0x1  }
0x7a: {  	v2 =	vsub.f32 $1.500000000e+00, v2;
	_ =	sdelay $0x1  }
0x7b: {  	v1 =	vmul.f32 v1, v2;
	_ =	sdelay $0x1  }
0x7c: {  	v0 =	vmul.f32 v1, v0;
	_ =	sdelay $0x1  }
0x7d: {  	s26 =	sadd.s32 $0x40, s26;
	v0 =	vmul.f32 v0, v1  }
0x7e: {  	v52 =	vld [tilespmem:s26+$0x10]  }
0x7f: {  	v3 =	vld [tilespmem:s26+$0x0];
	v0 =	vsub.f32 $1.500000000e+00, v0  }
0x80: {  	v4 =	vld [tilespmem:s26+$0xFFFFFFF0]  }
0x81: {  	v5 =	vld [tilespmem:s26+$0xFFFFFFE0];
	v0 =	vmul.f32 v0, v1;
	_ =	sdelay $0x1  }
0x82: {  	v1 =	vmul.f32 v0, v52  }
0x83: {  	v53 =	vmul.f32 v0, v3  }
0x84: {  	v54 =	vmul.f32 v0, v4;
	[tilespmem:s26+$0x10] =	vst v1  }
0x85: {  	v0 =	vmul.f32 v0, v5;
	[tilespmem:s26+$0x0] =	vst v53  }
0x86: {  	[tilespmem:s26+$0xFFFFFFF0] =	vst v54  }
0x87: {  	[tilespmem:s26+$0xFFFFFFE0] =	vst v0;
	s26 =	rddreg [dreg:$0x18]  }
0x88: {  	[spmem:s26] =	stream.linear.scatter [tilespmem:s6], [sflag:$0x7], $0x1F40, $0x38;
	[tilespmem:$0x1E440] =	vst v63  }
0x89: {  	_ =	swait.ge [sflag:s5], $0x1F40  }
0x8a: {  	[sflag:s5] =	ssyncset.done $0x0  }
0x8b: {  	s10 =	simm.s32 $0x0;
	s26 =	rddreg [dreg:$0x9];
	[sflag:s5] =	ssyncadd.s32 $0xFFFFE0C0  }
0x8c: {  	[tilespmem:s6], [sflag:$0x1] =	stream.linear.gather [hbm4b:s26+s10], $0x1F40, $0x38;
	[tilespmem:$0x1E440] =	vst v63  }
0x8d: {  	s26 =	rddreg [dreg:$0xa]  }
0x8e: {  	[tilespmem:s7], [sflag:$0x4] =	stream.linear.gather [hbm4b:s26+s10], $0x7D0, $0x38;
	[tilespmem:$0x1E440] =	vst v63  }
0x8f: {  	s26 =	rddreg [dreg:$0xb]  }
0x90: {  	[tilespmem:s8], [sflag:$0x4] =	stream.linear.gather [hbm4b:s26+s10], $0x7D0, $0x38;
	[tilespmem:$0x1E440] =	vst v63  }
0x91: {  	_ =	swait.ge [sflag:s13], $0x1F40  }
0x92: {  	[sflag:s13] =	ssyncset.done $0x0  }
0x93: {  	[sflag:s13] =	ssyncadd.s32 $0xFFFFE0C0  }
0x94: {  	_ =	swait.ge [sflag:s14], $0x7D0  }
0x95: {  	[sflag:s14] =	ssyncset.done $0x0  }
0x96: {  	[sflag:s14] =	ssyncadd.s32 $0xFFFFF830  }
0x97: {  	_ =	swait.ge [sflag:s14], $0x7D0  }
0x98: {  	[sflag:s14] =	ssyncset.done $0x0  }
0x99: {  	s26 =	simm.s32 $0x0;
	[sflag:s14] =	ssyncadd.s32 $0xFFFFF830  }
0x9a: {  	v55 =	vld [tilespmem:s26+$0x9800];
	_ =	sdelay $0x1  }
0x9b: {  	v56 =	vld [tilespmem:s26+$0xA000];
	_ =	sdelay $0x2  }
0x9c: {  	v0 =	vadd.f32 $1.000000000e+00, v55;
	_ =	sdelay $0x1  }
0x9d: {  	v0 =	vadd.f32 v56, v0;
	_ =	sdelay $0x1  }
0x9e: {  	v1 =	vshrl.u32 v0, $0x1;
	v0 =	vmul.f32 $5.000000000e-01, v0  }
0x9f: {  	v1 =	vsub.s32 $0x5F3759DF, v1  }
0xa0: {  	v57 =	vmul.f32 v1, v0;
	_ =	sdelay $0x1  }
0xa1: {  	v2 =	vmul.f32 v1, v57;
	_ =	sdelay $0x1  }
0xa2: {  	v2 =	vsub.f32 $1.500000000e+00, v2;
	_ =	sdelay $0x1  }
0xa3: {  	v1 =	vmul.f32 v1, v2;
	_ =	sdelay $0x1  }
0xa4: {  	v0 =	vmul.f32 v1, v0;
	_ =	sdelay $0x1  }
0xa5: {  	s26 =	simm.s32 $0x4820;
	v0 =	vmul.f32 v0, v1  }
0xa6: {  	v58 =	vld [tilespmem:s26+$0x10]  }
0xa7: {  	v59 =	vld [tilespmem:s26+$0x0];
	v0 =	vsub.f32 $1.500000000e+00, v0  }
0xa8: {  	v60 =	vld [tilespmem:s26+$0xFFFFFFF0]  }
0xa9: {  	v61 =	vld [tilespmem:s26+$0xFFFFFFE0];
	v0 =	vmul.f32 v0, v1;
	_ =	sdelay $0x1  }
0xaa: {  	v1 =	vmul.f32 v0, v58  }
0xab: {  	v62 =	vmul.f32 v0, v59  }
0xac: {  	v63 =	vmul.f32 v0, v60;
	[tilespmem:s26+$0x10] =	vst v1  }
0xad: {  	v0 =	vmul.f32 v0, v61;
	[tilespmem:s26+$0x0] =	vst v62  }
0xae: {  	[tilespmem:s26+$0xFFFFFFF0] =	vst v63  }
0xaf: {  	s28 =	simm.s32 $0x80;
	s10 =	simm.s32 $0x10;
	[tilespmem:s26+$0xFFFFFFE0] =	vst v0  }
.LBB2_4:
0xb0: {  	p1 =	sne.s32 s28, $0x1F00;
	v0 =	vld [tilespmem:s10+$0x9800]  }
0xb1: {  	v1 =	vld [tilespmem:s10+$0xA000];
	_ =	sdelay $0x3  }
0xb2: {  	v0 =	vadd.f32 $1.000000000e+00, v0;
	_ =	sdelay $0x1  }
0xb3: {  	v0 =	vadd.f32 v1, v0;
	_ =	sdelay $0x1  }
0xb4: {  	v1 =	vshrl.u32 v0, $0x1;
	v0 =	vmul.f32 $5.000000000e-01, v0  }
0xb5: {  	v1 =	vsub.s32 $0x5F3759DF, v1  }
0xb6: {  	v2 =	vmul.f32 v1, v0;
	_ =	sdelay $0x1  }
0xb7: {  	v2 =	vmul.f32 v1, v2;
	_ =	sdelay $0x1  }
0xb8: {  	v2 =	vsub.f32 $1.500000000e+00, v2;
	_ =	sdelay $0x1  }
0xb9: {  	v1 =	vmul.f32 v1, v2;
	_ =	sdelay $0x1  }
0xba: {  	s26 =	sadd.s32 $0x40, s26;
	v0 =	vmul.f32 v1, v0  }
0xbb: {  	v2 =	vld [tilespmem:s26+$0xFFFFFFF0]  }
0xbc: {  	v0 =	vmul.f32 v0, v1;
	v3 =	vld [tilespmem:s26+$0x10]  }
0xbd: {  	v4 =	vld [tilespmem:s26+$0x0]  }
0xbe: {  	v0 =	vsub.f32 $1.500000000e+00, v0;
	v5 =	vld [tilespmem:s26+$0xFFFFFFE0];
	_ =	sdelay $0x1  }
0xbf: {  	v0 =	vmul.f32 v0, v1;
	_ =	sdelay $0x1  }
0xc0: {  	v1 =	vmul.f32 v0, v4;
	v3 =	vmul.f32 v0, v3  }
.Ltmp1:
0xc1: {  	v4 =	vmul.f32 v0, v5;
	v0 =	vmul.f32 v0, v2;
	(pc) =	sbr.rel @p1 .LBB2_4-.Ltmp1, $4  }
0xc2: {  	[tilespmem:s26+$0x10] =	vst v3  }
0xc3: {  	[tilespmem:s26+$0x0] =	vst v1  }
0xc4: {  	[tilespmem:s26+$0xFFFFFFF0] =	vst v0  }
0xc5: {  	s10 =	sshra.s32 s28, $0x2;
	s28 =	sadd.s32 $0x40, s28;
	[tilespmem:s26+$0xFFFFFFE0] =	vst v4  }
0xc6: {  	v0 =	vld [tilespmem:s10+$0x9800];
	_ =	sdelay $0x1  }
0xc7: {  	v1 =	vld [tilespmem:s10+$0xA000];
	_ =	sdelay $0x2  }
0xc8: {  	v0 =	vadd.f32 $1.000000000e+00, v0;
	_ =	sdelay $0x1  }
0xc9: {  	v0 =	vadd.f32 v1, v0;
	_ =	sdelay $0x1  }
0xca: {  	v1 =	vshrl.u32 v0, $0x1;
	v0 =	vmul.f32 $5.000000000e-01, v0  }
0xcb: {  	v1 =	vsub.s32 $0x5F3759DF, v1  }
0xcc: {  	v2 =	vmul.f32 v1, v0;
	_ =	sdelay $0x1  }
0xcd: {  	v2 =	vmul.f32 v1, v2;
	_ =	sdelay $0x1  }
0xce: {  	v2 =	vsub.f32 $1.500000000e+00, v2;
	_ =	sdelay $0x1  }
0xcf: {  	v1 =	vmul.f32 v1, v2;
	_ =	sdelay $0x1  }
0xd0: {  	v0 =	vmul.f32 v1, v0;
	_ =	sdelay $0x1  }
0xd1: {  	s26 =	sadd.s32 $0x40, s26;
	v0 =	vmul.f32 v0, v1  }
0xd2: {  	v52 =	vld [tilespmem:s26+$0x10]  }
0xd3: {  	v3 =	vld [tilespmem:s26+$0x0];
	v0 =	vsub.f32 $1.500000000e+00, v0  }
0xd4: {  	v4 =	vld [tilespmem:s26+$0xFFFFFFF0]  }
0xd5: {  	v5 =	vld [tilespmem:s26+$0xFFFFFFE0];
	v0 =	vmul.f32 v0, v1;
	_ =	sdelay $0x1  }
0xd6: {  	v1 =	vmul.f32 v0, v52  }
0xd7: {  	v53 =	vmul.f32 v0, v3  }
0xd8: {  	v54 =	vmul.f32 v0, v4;
	[tilespmem:s26+$0x10] =	vst v1  }
0xd9: {  	v0 =	vmul.f32 v0, v5;
	[tilespmem:s26+$0x0] =	vst v53  }
0xda: {  	[tilespmem:s26+$0xFFFFFFF0] =	vst v54  }
0xdb: {  	[tilespmem:s26+$0xFFFFFFE0] =	vst v0;
	s26 =	rddreg [dreg:$0x19]  }
0xdc: {  	[spmem:s26] =	stream.linear.scatter [tilespmem:s9], [sflag:$0x7], $0x1F40, $0x38;
	[tilespmem:$0x1E440] =	vst v63  }
0xdd: {  	_ =	swait.ge [sflag:s5], $0x1F40  }
0xde: {  	[sflag:s5] =	ssyncset.done $0x0  }
0xdf: {  	s10 =	simm.s32 $0x0;
	s26 =	rddreg [dreg:$0xc];
	[sflag:s5] =	ssyncadd.s32 $0xFFFFE0C0  }
0xe0: {  	[tilespmem:s9], [sflag:$0x2] =	stream.linear.gather [hbm4b:s26+s10], $0x1F40, $0x38;
	[tilespmem:$0x1E440] =	vst v63  }
0xe1: {  	s26 =	rddreg [dreg:$0xe]  }
0xe2: {  	[tilespmem:s29], [sflag:$0x5] =	stream.linear.gather [hbm4b:s26+s10], $0x7D0, $0x38;
	[tilespmem:$0x1E440] =	vst v63  }
0xe3: {  	s28 =	simm.s32 $0xA000;
	s29 =	rddreg [dreg:$0xf]  }
0xe4: {  	[tilespmem:s28], [sflag:$0x5] =	stream.linear.gather [hbm4b:s29+s10], $0x7D0, $0x38;
	[tilespmem:$0x1E440] =	vst v63  }
0xe5: {  	_ =	swait.ge [sflag:s3], $0x1F40  }
0xe6: {  	[sflag:s3] =	ssyncset.done $0x0  }
0xe7: {  	[sflag:s3] =	ssyncadd.s32 $0xFFFFE0C0  }
0xe8: {  	_ =	swait.ge [sflag:s12], $0x7D0  }
0xe9: {  	[sflag:s12] =	ssyncset.done $0x0  }
0xea: {  	[sflag:s12] =	ssyncadd.s32 $0xFFFFF830  }
0xeb: {  	_ =	swait.ge [sflag:s12], $0x7D0  }
0xec: {  	[sflag:s12] =	ssyncset.done $0x0  }
0xed: {  	s29 =	simm.s32 $0x0;
	[sflag:s12] =	ssyncadd.s32 $0xFFFFF830  }
0xee: {  	v55 =	vld [tilespmem:s29+$0x8800];
	_ =	sdelay $0x1  }
0xef: {  	v56 =	vld [tilespmem:s29+$0x9000];
	_ =	sdelay $0x2  }
0xf0: {  	v0 =	vadd.f32 $1.000000000e+00, v55;
	_ =	sdelay $0x1  }
0xf1: {  	v0 =	vadd.f32 v56, v0;
	_ =	sdelay $0x1  }
0xf2: {  	v1 =	vshrl.u32 v0, $0x1;
	v0 =	vmul.f32 $5.000000000e-01, v0  }
0xf3: {  	v1 =	vsub.s32 $0x5F3759DF, v1  }
0xf4: {  	v57 =	vmul.f32 v1, v0;
	_ =	sdelay $0x1  }
0xf5: {  	v2 =	vmul.f32 v1, v57;
	_ =	sdelay $0x1  }
0xf6: {  	v2 =	vsub.f32 $1.500000000e+00, v2;
	_ =	sdelay $0x1  }
0xf7: {  	v1 =	vmul.f32 v1, v2;
	_ =	sdelay $0x1  }
0xf8: {  	v0 =	vmul.f32 v1, v0;
	_ =	sdelay $0x1  }
0xf9: {  	s26 =	simm.s32 $0x2820;
	v0 =	vmul.f32 v0, v1  }
0xfa: {  	v58 =	vld [tilespmem:s26+$0x10]  }
0xfb: {  	v59 =	vld [tilespmem:s26+$0x0];
	v0 =	vsub.f32 $1.500000000e+00, v0  }
0xfc: {  	v60 =	vld [tilespmem:s26+$0xFFFFFFF0]  }
0xfd: {  	v61 =	vld [tilespmem:s26+$0xFFFFFFE0];
	v0 =	vmul.f32 v0, v1;
	_ =	sdelay $0x1  }
0xfe: {  	v1 =	vmul.f32 v0, v58  }
0xff: {  	v62 =	vmul.f32 v0, v59  }
0x100: {  	v63 =	vmul.f32 v0, v60;
	[tilespmem:s26+$0x10] =	vst v1  }
0x101: {  	v0 =	vmul.f32 v0, v61;
	[tilespmem:s26+$0x0] =	vst v62  }
0x102: {  	[tilespmem:s26+$0xFFFFFFF0] =	vst v63  }
0x103: {  	s10 =	simm.s32 $0x10;
	s28 =	simm.s32 $0x80;
	[tilespmem:s26+$0xFFFFFFE0] =	vst v0  }
.LBB2_6:
0x104: {  	p1 =	sne.s32 s28, $0x1F00;
	v0 =	vld [tilespmem:s10+$0x8800]  }
0x105: {  	v1 =	vld [tilespmem:s10+$0x9000];
	_ =	sdelay $0x3  }
0x106: {  	v0 =	vadd.f32 $1.000000000e+00, v0;
	_ =	sdelay $0x1  }
0x107: {  	v0 =	vadd.f32 v1, v0;
	_ =	sdelay $0x1  }
0x108: {  	v1 =	vshrl.u32 v0, $0x1;
	v0 =	vmul.f32 $5.000000000e-01, v0  }
0x109: {  	v1 =	vsub.s32 $0x5F3759DF, v1  }
0x10a: {  	v2 =	vmul.f32 v1, v0;
	_ =	sdelay $0x1  }
0x10b: {  	v2 =	vmul.f32 v1, v2;
	_ =	sdelay $0x1  }
0x10c: {  	v2 =	vsub.f32 $1.500000000e+00, v2;
	_ =	sdelay $0x1  }
0x10d: {  	v1 =	vmul.f32 v1, v2;
	_ =	sdelay $0x1  }
0x10e: {  	s26 =	sadd.s32 $0x40, s26;
	v0 =	vmul.f32 v1, v0  }
0x10f: {  	v2 =	vld [tilespmem:s26+$0xFFFFFFF0]  }
0x110: {  	v0 =	vmul.f32 v0, v1;
	v3 =	vld [tilespmem:s26+$0x10]  }
0x111: {  	v4 =	vld [tilespmem:s26+$0x0]  }
0x112: {  	v0 =	vsub.f32 $1.500000000e+00, v0;
	v5 =	vld [tilespmem:s26+$0xFFFFFFE0];
	_ =	sdelay $0x1  }
0x113: {  	v0 =	vmul.f32 v0, v1;
	_ =	sdelay $0x1  }
0x114: {  	v1 =	vmul.f32 v0, v4;
	v3 =	vmul.f32 v0, v3  }
.Ltmp2:
0x115: {  	v4 =	vmul.f32 v0, v5;
	v0 =	vmul.f32 v0, v2;
	(pc) =	sbr.rel @p1 .LBB2_6-.Ltmp2, $4  }
0x116: {  	[tilespmem:s26+$0x10] =	vst v3  }
0x117: {  	[tilespmem:s26+$0x0] =	vst v1  }
0x118: {  	[tilespmem:s26+$0xFFFFFFF0] =	vst v0  }
0x119: {  	s10 =	sshra.s32 s28, $0x2;
	s28 =	sadd.s32 $0x40, s28;
	[tilespmem:s26+$0xFFFFFFE0] =	vst v4  }
0x11a: {  	v0 =	vld [tilespmem:s10+$0x8800];
	_ =	sdelay $0x1  }
0x11b: {  	v1 =	vld [tilespmem:s10+$0x9000];
	_ =	sdelay $0x2  }
0x11c: {  	v0 =	vadd.f32 $1.000000000e+00, v0;
	_ =	sdelay $0x1  }
0x11d: {  	v0 =	vadd.f32 v1, v0;
	_ =	sdelay $0x1  }
0x11e: {  	v1 =	vshrl.u32 v0, $0x1;
	v0 =	vmul.f32 $5.000000000e-01, v0  }
0x11f: {  	v1 =	vsub.s32 $0x5F3759DF, v1  }
0x120: {  	v2 =	vmul.f32 v1, v0;
	_ =	sdelay $0x1  }
0x121: {  	v2 =	vmul.f32 v1, v2;
	_ =	sdelay $0x1  }
0x122: {  	v2 =	vsub.f32 $1.500000000e+00, v2;
	_ =	sdelay $0x1  }
0x123: {  	v1 =	vmul.f32 v1, v2;
	_ =	sdelay $0x1  }
0x124: {  	v0 =	vmul.f32 v1, v0;
	_ =	sdelay $0x1  }
0x125: {  	s29 =	sadd.s32 $0x40, s26;
	v0 =	vmul.f32 v0, v1  }
0x126: {  	v52 =	vld [tilespmem:s29+$0x10]  }
0x127: {  	v3 =	vld [tilespmem:s29+$0x0];
	v0 =	vsub.f32 $1.500000000e+00, v0  }
0x128: {  	v4 =	vld [tilespmem:s29+$0xFFFFFFF0]  }
0x129: {  	v5 =	vld [tilespmem:s29+$0xFFFFFFE0];
	v0 =	vmul.f32 v0, v1;
	_ =	sdelay $0x1  }
0x12a: {  	v1 =	vmul.f32 v0, v52  }
0x12b: {  	v53 =	vmul.f32 v0, v3  }
0x12c: {  	v54 =	vmul.f32 v0, v4;
	[tilespmem:s29+$0x10] =	vst v1  }
0x12d: {  	v0 =	vmul.f32 v0, v5;
	[tilespmem:s29+$0x0] =	vst v53  }
0x12e: {  	[tilespmem:s29+$0xFFFFFFF0] =	vst v54  }
0x12f: {  	s26 =	rddreg [dreg:$0x1a];
	[tilespmem:s29+$0xFFFFFFE0] =	vst v0  }
0x130: {  	[spmem:s26] =	stream.linear.scatter [tilespmem:s6], [sflag:$0x7], $0x1F40, $0x38;
	[tilespmem:$0x1E440] =	vst v63  }
0x131: {  	_ =	swait.ge [sflag:s5], $0x1F40  }
0x132: {  	[sflag:s5] =	ssyncset.done $0x0  }
0x133: {  	s10 =	simm.s32 $0x0;
	s29 =	rddreg [dreg:$0xd];
	[sflag:s5] =	ssyncadd.s32 $0xFFFFE0C0  }
0x134: {  	[tilespmem:s6], [sflag:$0x1] =	stream.linear.gather [hbm4b:s29+s10], $0x1F40, $0x38;
	[tilespmem:$0x1E440] =	vst v63  }
0x135: {  	s29 =	rddreg [dreg:$0x10]  }
0x136: {  	[tilespmem:s7], [sflag:$0x4] =	stream.linear.gather [hbm4b:s29+s10], $0x7D0, $0x38;
	[tilespmem:$0x1E440] =	vst v63  }
0x137: {  	s29 =	rddreg [dreg:$0x11]  }
0x138: {  	[tilespmem:s8], [sflag:$0x4] =	stream.linear.gather [hbm4b:s29+s10], $0x7D0, $0x38;
	[tilespmem:$0x1E440] =	vst v63  }
0x139: {  	_ =	swait.ge [sflag:s13], $0x1F40  }
0x13a: {  	[sflag:s13] =	ssyncset.done $0x0  }
0x13b: {  	[sflag:s13] =	ssyncadd.s32 $0xFFFFE0C0  }
0x13c: {  	_ =	swait.ge [sflag:s14], $0x7D0  }
0x13d: {  	[sflag:s14] =	ssyncset.done $0x0  }
0x13e: {  	[sflag:s14] =	ssyncadd.s32 $0xFFFFF830  }
0x13f: {  	_ =	swait.ge [sflag:s14], $0x7D0  }
0x140: {  	[sflag:s14] =	ssyncset.done $0x0  }
0x141: {  	s29 =	simm.s32 $0x0;
	[sflag:s14] =	ssyncadd.s32 $0xFFFFF830  }
0x142: {  	v55 =	vld [tilespmem:s29+$0x9800];
	_ =	sdelay $0x1  }
0x143: {  	v56 =	vld [tilespmem:s29+$0xA000];
	_ =	sdelay $0x2  }
0x144: {  	v0 =	vadd.f32 $1.000000000e+00, v55;
	_ =	sdelay $0x1  }
0x145: {  	v0 =	vadd.f32 v56, v0;
	_ =	sdelay $0x1  }
0x146: {  	v1 =	vshrl.u32 v0, $0x1;
	v0 =	vmul.f32 $5.000000000e-01, v0  }
0x147: {  	v1 =	vsub.s32 $0x5F3759DF, v1  }
0x148: {  	v57 =	vmul.f32 v1, v0;
	_ =	sdelay $0x1  }
0x149: {  	v2 =	vmul.f32 v1, v57;
	_ =	sdelay $0x1  }
0x14a: {  	v2 =	vsub.f32 $1.500000000e+00, v2;
	_ =	sdelay $0x1  }
0x14b: {  	v1 =	vmul.f32 v1, v2;
	_ =	sdelay $0x1  }
0x14c: {  	v0 =	vmul.f32 v1, v0;
	_ =	sdelay $0x1  }
0x14d: {  	s26 =	simm.s32 $0x4820;
	v0 =	vmul.f32 v0, v1  }
0x14e: {  	v58 =	vld [tilespmem:s26+$0x10]  }
0x14f: {  	v59 =	vld [tilespmem:s26+$0x0];
	v0 =	vsub.f32 $1.500000000e+00, v0  }
0x150: {  	v60 =	vld [tilespmem:s26+$0xFFFFFFF0]  }
0x151: {  	v61 =	vld [tilespmem:s26+$0xFFFFFFE0];
	v0 =	vmul.f32 v0, v1;
	_ =	sdelay $0x1  }
0x152: {  	v1 =	vmul.f32 v0, v58  }
0x153: {  	v62 =	vmul.f32 v0, v59  }
0x154: {  	v63 =	vmul.f32 v0, v60;
	[tilespmem:s26+$0x10] =	vst v1  }
0x155: {  	v0 =	vmul.f32 v0, v61;
	[tilespmem:s26+$0x0] =	vst v62  }
0x156: {  	[tilespmem:s26+$0xFFFFFFF0] =	vst v63  }
0x157: {  	s28 =	simm.s32 $0x80;
	s10 =	simm.s32 $0x10;
	[tilespmem:s26+$0xFFFFFFE0] =	vst v0  }
.LBB2_8:
0x158: {  	p1 =	sne.s32 s28, $0x1F00;
	v0 =	vld [tilespmem:s10+$0x9800]  }
0x159: {  	v1 =	vld [tilespmem:s10+$0xA000];
	_ =	sdelay $0x3  }
0x15a: {  	v0 =	vadd.f32 $1.000000000e+00, v0;
	_ =	sdelay $0x1  }
0x15b: {  	v0 =	vadd.f32 v1, v0;
	_ =	sdelay $0x1  }
0x15c: {  	v1 =	vshrl.u32 v0, $0x1;
	v0 =	vmul.f32 $5.000000000e-01, v0  }
0x15d: {  	v1 =	vsub.s32 $0x5F3759DF, v1  }
0x15e: {  	v2 =	vmul.f32 v1, v0;
	_ =	sdelay $0x1  }
0x15f: {  	v2 =	vmul.f32 v1, v2;
	_ =	sdelay $0x1  }
0x160: {  	v2 =	vsub.f32 $1.500000000e+00, v2;
	_ =	sdelay $0x1  }
0x161: {  	v1 =	vmul.f32 v1, v2;
	_ =	sdelay $0x1  }
0x162: {  	s26 =	sadd.s32 $0x40, s26;
	v0 =	vmul.f32 v1, v0  }
0x163: {  	v2 =	vld [tilespmem:s26+$0xFFFFFFF0]  }
0x164: {  	v0 =	vmul.f32 v0, v1;
	v3 =	vld [tilespmem:s26+$0x10]  }
0x165: {  	v4 =	vld [tilespmem:s26+$0x0]  }
0x166: {  	v0 =	vsub.f32 $1.500000000e+00, v0;
	v5 =	vld [tilespmem:s26+$0xFFFFFFE0];
	_ =	sdelay $0x1  }
0x167: {  	v0 =	vmul.f32 v0, v1;
	_ =	sdelay $0x1  }
0x168: {  	v1 =	vmul.f32 v0, v4;
	v3 =	vmul.f32 v0, v3  }
.Ltmp3:
0x169: {  	v4 =	vmul.f32 v0, v5;
	v0 =	vmul.f32 v0, v2;
	(pc) =	sbr.rel @p1 .LBB2_8-.Ltmp3, $4  }
0x16a: {  	[tilespmem:s26+$0x10] =	vst v3  }
0x16b: {  	[tilespmem:s26+$0x0] =	vst v1  }
0x16c: {  	[tilespmem:s26+$0xFFFFFFF0] =	vst v0  }
0x16d: {  	s10 =	sshra.s32 s28, $0x2;
	s28 =	sadd.s32 $0x40, s28;
	[tilespmem:s26+$0xFFFFFFE0] =	vst v4  }
0x16e: {  	v0 =	vld [tilespmem:s10+$0x9800];
	_ =	sdelay $0x1  }
0x16f: {  	v1 =	vld [tilespmem:s10+$0xA000];
	_ =	sdelay $0x2  }
0x170: {  	v0 =	vadd.f32 $1.000000000e+00, v0;
	_ =	sdelay $0x1  }
0x171: {  	v0 =	vadd.f32 v1, v0;
	_ =	sdelay $0x1  }
0x172: {  	v1 =	vshrl.u32 v0, $0x1;
	v0 =	vmul.f32 $5.000000000e-01, v0  }
0x173: {  	v1 =	vsub.s32 $0x5F3759DF, v1  }
0x174: {  	v2 =	vmul.f32 v1, v0;
	_ =	sdelay $0x1  }
0x175: {  	v2 =	vmul.f32 v1, v2;
	_ =	sdelay $0x1  }
0x176: {  	v2 =	vsub.f32 $1.500000000e+00, v2;
	_ =	sdelay $0x1  }
0x177: {  	v1 =	vmul.f32 v1, v2;
	_ =	sdelay $0x1  }
0x178: {  	v0 =	vmul.f32 v1, v0;
	_ =	sdelay $0x1  }
0x179: {  	s26 =	sadd.s32 $0x40, s26;
	v0 =	vmul.f32 v0, v1  }
0x17a: {  	v52 =	vld [tilespmem:s26+$0x10]  }
0x17b: {  	v3 =	vld [tilespmem:s26+$0x0];
	v0 =	vsub.f32 $1.500000000e+00, v0  }
0x17c: {  	v4 =	vld [tilespmem:s26+$0xFFFFFFF0]  }
0x17d: {  	v5 =	vld [tilespmem:s26+$0xFFFFFFE0];
	v0 =	vmul.f32 v0, v1;
	_ =	sdelay $0x1  }
0x17e: {  	v1 =	vmul.f32 v0, v52  }
0x17f: {  	v53 =	vmul.f32 v0, v3  }
0x180: {  	v54 =	vmul.f32 v0, v4;
	[tilespmem:s26+$0x10] =	vst v1  }
0x181: {  	v0 =	vmul.f32 v0, v5;
	[tilespmem:s26+$0x0] =	vst v53  }
0x182: {  	[tilespmem:s26+$0xFFFFFFF0] =	vst v54  }
0x183: {  	[tilespmem:s26+$0xFFFFFFE0] =	vst v0  }
0x184: {  	[spmem:s30] =	stream.linear.scatter [tilespmem:s9], [sflag:$0x7], $0x1F40, $0x38;
	[tilespmem:$0x1E440] =	vst v63  }
0x185: {  	_ =	swait.ge [sflag:s5], $0x1F40  }
0x186: {  	[sflag:s5] =	ssyncset.done $0x0  }
0x187: {  	[sflag:s5] =	ssyncadd.s32 $0xFFFFE0C0  }
0x188: {  	_ =	swait.ge [sflag:s3], $0x1F40  }
0x189: {  	[sflag:s3] =	ssyncset.done $0x0  }
0x18a: {  	[sflag:s3] =	ssyncadd.s32 $0xFFFFE0C0  }
0x18b: {  	_ =	swait.ge [sflag:s12], $0x7D0  }
0x18c: {  	[sflag:s12] =	ssyncset.done $0x0  }
0x18d: {  	[sflag:s12] =	ssyncadd.s32 $0xFFFFF830  }
0x18e: {  	_ =	swait.ge [sflag:s12], $0x7D0  }
0x18f: {  	[sflag:s12] =	ssyncset.done $0x0  }
0x190: {  	s29 =	simm.s32 $0x0;
	[sflag:s12] =	ssyncadd.s32 $0xFFFFF830  }
0x191: {  	v55 =	vld [tilespmem:s29+$0x8800];
	_ =	sdelay $0x1  }
0x192: {  	v56 =	vld [tilespmem:s29+$0x9000];
	_ =	sdelay $0x2  }
0x193: {  	v0 =	vadd.f32 $1.000000000e+00, v55;
	_ =	sdelay $0x1  }
0x194: {  	v0 =	vadd.f32 v56, v0;
	_ =	sdelay $0x1  }
0x195: {  	v1 =	vshrl.u32 v0, $0x1;
	v0 =	vmul.f32 $5.000000000e-01, v0  }
0x196: {  	v1 =	vsub.s32 $0x5F3759DF, v1  }
0x197: {  	v57 =	vmul.f32 v1, v0;
	_ =	sdelay $0x1  }
0x198: {  	v2 =	vmul.f32 v1, v57;
	_ =	sdelay $0x1  }
0x199: {  	v2 =	vsub.f32 $1.500000000e+00, v2;
	_ =	sdelay $0x1  }
0x19a: {  	v1 =	vmul.f32 v1, v2;
	_ =	sdelay $0x1  }
0x19b: {  	v0 =	vmul.f32 v1, v0;
	_ =	sdelay $0x1  }
0x19c: {  	s26 =	simm.s32 $0x2820;
	v0 =	vmul.f32 v0, v1  }
0x19d: {  	v58 =	vld [tilespmem:s26+$0x10]  }
0x19e: {  	v59 =	vld [tilespmem:s26+$0x0];
	v0 =	vsub.f32 $1.500000000e+00, v0  }
0x19f: {  	v60 =	vld [tilespmem:s26+$0xFFFFFFF0]  }
0x1a0: {  	v61 =	vld [tilespmem:s26+$0xFFFFFFE0];
	v0 =	vmul.f32 v0, v1;
	_ =	sdelay $0x1  }
0x1a1: {  	v1 =	vmul.f32 v0, v58  }
0x1a2: {  	v62 =	vmul.f32 v0, v59  }
0x1a3: {  	v63 =	vmul.f32 v0, v60;
	[tilespmem:s26+$0x10] =	vst v1  }
0x1a4: {  	v0 =	vmul.f32 v0, v61;
	[tilespmem:s26+$0x0] =	vst v62  }
0x1a5: {  	[tilespmem:s26+$0xFFFFFFF0] =	vst v63  }
0x1a6: {  	s10 =	simm.s32 $0x10;
	s28 =	simm.s32 $0x80;
	[tilespmem:s26+$0xFFFFFFE0] =	vst v0  }
.LBB2_10:
0x1a7: {  	p1 =	sne.s32 s28, $0x1F00;
	v0 =	vld [tilespmem:s10+$0x8800]  }
0x1a8: {  	v1 =	vld [tilespmem:s10+$0x9000];
	_ =	sdelay $0x3  }
0x1a9: {  	v0 =	vadd.f32 $1.000000000e+00, v0;
	_ =	sdelay $0x1  }
0x1aa: {  	v0 =	vadd.f32 v1, v0;
	_ =	sdelay $0x1  }
0x1ab: {  	v1 =	vshrl.u32 v0, $0x1;
	v0 =	vmul.f32 $5.000000000e-01, v0  }
0x1ac: {  	v1 =	vsub.s32 $0x5F3759DF, v1  }
0x1ad: {  	v2 =	vmul.f32 v1, v0;
	_ =	sdelay $0x1  }
0x1ae: {  	v2 =	vmul.f32 v1, v2;
	_ =	sdelay $0x1  }
0x1af: {  	v2 =	vsub.f32 $1.500000000e+00, v2;
	_ =	sdelay $0x1  }
0x1b0: {  	v1 =	vmul.f32 v1, v2;
	_ =	sdelay $0x1  }
0x1b1: {  	s26 =	sadd.s32 $0x40, s26;
	v0 =	vmul.f32 v1, v0  }
0x1b2: {  	v2 =	vld [tilespmem:s26+$0xFFFFFFF0]  }
0x1b3: {  	v0 =	vmul.f32 v0, v1;
	v3 =	vld [tilespmem:s26+$0x10]  }
0x1b4: {  	v4 =	vld [tilespmem:s26+$0x0]  }
0x1b5: {  	v0 =	vsub.f32 $1.500000000e+00, v0;
	v5 =	vld [tilespmem:s26+$0xFFFFFFE0];
	_ =	sdelay $0x1  }
0x1b6: {  	v0 =	vmul.f32 v0, v1;
	_ =	sdelay $0x1  }
0x1b7: {  	v1 =	vmul.f32 v0, v4;
	v3 =	vmul.f32 v0, v3  }
.Ltmp4:
0x1b8: {  	v4 =	vmul.f32 v0, v5;
	v0 =	vmul.f32 v0, v2;
	(pc) =	sbr.rel @p1 .LBB2_10-.Ltmp4, $4  }
0x1b9: {  	[tilespmem:s26+$0x10] =	vst v3  }
0x1ba: {  	[tilespmem:s26+$0x0] =	vst v1  }
0x1bb: {  	[tilespmem:s26+$0xFFFFFFF0] =	vst v0  }
0x1bc: {  	s10 =	sshra.s32 s28, $0x2;
	s28 =	sadd.s32 $0x40, s28;
	[tilespmem:s26+$0xFFFFFFE0] =	vst v4  }
0x1bd: {  	v0 =	vld [tilespmem:s10+$0x8800];
	_ =	sdelay $0x1  }
0x1be: {  	v1 =	vld [tilespmem:s10+$0x9000];
	_ =	sdelay $0x2  }
0x1bf: {  	v0 =	vadd.f32 $1.000000000e+00, v0;
	_ =	sdelay $0x1  }
0x1c0: {  	v0 =	vadd.f32 v1, v0;
	_ =	sdelay $0x1  }
0x1c1: {  	v1 =	vshrl.u32 v0, $0x1;
	v0 =	vmul.f32 $5.000000000e-01, v0  }
0x1c2: {  	v1 =	vsub.s32 $0x5F3759DF, v1  }
0x1c3: {  	v2 =	vmul.f32 v1, v0;
	_ =	sdelay $0x1  }
0x1c4: {  	v2 =	vmul.f32 v1, v2;
	_ =	sdelay $0x1  }
0x1c5: {  	v2 =	vsub.f32 $1.500000000e+00, v2;
	_ =	sdelay $0x1  }
0x1c6: {  	v1 =	vmul.f32 v1, v2;
	_ =	sdelay $0x1  }
0x1c7: {  	v0 =	vmul.f32 v1, v0;
	_ =	sdelay $0x1  }
0x1c8: {  	s29 =	sadd.s32 $0x40, s26;
	v0 =	vmul.f32 v0, v1  }
0x1c9: {  	v61 =	vld [tilespmem:s29+$0x10]  }
0x1ca: {  	v3 =	vld [tilespmem:s29+$0x0];
	v0 =	vsub.f32 $1.500000000e+00, v0  }
0x1cb: {  	v4 =	vld [tilespmem:s29+$0xFFFFFFF0]  }
0x1cc: {  	v5 =	vld [tilespmem:s29+$0xFFFFFFE0];
	v0 =	vmul.f32 v0, v1;
	_ =	sdelay $0x1  }
0x1cd: {  	v1 =	vmul.f32 v0, v61  }
0x1ce: {  	v62 =	vmul.f32 v0, v3  }
0x1cf: {  	v63 =	vmul.f32 v0, v4;
	[tilespmem:s29+$0x10] =	vst v1  }
0x1d0: {  	v0 =	vmul.f32 v0, v5;
	[tilespmem:s29+$0x0] =	vst v62  }
0x1d1: {  	[tilespmem:s29+$0xFFFFFFF0] =	vst v63  }
0x1d2: {  	[tilespmem:s29+$0xFFFFFFE0] =	vst v0  }
0x1d3: {  	[spmem:s31] =	stream.linear.scatter [tilespmem:s6], [sflag:$0x7], $0x1F40, $0x38;
	[tilespmem:$0x1E440] =	vst v63  }
0x1d4: {  	_ =	swait.ge [sflag:s5], $0x1F40  }
0x1d5: {  	[sflag:s5] =	ssyncset.done $0x0  }
0x1d6: {  	s26 =	rddreg [dreg:$0x12];
	[sflag:s5] =	ssyncadd.s32 $0xFFFFE0C0  }
0x1d7: {  	[tilespmem:s15], [sflag:$0x7] =	stream.linear.gather [hbm4b:s26+s15], $0x1380, $0x38;
	[tilespmem:$0x1E440] =	vst v63  }
0x1d8: {  	_ =	swait.ge [sflag:s5], $0x1380  }
0x1d9: {  	[sflag:s5] =	ssyncset.done $0x0  }
0x1da: {  	s29 =	sor.u32 $0x10, s0;
	s28 =	rddreg [dreg:$0x13];
	[sflag:s5] =	ssyncadd.s32 $0xFFFFEC80  }
0x1db: {  	[tilespmem:s2], [sflag:$0x7] =	stream.linear.gather [hbm4b:s28+s15], $0x1380, $0x38;
	[tilespmem:$0x1E440] =	vst v63  }
0x1dc: {  	p1 =	seq.s32 s29, $0x10;
	_ =	swait.ge [sflag:s5], $0x1380  }
0x1dd: {  	s10 =	simm.s32 @p1 $0x0;
	[sflag:s5] =	ssyncset.done $0x0  }
0x1de: {  	s26 =	simm.s32 @p1 $0x1380;
	s28 =	rddreg [dreg:$0x14];
	[sflag:s5] =	ssyncadd.s32 $0xFFFFEC80  }
0x1df: {  	[tilespmem:s26], [sflag:$0x7] =	stream.linear.gather @p1 [hbm4b:s28+s10], $0x80, $0x38;
	[tilespmem:$0x1E440] =	vst v63  }
0x1e0: {  	s26 =	simm.s32 @p1 $0x7  }
0x1e1: {  	_ =	swait.ge @p1 [sflag:s26], $0x80  }
0x1e2: {  	[sflag:s26] =	ssyncset.done @p1 $0x0  }
0x1e3: {  	s28 =	simm.s32 @p1 $0x2780;
	s29 =	rddreg [dreg:$0x15];
	[sflag:s26] =	ssyncadd.s32 @p1 $0xFFFFFF80  }
0x1e4: {  	[tilespmem:s28], [sflag:$0x7] =	stream.linear.gather @p1 [hbm4b:s29+s10], $0x80, $0x38;
	[tilespmem:$0x1E440] =	vst v63  }
0x1e5: {  	_ =	swait.ge @p1 [sflag:s26], $0x80  }
0x1e6: {  	[sflag:s26] =	ssyncset.done @p1 $0x0  }
0x1e7: {  	[sflag:s26] =	ssyncadd.s32 @p1 $0xFFFFFF80  }
0x1e8: {  	s26 =	simm.s32 $0x0;
	[bflag:$0x0] =	sbarrier.arrive $0xFFFF  }
0x1e9: {  	[tilespmem:s6], [sflag:$0x1] =	stream.indirect.gather [spmem:s21], $0x40, s26, s17, $0xb8;
	[tilespmem:$0x1E440] =	vst v63  }
0x1ea: {  	_ = 	snop  }
0x1eb: {  	[tilespmem:s9], [sflag:$0x2] =	stream.indirect.gather [spmem:s21], $0x40, s17, s17, $0xb8;
	[tilespmem:$0x1E440] =	vst v63  }
0x1ec: {  	s28 =	simm.s32 $0x100  }
0x1ed: {  	[tilespmem:s19], [sflag:$0x3] =	stream.indirect.gather [spmem:s21], $0x40, s28, s17, $0xb8;
	[tilespmem:$0x1E440] =	vst v63  }
0x1ee: {  	_ =	swait.ge [sflag:s3], $0x2000  }
0x1ef: {  	[sflag:s3] =	ssyncset.done $0x0  }
0x1f0: {  	[sflag:s3] =	ssyncadd.s32 $0xFFFFE000  }
0x1f1: {  	[spmem:s16] =	stream.indirect.scatter.add.f32 [tilespmem:s6], [sflag:$0x4], $0x40, s2, s17, $0xb8;
	[tilespmem:$0x1E440] =	vst v63  }
0x1f2: {  	_ =	swait.ge [sflag:s13], $0x2000  }
0x1f3: {  	[sflag:s13] =	ssyncset.done $0x0  }
0x1f4: {  	s29 =	simm.s32 $0x1480;
	[sflag:s13] =	ssyncadd.s32 $0xFFFFE000  }
0x1f5: {  	[spmem:s16] =	stream.indirect.scatter.add.f32 [tilespmem:s9], [sflag:$0x5], $0x40, s29, s17, $0xb8;
	[tilespmem:$0x1E440] =	vst v63  }
0x1f6: {  	_ =	swait.ge [sflag:s20], $0x2000  }
0x1f7: {  	[sflag:s20] =	ssyncset.done $0x0  }
0x1f8: {  	s26 =	simm.s32 $0x1500;
	[sflag:s20] =	ssyncadd.s32 $0xFFFFE000  }
0x1f9: {  	[spmem:s16] =	stream.indirect.scatter.add.f32 [tilespmem:s19], [sflag:$0x6], $0x40, s26, s17, $0xb8;
	[tilespmem:$0x1E440] =	vst v63  }
0x1fa: {  	_ =	swait.ge [sflag:s12], $0x2000  }
0x1fb: {  	[sflag:s12] =	ssyncset.done $0x0  }
0x1fc: {  	s28 =	simm.s32 $0x180;
	[sflag:s12] =	ssyncadd.s32 $0xFFFFE000  }
0x1fd: {  	[tilespmem:s6], [sflag:$0x1] =	stream.indirect.gather [spmem:s21], $0x40, s28, s17, $0xb8;
	[tilespmem:$0x1E440] =	vst v63  }
0x1fe: {  	_ =	swait.ge [sflag:s14], $0x2000  }
0x1ff: {  	[sflag:s14] =	ssyncset.done $0x0  }
0x200: {  	s29 =	simm.s32 $0x200;
	[sflag:s14] =	ssyncadd.s32 $0xFFFFE000  }
0x201: {  	[tilespmem:s9], [sflag:$0x2] =	stream.indirect.gather [spmem:s21], $0x40, s29, s17, $0xb8;
	[tilespmem:$0x1E440] =	vst v63  }
0x202: {  	_ =	swait.ge [sflag:s22], $0x2000  }
0x203: {  	[sflag:s22] =	ssyncset.done $0x0  }
0x204: {  	s26 =	simm.s32 $0x280;
	[sflag:s22] =	ssyncadd.s32 $0xFFFFE000  }
0x205: {  	[tilespmem:s19], [sflag:$0x3] =	stream.indirect.gather [spmem:s21], $0x40, s26, s17, $0xb8;
	[tilespmem:$0x1E440] =	vst v63  }
0x206: {  	_ =	swait.ge [sflag:s3], $0x2000  }
0x207: {  	[sflag:s3] =	ssyncset.done $0x0  }
0x208: {  	s28 =	simm.s32 $0x1580;
	[sflag:s3] =	ssyncadd.s32 $0xFFFFE000  }
0x209: {  	[spmem:s16] =	stream.indirect.scatter.add.f32 [tilespmem:s6], [sflag:$0x4], $0x40, s28, s17, $0xb8;
	[tilespmem:$0x1E440] =	vst v63  }
0x20a: {  	_ =	swait.ge [sflag:s13], $0x2000  }
0x20b: {  	[sflag:s13] =	ssyncset.done $0x0  }
0x20c: {  	s29 =	simm.s32 $0x1600;
	[sflag:s13] =	ssyncadd.s32 $0xFFFFE000  }
0x20d: {  	[spmem:s16] =	stream.indirect.scatter.add.f32 [tilespmem:s9], [sflag:$0x5], $0x40, s29, s17, $0xb8;
	[tilespmem:$0x1E440] =	vst v63  }
0x20e: {  	_ =	swait.ge [sflag:s20], $0x2000  }
0x20f: {  	[sflag:s20] =	ssyncset.done $0x0  }
0x210: {  	s10 =	simm.s32 $0x1680;
	s26 =	simm.s32 $0x600;
	[sflag:s20] =	ssyncadd.s32 $0xFFFFE000  }
.LBB2_12:
0x211: {  	[spmem:s16] =	stream.indirect.scatter.add.f32 [tilespmem:s19], [sflag:$0x6], $0x40, s10, s17, $0xb8;
	[tilespmem:$0x1E440] =	vst v63  }
0x212: {  	s10 =	smov.u32 s26  }
0x213: {  	p1 =	sne.s32 s26, $0x4200;
	s26 =	sadd.s32 $0x600, s26;
	_ =	swait.ge [sflag:s12], $0x2000  }
0x214: {  	s10 =	sshra.s32 s10, $0x2;
	[sflag:s12] =	ssyncset.done $0x0  }
0x215: {  	s28 =	sadd.s32 $0x180, s10;
	[sflag:s12] =	ssyncadd.s32 $0xFFFFE000  }
0x216: {  	[tilespmem:s6], [sflag:$0x1] =	stream.indirect.gather [spmem:s21], $0x40, s28, s17, $0xb8;
	[tilespmem:$0x1E440] =	vst v63  }
0x217: {  	_ =	swait.ge [sflag:s14], $0x2000  }
0x218: {  	[sflag:s14] =	ssyncset.done $0x0  }
0x219: {  	s28 =	sadd.s32 $0x200, s10;
	[sflag:s14] =	ssyncadd.s32 $0xFFFFE000  }
0x21a: {  	[tilespmem:s9], [sflag:$0x2] =	stream.indirect.gather [spmem:s21], $0x40, s28, s17, $0xb8;
	[tilespmem:$0x1E440] =	vst v63  }
0x21b: {  	_ =	swait.ge [sflag:s22], $0x2000  }
0x21c: {  	[sflag:s22] =	ssyncset.done $0x0  }
0x21d: {  	s28 =	sadd.s32 $0x280, s10;
	[sflag:s22] =	ssyncadd.s32 $0xFFFFE000  }
0x21e: {  	[tilespmem:s19], [sflag:$0x3] =	stream.indirect.gather [spmem:s21], $0x40, s28, s17, $0xb8;
	[tilespmem:$0x1E440] =	vst v63  }
0x21f: {  	_ =	swait.ge [sflag:s3], $0x2000  }
0x220: {  	[sflag:s3] =	ssyncset.done $0x0  }
0x221: {  	s28 =	sadd.s32 $0x1580, s10;
	[sflag:s3] =	ssyncadd.s32 $0xFFFFE000  }
0x222: {  	[spmem:s16] =	stream.indirect.scatter.add.f32 [tilespmem:s6], [sflag:$0x4], $0x40, s28, s17, $0xb8;
	[tilespmem:$0x1E440] =	vst v63  }
0x223: {  	_ =	swait.ge [sflag:s13], $0x2000  }
0x224: {  	[sflag:s13] =	ssyncset.done $0x0  }
.Ltmp5:
0x225: {  	s28 =	sadd.s32 $0x1600, s10;
	[sflag:s13] =	ssyncadd.s32 $0xFFFFE000;
	(pc) =	sbr.rel @p1 .LBB2_12-.Ltmp5, $4  }
0x226: {  	[spmem:s16] =	stream.indirect.scatter.add.f32 [tilespmem:s9], [sflag:$0x5], $0x40, s28, s17, $0xb8;
	[tilespmem:$0x1E440] =	vst v63  }
0x227: {  	_ =	swait.ge [sflag:s20], $0x2000  }
0x228: {  	[sflag:s20] =	ssyncset.done $0x0  }
0x229: {  	s10 =	sadd.s32 $0x1680, s10;
	[sflag:s20] =	ssyncadd.s32 $0xFFFFE000  }
0x22a: {  	[spmem:s16] =	stream.indirect.scatter.add.f32 [tilespmem:s19], [sflag:$0x6], $0x40, s10, s17, $0xb8;
	[tilespmem:$0x1E440] =	vst v63  }
0x22b: {  	_ =	swait.ge [sflag:s12], $0x2000  }
0x22c: {  	[sflag:s12] =	ssyncset.done $0x0  }
0x22d: {  	[sflag:s12] =	ssyncadd.s32 $0xFFFFE000  }
0x22e: {  	_ =	swait.ge [sflag:s14], $0x2000  }
0x22f: {  	[sflag:s14] =	ssyncset.done $0x0  }
0x230: {  	[sflag:s14] =	ssyncadd.s32 $0xFFFFE000  }
0x231: {  	_ =	swait.ge [sflag:s22], $0x2000  }
0x232: {  	s10 =	simm.s32 @!p0 $0x80;
	[sflag:s22] =	ssyncset.done $0x0  }
0x233: {  	s26 =	simm.s32 @!p0 $0x1380;
	s28 =	simm.s32 @!p0 $0x2800;
	[sflag:s22] =	ssyncadd.s32 $0xFFFFE000  }
0x234: {  	[tilespmem:s28], [sflag:$0x1] =	stream.indirect.gather @!p0 [spmem:s21], $0x40, s26, s10, $0xb8;
	[tilespmem:$0x1E440] =	vst v63  }
0x235: {  	s26 =	simm.s32 @!p0 $0x1  }
0x236: {  	_ =	swait.ge @!p0 [sflag:s26], $0x2000  }
0x237: {  	[sflag:s26] =	ssyncset.done @!p0 $0x0  }
0x238: {  	[sflag:s26] =	ssyncadd.s32 @!p0 $0xFFFFE000;
	s26 =	simm.s32 @!p0 $0x2780  }
0x239: {  	[spmem:s16] =	stream.indirect.scatter.add.f32 @!p0 [tilespmem:s28], [sflag:$0x4], $0x40, s26, s10, $0xb8;
	[tilespmem:$0x1E440] =	vst v63  }
0x23a: {  	s10 =	simm.s32 @!p0 $0x4  }
0x23b: {  	_ =	swait.ge @!p0 [sflag:s10], $0x2000  }
0x23c: {  	s23 =	sadd.s32 $0x1, s23;
	[sflag:s10] =	ssyncset.done @!p0 $0x0  }
0x23d: {  	p1 =	sne.s32 s23, s1;
	[sflag:s10] =	ssyncadd.s32 @!p0 $0xFFFFE000  }
.Ltmp6:
0x23e: {  	[bflag:$0x0] =	sbarrier.arrive $0xFFFF;
	(pc) =	sbr.rel @p1 .LBB2_1-.Ltmp6, $4  }
0x23f: {  	[hbm:s18], [sflag:s25] =	dma.local [spmem:s24], $0x1400  }
0x240: {  	_ =	swait.ge [sflag:s5], $0x1400  }
0x241: {  	[sflag:s5] =	ssyncset.done $0x0  }
0x242: {  	s29 =	simm.s32 $0x9800;
	[sflag:s5] =	ssyncadd.s32 $0xFFFFEC00  }
0x243: {  	_ =	sfence.sel $0x180000  }
0x244: {  	[bflag:$0x0] =	sbarrier.arrive $0xFFFF  }
0x245: {  	_ =	strace $0x9000004A  }
0x246: {  	[bflag:$0x2] =	sbarrier.arrive $0xFFFF  }
0x247: {  	s0 =	rddreg [dreg:$0x4]  }
0x248: {  	s0 =	sadd.s32 @!p0 $0x100000, s0  }
0x249: {  	[sflag:s0] =	ssyncadd.tile.s32 @!p0 $0x1;
	_ =	shalt  }
.Lfunc_end2:
_tile_overlayer_lowered:
.L_overlay_start_2:
0x24a: {  	(tag) =	ssettag $0x2  }
0x24b: {  	s0 =	rddreg [dreg:$0x0];
	s2 =	stileid.u32  }
0x24c: {  	s1 =	rddreg [dreg:$0x1];
	p0 =	sne.s32 s2, $0x0  }
0x24d: {  	s3 =	rddreg [dreg:$0x2];
	[bflag:$0x3] =	sbarrier.arrive $0xFFFF;
	s2 =	simm.s32 @!p0 $0x1C07  }
0x24e: {  	[timem:s3], [sflag:s2] =	dma.local @!p0 [hbm:s0], s1  }
0x24f: {  	s0 =	simm.s32 @!p0 $0x7  }
0x250: {  	_ =	swait.ge @!p0 [sflag:s0], s1  }
0x251: {  	s1 =	ssub.s32 @!p0 $0x0, s1;
	[sflag:s0] =	ssyncset.done @!p0 $0x0  }
0x252: {  	[sflag:s0] =	ssyncadd.s32 @!p0 s1  }
0x253: {  	[bflag:$0x3] =	sbarrier.arrive $0xFFFF  }
0x254: {  	_ =	shalt  }

// kernel: kernel.7.cloned.1.call-start
scs
__scs_entry_jumppad:
0x0: {  	(pc) =	sbr.rel $0x88, $3  }
0x1: {  	(tag) =	ssettag $0x0;
	lr =	simm.s32 $0x1  }
0x2: {  	[smem:$0x3F9D] =	sst lr;
	_ =	strace $0xD0000000  }
0x3: {  	_ = 	snop  }
0x4: {  	_ = 	snop  }
0x5: {  	_ = 	snop  }
0x6: {  	_ = 	snop  }
0x7: {  	_ = 	snop  }
__scs_overlays_trampoline_lowered:
0x8: {  	[smem:$0x3FAC] =	sst s0  }
0x9: {  	[smem:$0x3FAD] =	sst s1  }
0xa: {  	[smem:$0x3FAE] =	sst s2  }
0xb: {  	[smem:$0x3FAF] =	sst s3  }
0xc: {  	[smem:$0x3FB0] =	sst s4  }
0xd: {  	[smem:$0x3FB1] =	sst s5  }
0xe: {  	[smem:$0x3FB2] =	sst s6  }
0xf: {  	[smem:$0x3FB3] =	sst s7  }
0x10: {  	[smem:$0x3FB4] =	sst s8  }
0x11: {  	[smem:$0x3FB5] =	sst s9;
	s0 =	simm.s32 @!p0 $0x0  }
0x12: {  	s1 =	sld [smem:$0x3F9B];
	s0 =	simm.s32 @p0 $0x1  }
0x13: {  	[smem:$0x3FB6] =	sst s0;
	s0 =	simm.s32 @!p1 $0x0  }
0x14: {  	s2 =	sld [smem:$0x3F9A];
	s0 =	simm.s32 @p1 $0x1  }
0x15: {  	[smem:$0x3FB7] =	sst s0;
	s0 =	simm.s32 @!p2 $0x0  }
0x16: {  	s3 =	sld [smem:$0x3FDB];
	s0 =	simm.s32 @p2 $0x1  }
0x17: {  	s4 =	simm.s32 $0x1BF5;
	[smem:$0x3FB9] =	sst s0  }
0x18: {  	s0 =	sld [smem:$0x3F9C];
	_ =	swait.ge [sflag:s4], $0x0  }
0x19: {  	s7 =	sld [smem:$0x3F9D]  }
0x1a: {  	s8 =	sadd.s32 $0xFFFFE003, lr  }
0x1b: {  	s9 =	sadd.s32 $0xFFFFFEF7, lr;
	s5 =	simm.s32 $0xFFFFFFFF;
	p2 =	slt.u32 s8, $0xFFFFF086  }
0x1c: {  	p1 =	slt.u32 s9, $0xF7A;
	s5 =	simm.s32 @!p2 $0x0  }
0x1d: {  	s5 =	simm.s32 @p1 $0x1;
	p0 =	seq.s32 s7, s2  }
0x1e: {  	s7 =	smul.u32 @!p0 $0xF7A, s2;
	p2 =	seq.s32 @!p0 s5, $0x0  }
0x1f: {  	s9 =	smul.u32 $0xF7A, s1;
	s8 =	simm.s32 @!p0 $0x1BF5;
	p2 =	por !p2, p0  }
0x20: {  	[sflag:s8] =	ssyncset.s32 @!p0 $0xFFFFF086;
	s6 =	sadd.s32 @!p0 s3, s7;
	s7 =	simm.s32 @!p0 $0x108  }
0x21: {  	s3 =	sadd.s32 s3, s9;
	s6 =	sadd.s32 @!p0 $0x88, s6;
	s7 =	simm.s32 @p2 $0x1082  }
0x22: {  	[simem:s7], [sflag:s8] =	dma.local @!p0 [hbm:s6], $0xF7A  }
0x23: {  	s9 =	sor.u32 $0xD0000000, s2;
	s6 =	simm.s32 $0x108;
	_ =	swait.ge @!p0 [sflag:s8], $0x0  }
0x24: {  	s3 =	sadd.s32 $0x88, s3;
	s6 =	simm.s32 @!p1 $0x1082;
	[sflag:s4] =	ssyncset.s32 $0xFFFFF086  }
0x25: {  	[simem:s6], [sflag:s4] =	dma.local [hbm:s3], $0xF7A  }
0x26: {  	[smem:$0x3F9D] =	sst s1;
	(tag) =	ssettag s2;
	_ =	strace s9  }
0x27: {  	s1 =	sld [smem:$0x3FAD]  }
0x28: {  	s2 =	sld [smem:$0x3FAE]  }
0x29: {  	s4 =	sld [smem:$0x3FB0]  }
0x2a: {  	p0 =	seq.s32 s5, $0x0;
	s5 =	sld [smem:$0x3FB1]  }
0x2b: {  	s6 =	sld [smem:$0x3FB2]  }
0x2c: {  	s7 =	sld [smem:$0x3FB3]  }
0x2d: {  	s3 =	simm.s32 $0x108;
	s8 =	sld [smem:$0x3FB4]  }
0x2e: {  	s3 =	simm.s32 @!p0 $0x1082;
	s9 =	sld [smem:$0x3FB5]  }
0x2f: {  	lr =	sadd.s32 s0, s3;
	s0 =	sld [smem:$0x3FAC]  }
0x30: {  	s3 =	sld [smem:$0x3FAF]  }
0x31: {  	[smem:$0x3FB8] =	sst s10  }
0x32: {  	s10 =	sld [smem:$0x3FB6];
	_ =	sdelay $0x3  }
0x33: {  	p0 =	seq.s32 s10, $0x1;
	s10 =	sld [smem:$0x3FB8];
	_ =	sdelay $0x3  }
0x34: {  	[smem:$0x3FB8] =	sst s10  }
0x35: {  	s10 =	sld [smem:$0x3FB7];
	_ =	sdelay $0x3  }
0x36: {  	p1 =	seq.s32 s10, $0x1;
	s10 =	sld [smem:$0x3FB8];
	_ =	sdelay $0x3  }
0x37: {  	[smem:$0x3FB8] =	sst s10  }
0x38: {  	s10 =	sld [smem:$0x3FB9]  }
0x39: {  	_ = 	snop;
	(pc) =	sbr.ind lr, $3  }
0x3a: {  	_ = 	snop  }
0x3b: {  	_ = 	snop  }
0x3c: {  	p2 =	seq.s32 s10, $0x1;
	s10 =	sld [smem:$0x3FB8]  }
0x3d: {  	_ =	shalt  }
0x3e: {  	_ =	shalt  }
0x3f: {  	_ =	shalt  }
0x40: {  	_ =	shalt  }
0x41: {  	_ =	shalt  }
0x42: {  	_ =	shalt  }
0x43: {  	_ =	shalt  }
0x44: {  	_ =	shalt  }
0x45: {  	_ =	shalt  }
0x46: {  	_ =	shalt  }
0x47: {  	_ =	shalt  }
0x48: {  	_ =	shalt  }
0x49: {  	_ =	shalt  }
0x4a: {  	_ =	shalt  }
0x4b: {  	_ =	shalt  }
0x4c: {  	_ =	shalt  }
0x4d: {  	_ =	shalt  }
0x4e: {  	_ =	shalt  }
0x4f: {  	_ =	shalt  }
0x50: {  	_ =	shalt  }
0x51: {  	_ =	shalt  }
0x52: {  	_ =	shalt  }
0x53: {  	_ =	shalt  }
0x54: {  	_ =	shalt  }
0x55: {  	_ =	shalt  }
0x56: {  	_ =	shalt  }
0x57: {  	_ =	shalt  }
0x58: {  	_ =	shalt  }
0x59: {  	_ =	shalt  }
0x5a: {  	_ =	shalt  }
0x5b: {  	_ =	shalt  }
0x5c: {  	_ =	shalt  }
0x5d: {  	_ =	shalt  }
0x5e: {  	_ =	shalt  }
0x5f: {  	_ =	shalt  }
0x60: {  	_ =	shalt  }
0x61: {  	_ =	shalt  }
0x62: {  	_ =	shalt  }
0x63: {  	_ =	shalt  }
0x64: {  	_ =	shalt  }
0x65: {  	_ =	shalt  }
0x66: {  	_ =	shalt  }
0x67: {  	_ =	shalt  }
0x68: {  	_ =	shalt  }
0x69: {  	_ =	shalt  }
0x6a: {  	_ =	shalt  }
0x6b: {  	_ =	shalt  }
0x6c: {  	_ =	shalt  }
0x6d: {  	_ =	shalt  }
0x6e: {  	_ =	shalt  }
0x6f: {  	_ =	shalt  }
0x70: {  	_ =	shalt  }
0x71: {  	_ =	shalt  }
0x72: {  	_ =	shalt  }
0x73: {  	_ =	shalt  }
0x74: {  	_ =	shalt  }
0x75: {  	_ =	shalt  }
0x76: {  	_ =	shalt  }
0x77: {  	_ =	shalt  }
0x78: {  	_ =	shalt  }
0x79: {  	_ =	shalt  }
0x7a: {  	_ =	shalt  }
0x7b: {  	_ =	shalt  }
0x7c: {  	_ =	shalt  }
0x7d: {  	_ =	shalt  }
0x7e: {  	_ =	shalt  }
0x7f: {  	_ =	shalt  }
0x80: {  	_ =	shalt  }
0x81: {  	_ =	shalt  }
0x82: {  	_ =	shalt  }
0x83: {  	_ =	shalt  }
0x84: {  	_ =	shalt  }
0x85: {  	_ =	shalt  }
0x86: {  	_ =	shalt  }
0x87: {  	_ =	shalt  }
.Lfunc_end0:
.L_simem_size_0:
called_computation_lowered:
.L_overlay_start_0:
0x88: {  	s2 =	sld [smem:$0x3FD9]  }
0x89: {  	s3 =	sld [smem:$0x3FFE];
	_ =	sdelay $0x1  }
0x8a: {  	s1 =	srdreg.scid  }
0x8b: {  	s0 =	sand.u32 $0x1, s1  }
0x8c: {  	s14 =	sshll.u32 s0, $0xA;
	s2 =	sadd.s32 s3, s2  }
0x8d: {  	s2 =	sadd.s32 s2, s14  }
0x8e: {  	[smem:$0x3FC4] =	sst s2  }
0x8f: {  	_ = 	snop  }
0x90: {  	s2 =	sld [smem:$0x3FD0];
	_ =	sdelay $0x2  }
0x91: {  	s15 =	simm.s32 $0xA;
	s4 =	simm.s32 $0x10  }
0x92: {  	[smem:s4], [sflag:s15] =	dma.local [hbm:s2], $0x1  }
0x93: {  	_ =	swait.eq [sflag:s15], $0x1  }
0x94: {  	[sflag:s15] =	ssyncset.done $0x0  }
0x95: {  	[sflag:s15] =	ssyncadd.s32 $0xFFFFFFFF  }
0x96: {  	s16 =	sld [smem:$0x10];
	(tm) =	ssettm $0x1  }
0x97: {  	s17 =	sld [smem:$0x3FFB];
	_ =	sdelay $0x3  }
0x98: {  	_ =	strace s17  }
0x99: {  	s3 =	sld [smem:$0x3FFC];
	_ =	sdelay $0x3  }
0x9a: {  	_ =	strace s3  }
0x9b: {  	s3 =	sld [smem:$0x3FFD];
	_ =	sdelay $0x3  }
0x9c: {  	_ =	strace s3  }
0x9d: {  	_ =	strace $0x8FFFFFFF  }
0x9e: {  	s18 =	sld [smem:$0x3FDB];
	_ =	sdelay $0x1  }
0x9f: {  	s19 =	simm.s32 $_scs_section_size  }
0xa0: {  	s5 =	simm.s32 $_size__tile_overlayer_lowered;
	s6 =	simm.s32 $_tile_overlayer_lowered  }
0xa1: {  	s22 =	simm.s32 $0x1BFF;
	s21 =	sshll.u32 s6, $0x1;
	s3 =	sadd.s32 s19, s18  }
0xa2: {  	s7 =	simm.s32 $0x0;
	s20 =	sshll.u32 s5, $0x1;
	s5 =	sadd.s32 s21, s3  }
0xa3: {  	[timem:s7], [sflag:s22] =	dma.local [hbm:s5], s20  }
0xa4: {  	_ =	swait.ge [sflag:s22], s20  }
0xa5: {  	s4 =	ssub.s32 $0x0, s20;
	[sflag:s22] =	ssyncset.done $0x0  }
0xa6: {  	[sflag:s22] =	ssyncadd.s32 s4;
	_ =	sdelay $0x1  }
0xa7: {  	s23 =	simm.s32 $0x1B8B  }
0xa8: {  	_ =	swait.ge [sflag:s23], $0x1  }
0xa9: {  	[sflag:s23] =	ssyncset.done $0x0  }
0xaa: {  	s25 =	simm.s32 $0x1B8E;
	s24 =	sld [smem:$0x3FFE];
	[sflag:s23] =	ssyncadd.s32 $0xFFFFFFFF  }
0xab: {  	s26 =	simm.s32 $execute0_lowered;
	[smem:$0x3FD2] =	sst s25  }
0xac: {  	s5 =	sshll.u32 s26, $0x1;
	_ =	strace $0x80000046;
	[dreg:$0x1] =	wrdreg $0xFFFFFFFF  }
0xad: {  	s28 =	simm.s32 $_size_execute0_lowered;
	s3 =	sadd.s32 s3, s5;
	[dreg:$0x0] =	wrdreg $0x0  }
0xae: {  	s5 =	sshll.u32 s28, $0x1;
	[dreg:$0x2] =	wrdreg s3  }
0xaf: {  	[dreg:$0x3] =	wrdreg s5  }
0xb0: {  	[dreg:$0x4] =	wrdreg $0xC0  }
0xb1: {  	_ =	task [dreg:s7], $0x5FFFF  }
0xb2: {  	[dreg:$0x1] =	wrdreg $0xFFFFFFFF  }
0xb3: {  	[dreg:$0x0] =	wrdreg $0x60  }
0xb4: {  	[dreg:$0x2] =	wrdreg s24  }
0xb5: {  	[dreg:$0x3] =	wrdreg s16  }
0xb6: {  	[dreg:$0x4] =	wrdreg $0x1C000  }
0xb7: {  	[dreg:$0x5] =	wrdreg $0x9  }
0xb8: {  	_ =	task.clear_ibuf [dreg:s7], $0x6FFFF;
	_ =	strace $0x90000046  }
0xb9: {  	s29 =	simm.s32 $0x9;
	_ =	strace $0x80000048  }
0xba: {  	_ =	swait.ge [sflag:s29], $0x1  }
0xbb: {  	[sflag:s29] =	ssyncadd.s32 $0xFFFFFFFF  }
0xbc: {  	_ =	strace $0x90000048  }
0xbd: {  	_ =	sfence  }
0xbe: {  	s30 =	sld [smem:$0x0];
	_ =	sdelay $0x2  }
0xbf: {  	s31 =	sshll.u32 s1, $0xD;
	s1 =	sshrl.u32 s1, $0x2  }
0xc0: {  	s3 =	sand.u32 $0x4000, s31;
	s1 =	sadd.s32 s1, s30  }
0xc1: {  	s0 =	sor.u32 s3, s0;
	s1 =	sshll.u32 s1, $0x11  }
0xc2: {  	s0 =	sor.u32 s1, s0  }
0xc3: {  	s0 =	sadd.s32 $0x8F2B, s0  }
0xc4: {  	[sflag:s0] =	ssyncadd.remote.s32 $0x1  }
0xc5: {  	_ =	sfence.sel $0xFFFF  }
0xc6: {  	[dreg:$0x0] =	wrdreg $0xFFFFFFFF;
	(pc) =	sbr.abs _section_cstart, $3  }
0xc7: {  	[dreg:$0x1] =	wrdreg $0xFFFFFFFF  }
0xc8: {  	_ =	task.clear_ibuf [dreg:s7], $0x2FFFF;
	_ =	strace $0x9FFFFFFF  }
0xc9: {  	(tm) =	ssettm $0x7FFFFFFF  }
tec
execute0_lowered:
.L_overlay_start_1:
0x0: {  	(tag) =	ssettag $0x1  }
0x1: {  	s6 =	rddreg [dreg:$0x0]  }
0x2: {  	s1 =	rddreg [dreg:$0x1]  }
0x3: {  	s3 =	rddreg [dreg:$0x2]  }
0x4: {  	s0 =	rddreg [dreg:$0x3]  }
0x5: {  	s5 =	srdreg.scid;
	s2 =	stileid.u32;
	s4 =	simm.s32 $0x0  }
0x6: {  	s17 =	simm.s32 $0x0;
	s7 =	sand.u32 $0x1, s5;
	s8 =	smul.u32 $0x2800, s2  }
0x7: {  	[smem:$0x7FF] =	sst s4;
	s10 =	sadd.s32 $0x5E00, s6;
	s5 =	sadd.s32 $0xAE00, s6  }
0x8: {  	s29 =	sshll.u32 s2, $0x6;
	s9 =	smul.u32 $0x28000, s7;
	s11 =	ssub.s32 $0x2, s7  }
0x9: {  	_ =	strace $0x80000047;
	s7 =	sshll.u32 s7, $0x4;
	s12 =	sshrl.u32 s11, $0x1  }
0xa: {  	s14 =	sor.u32 s2, s7;
	s15 =	sadd.s32 s8, s3;
	s9 =	sadd.s32 s8, s9  }
0xb: {  	s12 =	ssub.s32 s11, s12;
	s7 =	smul.u32 $0x27, s14;
	p0 =	sne.s32 s14, $0x0  }
0xc: {  	s11 =	simm.s32 $0x1;
	s8 =	sor.u32 $0x1C02, s29;
	s9 =	sshrl.u32 s9, $0x3  }
0xd: {  	s31 =	sor.u32 $0x10, s14;
	s13 =	sadd.s32 s9, s6;
	s9 =	simm.s32 $0x1  }
0xe: {  	s12 =	smax.u32 s12, $0x1;
	s9 =	simm.s32 @!p0 $0x0;
	p0 =	sgt.u32 s14, $0x10  }
0xf: {  	s6 =	simm.s32 $0x1;
	s7 =	sadd.s32 s9, s7;
	s11 =	simm.s32 @!p0 $0x0  }
0x10: {  	s14 =	simm.s32 $0x2;
	p0 =	seq.s32 s2, $0x0;
	s9 =	sadd.s32 s11, s7  }
0x11: {  	s7 =	simm.s32 $0x28;
	s11 =	sadd.s32 $0xB000, s13;
	s13 =	sshrl.u32 s15, $0x3  }
0x12: {  	s15 =	simm.s32 $0x1400;
	s7 =	simm.s32 @!p0 $0x27;
	s28 =	sshll.u32 s9, $0x4  }
0x13: {  	p0 =	seq.s32 s31, $0x10;
	s30 =	sand.u32 $0x1FFFFFF0, s28;
	s16 =	sadd.s32 s28, s10  }
0x14: {  	s9 =	sadd.s32 s10, s30;
	s10 =	sadd.s32 $0x270, s16;
	s16 =	simm.s32 $0x80  }
.LBB2_1:
0x15: {  	[spmem:s13], [sflag:s8] =	dma.local [hbm:s1], $0x500  }
0x16: {  	_ =	swait.ge [sflag:s14], $0x500  }
0x17: {  	[sflag:s14] =	ssyncset.done $0x0  }
0x18: {  	[sflag:s14] =	ssyncadd.s32 $0xFFFFFB00  }
0x19: {  	[tilespmem:s4], [sflag:$0x2] =	stream.linear.gather [hbm4b:s9+s4], $0x1380, $0x38;
	[tilespmem:$0x4400] =	vst v63  }
0x1a: {  	_ =	swait.ge [sflag:s14], $0x1380  }
0x1b: {  	[sflag:s14] =	ssyncset.done $0x0  }
0x1c: {  	s18 =	simm.s32 @p0 $0x0;
	s19 =	simm.s32 @p0 $0x1380;
	[sflag:s14] =	ssyncadd.s32 $0xFFFFEC80  }
0x1d: {  	[tilespmem:s19], [sflag:$0x2] =	stream.linear.gather @p0 [hbm4b:s10+s18], $0x80, $0x38;
	[tilespmem:$0x4400] =	vst v63  }
0x1e: {  	s18 =	simm.s32 @p0 $0x2  }
0x1f: {  	_ =	swait.ge @p0 [sflag:s18], $0x80  }
0x20: {  	[sflag:s18] =	ssyncset.done @p0 $0x0  }
0x21: {  	p1 =	sne.s32 s7, $0x1;
	[sflag:s18] =	ssyncadd.s32 @p0 $0xFFFFFF80  }
0x22: {  	[tilespmem:s15], [sflag:$0x2] =	stream.linear.gather [hbm4b:s5+s4], $0x800, $0x38;
	[tilespmem:$0x4400] =	vst v63  }
.Ltmp0:
0x23: {  	_ =	swait.ge [sflag:s14], $0x800;
	(pc) =	sbr.rel @!p1 .LBB2_3-.Ltmp0, $4  }
0x24: {  	[sflag:s14] =	ssyncset.done $0x0  }
0x25: {  	[sflag:s14] =	ssyncadd.s32 $0xFFFFF800  }
0x26: {  	s19 =	simm.s32 $0x0;
	s18 =	sadd.s32 $0xFFFFFFFF, s7;
	[bflag:$0x0] =	sbarrier.arrive $0xFFFF  }
0x27: {  	[spmem:s3] =	stream.indirect.scatter.add.f32 [tilespmem:s15], [sflag:$0x1], $0x10, s4, s16, $0xb8;
	[tilespmem:$0x4400] =	vst v63  }
.LBB2_2:
0x28: {  	p2 =	sne.s32 s18, $0x1  }
.Ltmp1:
0x29: {  	_ = 	snop;
	(pc) =	sbr.rel @p2 .LBB2_2-.Ltmp1, $3  }
0x2a: {  	_ = 	snop  }
0x2b: {  	s18 =	sadd.s32 $0xFFFFFFFF, s18;
	s19 =	sadd.s32 $0x80, s19;
	_ =	sdelay $0x1  }
0x2c: {  	[spmem:s3] =	stream.indirect.scatter.add.f32 [tilespmem:s15], [sflag:$0x1], $0x10, s19, s16, $0xb8;
	[tilespmem:$0x4400] =	vst v63  }
.LBB2_3:
.Ltmp2:
0x2d: {  	(pc) =	sbr.rel @!p1 .LBB2_5-.Ltmp2, $3  }
0x2e: {  	_ =	sdelay $0x1  }
0x2f: {  	_ =	swait.ge [sflag:s6], $0x800  }
0x30: {  	s18 =	sadd.s32 $0xFFFFFFFF, s7;
	[sflag:s6] =	ssyncset.done $0x0  }
.LBB2_4:
0x31: {  	p1 =	sne.s32 s18, $0x1;
	s18 =	sadd.s32 $0xFFFFFFFF, s18;
	[sflag:s6] =	ssyncadd.s32 $0xFFFFF800  }
.Ltmp3:
0x32: {  	(pc) =	sbr.rel @p1 .LBB2_4-.Ltmp3, $3  }
0x33: {  	_ =	sdelay $0x1  }
0x34: {  	_ =	swait.ge [sflag:s6], $0x800  }
0x35: {  	[sflag:s6] =	ssyncset.done $0x0  }
.LBB2_5:
0x36: {  	s17 =	sadd.s32 $0x1, s17  }
0x37: {  	[sflag:s6] =	ssyncadd.s32 $0xFFFFF800;
	p1 =	sne.s32 s17, s12  }
.Ltmp4:
0x38: {  	[bflag:$0x0] =	sbarrier.arrive $0xFFFF;
	(pc) =	sbr.rel @p1 .LBB2_1-.Ltmp4, $4  }
0x39: {  	[hbm:s11], [sflag:s8] =	dma.local [spmem:s13], $0x500  }
0x3a: {  	_ =	swait.ge [sflag:s14], $0x500  }
0x3b: {  	[sflag:s14] =	ssyncset.done $0x0  }
0x3c: {  	[sflag:s14] =	ssyncadd.s32 $0xFFFFFB00  }
0x3d: {  	_ =	sfence.sel $0x180000  }
0x3e: {  	[bflag:$0x0] =	sbarrier.arrive $0xFFFF  }
0x3f: {  	p0 =	sne.s32 s2, $0x0;
	_ =	strace $0x90000047  }
0x40: {  	s0 =	sadd.s32 @!p0 $0x100000, s0;
	[bflag:$0x2] =	sbarrier.arrive $0xFFFF  }
0x41: {  	[sflag:s0] =	ssyncadd.tile.s32 @!p0 $0x1;
	_ =	shalt  }
.Lfunc_end2:
_tile_overlayer_lowered:
.L_overlay_start_2:
0x42: {  	(tag) =	ssettag $0x2  }
0x43: {  	s0 =	rddreg [dreg:$0x0];
	s2 =	stileid.u32  }
0x44: {  	s1 =	rddreg [dreg:$0x1];
	p0 =	sne.s32 s2, $0x0  }
0x45: {  	s3 =	rddreg [dreg:$0x2];
	[bflag:$0x3] =	sbarrier.arrive $0xFFFF;
	s2 =	simm.s32 @!p0 $0x1C02  }
0x46: {  	[timem:s3], [sflag:s2] =	dma.local @!p0 [hbm:s0], s1  }
0x47: {  	s0 =	simm.s32 @!p0 $0x2  }
0x48: {  	_ =	swait.ge @!p0 [sflag:s0], s1  }
0x49: {  	s1 =	ssub.s32 @!p0 $0x0, s1;
	[sflag:s0] =	ssyncset.done @!p0 $0x0  }
0x4a: {  	[sflag:s0] =	ssyncadd.s32 @!p0 s1  }
0x4b: {  	[bflag:$0x3] =	sbarrier.arrive $0xFFFF  }
0x4c: {  	_ =	shalt  }

</sc_bundles>
